<compile_context>
chip_gen: v7x
topology: tpu7x:2x2x1
jax: 0.10.2.dev20260603
libtpu: 0.0.44.dev20260713+nightly
codegen_flags: <defaults>
</compile_context>

<pallas_src>
import functools

import jax
import jax.numpy as jnp
from jax import lax
from jax.experimental import pallas as pl
from jax.experimental.pallas import tpu as pltpu
from jax.experimental.pallas import tpu_sc as plsc

NUM_ROWS = 4096 * 50
DIM = 128
NC = 2
NS = 16
NW = NC * NS
B_PER_W = NUM_ROWS // NW
CHUNK = 128
N_CHUNKS = B_PER_W // CHUNK
LANES = 16
NBUF = 5
LOOKAHEAD = 3
N_GROUPS = N_CHUNKS // NBUF


def _make_lookup_kernel():
    mesh = plsc.VectorSubcoreMesh(core_axis_name="c", subcore_axis_name="s")

    @functools.partial(
        pl.kernel,
        mesh=mesh,
        out_type=jax.ShapeDtypeStruct((NUM_ROWS, DIM), jnp.float32),
        scratch_types=[
            pltpu.VMEM((N_CHUNKS, CHUNK), jnp.int32),
            pltpu.VMEM((DIM,), jnp.float32),
            pltpu.VMEM((NBUF, CHUNK, DIM), jnp.float32),
            pltpu.SemaphoreType.DMA((NBUF,)),
            pltpu.SemaphoreType.DMA((NBUF,)),
        ],
    )
    def k(x_hbm, table_hbm, mask_hbm, out_hbm, idx_v, mask_v, rows_v, gsem, osem):
        wid = lax.axis_index("s") * NC + lax.axis_index("c")
        base = wid * B_PER_W
        pltpu.sync_copy(x_hbm.at[wid], idx_v)
        pltpu.sync_copy(mask_hbm, mask_v)
        m = [mask_v[pl.ds(l * LANES, LANES)] for l in range(DIM // LANES)]

        def start_gather(c, b):
            pltpu.async_copy(table_hbm.at[idx_v.at[c]], rows_v.at[b], gsem.at[b])

        def wait_gather(c, b):
            pltpu.make_async_copy(
                table_hbm.at[idx_v.at[c]], rows_v.at[b], gsem.at[b]).wait()

        def start_write(c, b):
            pltpu.async_copy(
                rows_v.at[b], out_hbm.at[pl.ds(base + c * CHUNK, CHUNK)],
                osem.at[b])

        def wait_write(c, b):
            pltpu.make_async_copy(
                rows_v.at[b], out_hbm.at[pl.ds(base + c * CHUNK, CHUNK)],
                osem.at[b]).wait()

        def multiply(b):
            buf = rows_v.at[b]

            def row_body(r, carry):
                for l in range(DIM // LANES):
                    sl = pl.ds(l * LANES, LANES)
                    buf[r, sl] = buf[r, sl] * m[l]
                return carry

            lax.fori_loop(0, CHUNK, row_body, 0)

        for c in range(LOOKAHEAD):
            start_gather(c, c % NBUF)

        for b in range(NBUF):
            c = b
            wait_gather(c, b)
            multiply(b)
            start_write(c, b)
            nc = c + LOOKAHEAD
            nb = nc % NBUF
            if nc >= NBUF:
                wait_write(nc - NBUF, nb)
            start_gather(nc, nb)

        def group_body(g, carry):
            c0 = g * NBUF
            for b in range(NBUF):
                c = c0 + b
                wait_gather(c, b)
                multiply(b)
                start_write(c, b)
                nc = c + LOOKAHEAD
                nb = (b + LOOKAHEAD) % NBUF

                @pl.when(nc < N_CHUNKS)
                def _():
                    wait_write(nc - NBUF, nb)
                    start_gather(nc, nb)

            return carry

        lax.fori_loop(1, N_GROUPS, group_body, 0)

        for b in range(NBUF):
            wait_write(N_CHUNKS - NBUF + b, b)

    return k


_lookup = _make_lookup_kernel()


@jax.jit
def kernel(x, weight, band_mask):
    x_flat = x.reshape(NW, N_CHUNKS, CHUNK).astype(jnp.int32)
    out = _lookup(x_flat, weight, band_mask)
    return out.reshape(x.shape[0], x.shape[1], DIM)

# --- scband reference (transcript-rebuilt; emitter-appended) ---
"""Pipeline reference for scband-harmonic-embedding-30571577213600 (READ-ONLY COPY).

The authoritative reference and input builder live on the scoring server;
editing this copy changes nothing except your own understanding.
"""

import math
import jax, jax.numpy as jnp
import numpy as np

NUM_EMBEDDINGS = 100000
EMBEDDING_DIM = 128


def _build_harmonic_weight(num_embeddings, embedding_dim):
    n_harmonics = embedding_dim // 2
    angles = jnp.arange(num_embeddings, dtype=jnp.float32) * (2.0 * math.pi / num_embeddings)
    harmonics = jnp.arange(1, n_harmonics + 1, dtype=jnp.float32)
    phase_matrix = angles[:, None] * harmonics[None, :]
    embedding = jnp.zeros((num_embeddings, embedding_dim), dtype=jnp.float32)
    embedding = embedding.at[:, 0::2].set(jnp.cos(phase_matrix))
    embedding = embedding.at[:, 1::2].set(jnp.sin(phase_matrix))
    embedding = embedding * (1.0 / math.sqrt(n_harmonics))
    return embedding


def setup_inputs(seed: int = 0) -> dict:
    key = jax.random.key(seed)
    k_idx, _ = jax.random.split(key)
    x = jax.random.randint(k_idx, (4096, 50), 0, NUM_EMBEDDINGS, dtype=jnp.int64 if jax.config.read('jax_enable_x64') else jnp.int32)
    weight = _build_harmonic_weight(NUM_EMBEDDINGS, EMBEDDING_DIM)
    band_mask = jnp.ones((EMBEDDING_DIM,), dtype=jnp.float32)
    return {"x": x, "weight": weight, "band_mask": band_mask}


def reference(x, weight, band_mask):
    masked_weight = weight * band_mask[None, :]
    out = jnp.take(masked_weight, x, axis=0)
    return out

if __name__ == "__main__":
    import jax
    _d = setup_inputs()
    print(jax.jit(kernel)(*tuple(_d.values())))

</pallas_src>

<mosaic_0001>
#map = affine_map<(d0, d1) -> (0, 0, 0)>
#map1 = affine_map<(d0, d1) -> (0, 0)>
#map2 = affine_map<(d0, d1) -> (0)>
module attributes {stable_mosaic.version = 14 : i64} {
  func.func @k(%arg0: i32, %arg1: i32, %arg2: memref<32x50x128xi32, #tpu.memory_space<hbm>>, %arg3: memref<100000x128xf32, #tpu.memory_space<hbm>>, %arg4: memref<128xf32, #tpu.memory_space<hbm>>, %arg5: memref<204800x128xf32, #tpu.memory_space<hbm>>, %arg6: memref<50x128xi32, #tpu.memory_space<vmem>>, %arg7: memref<128xf32, #tpu.memory_space<vmem>>, %arg8: memref<5x128x128xf32, #tpu.memory_space<vmem>>, %arg9: memref<5x!tpu.dma_semaphore, #tpu.memory_space<semaphore_mem>>, %arg10: memref<5x!tpu.dma_semaphore, #tpu.memory_space<semaphore_mem>>) attributes {dimension_semantics = [#tpu.dimension_semantics<core_parallel>, #tpu.dimension_semantics<subcore_parallel>], iteration_bounds = array<i64: 2, 16>, scalar_prefetch = 0 : i64, scratch_operands = 5 : i64, tpu.core_type = #tpu.core_type<sc_vector_subcore>, window_params = [{transform_indices = #map}, {transform_indices = #map1}, {transform_indices = #map2}, {transform_indices = #map1}]} {
    %mul3A = arith.constant 2 : i32
    %mul3A_0 = arith.muli %arg1, %mul3A : i32
    %add3A = arith.addi %mul3A_0, %arg0 : i32
    %mul3A_1 = arith.constant 6400 : i32
    %mul3A_2 = arith.muli %add3A, %mul3A_1 : i32
    "tpu.region"() ({
      %run_scoped3A = tpu.sem_alloc : memref<!tpu.dma_semaphore, #tpu.memory_space<semaphore_mem>>
      %dma_start3A_493 = arith.constant 0 : i32
      %dma_start3A_494 = arith.constant 0 : i32
      %dma_start3A_495 = tpu.memref_slice %arg2[%add3A, %dma_start3A_493, %dma_start3A_494] : memref<32x50x128xi32, #tpu.memory_space<hbm>> -> memref<1x50x128xi32, #tpu.memory_space<hbm>>
      %dma_start3A_496 = tpu.memref_squeeze %dma_start3A_495 : memref<1x50x128xi32, #tpu.memory_space<hbm>> -> memref<50x128xi32, #tpu.memory_space<hbm>>
      %dma_start3A_497 = arith.constant 0 : i32
      %dma_start3A_498 = arith.constant 0 : i32
      %dma_start3A_499 = tpu.memref_slice %arg2[%add3A, %dma_start3A_497, %dma_start3A_498] : memref<32x50x128xi32, #tpu.memory_space<hbm>> -> memref<1x50x128xi32, #tpu.memory_space<hbm>>
      %dma_start3A_500 = tpu.memref_squeeze %dma_start3A_499 : memref<1x50x128xi32, #tpu.memory_space<hbm>> -> memref<50x128xi32, #tpu.memory_space<hbm>>
      tpu.enqueue_dma source(%dma_start3A_500 : memref<50x128xi32, #tpu.memory_space<hbm>>) target(%arg6 : memref<50x128xi32, #tpu.memory_space<vmem>>) target_semaphore(%run_scoped3A : memref<!tpu.dma_semaphore, #tpu.memory_space<semaphore_mem>>)
      %dma_wait3A_501 = arith.constant 0 : i32
      %dma_wait3A_502 = arith.constant 0 : i32
      %dma_wait3A_503 = tpu.memref_slice %arg2[%add3A, %dma_wait3A_501, %dma_wait3A_502] : memref<32x50x128xi32, #tpu.memory_space<hbm>> -> memref<1x50x128xi32, #tpu.memory_space<hbm>>
      %dma_wait3A_504 = tpu.memref_squeeze %dma_wait3A_503 : memref<1x50x128xi32, #tpu.memory_space<hbm>> -> memref<50x128xi32, #tpu.memory_space<hbm>>
      %dma_wait3A_505 = arith.constant 0 : i32
      %dma_wait3A_506 = arith.constant 0 : i32
      %dma_wait3A_507 = tpu.memref_slice %arg2[%add3A, %dma_wait3A_505, %dma_wait3A_506] : memref<32x50x128xi32, #tpu.memory_space<hbm>> -> memref<1x50x128xi32, #tpu.memory_space<hbm>>
      %dma_wait3A_508 = tpu.memref_squeeze %dma_wait3A_507 : memref<1x50x128xi32, #tpu.memory_space<hbm>> -> memref<50x128xi32, #tpu.memory_space<hbm>>
      tpu.wait_dma2 semaphore(%run_scoped3A : memref<!tpu.dma_semaphore, #tpu.memory_space<semaphore_mem>>) src(%dma_wait3A_508 : memref<50x128xi32, #tpu.memory_space<hbm>>) dst(%arg6 : memref<50x128xi32, #tpu.memory_space<vmem>>)
      tpu.yield
    }) : () -> ()
    "tpu.region"() ({
      %run_scoped3A = tpu.sem_alloc : memref<!tpu.dma_semaphore, #tpu.memory_space<semaphore_mem>>
      tpu.enqueue_dma source(%arg4 : memref<128xf32, #tpu.memory_space<hbm>>) target(%arg7 : memref<128xf32, #tpu.memory_space<vmem>>) target_semaphore(%run_scoped3A : memref<!tpu.dma_semaphore, #tpu.memory_space<semaphore_mem>>)
      tpu.wait_dma2 semaphore(%run_scoped3A : memref<!tpu.dma_semaphore, #tpu.memory_space<semaphore_mem>>) src(%arg4 : memref<128xf32, #tpu.memory_space<hbm>>) dst(%arg7 : memref<128xf32, #tpu.memory_space<vmem>>)
      tpu.yield
    }) : () -> ()
    %get3A = arith.constant 0 : index
    %get3A_3 = tpu.vector_load %arg7[%get3A] {strides = array<i32>} : memref<128xf32, #tpu.memory_space<vmem>>, vector<16xf32>,
    %get3A_4 = vector.shape_cast %get3A_3 : vector<16xf32> to vector<16xf32>
    %get3A_5 = arith.constant 16 : index
    %get3A_6 = tpu.vector_load %arg7[%get3A_5] {strides = array<i32>} : memref<128xf32, #tpu.memory_space<vmem>>, vector<16xf32>,
    %get3A_7 = vector.shape_cast %get3A_6 : vector<16xf32> to vector<16xf32>
    %get3A_8 = arith.constant 32 : index
    %get3A_9 = tpu.vector_load %arg7[%get3A_8] {strides = array<i32>} : memref<128xf32, #tpu.memory_space<vmem>>, vector<16xf32>,
    %get3A_10 = vector.shape_cast %get3A_9 : vector<16xf32> to vector<16xf32>
    %get3A_11 = arith.constant 48 : index
    %get3A_12 = tpu.vector_load %arg7[%get3A_11] {strides = array<i32>} : memref<128xf32, #tpu.memory_space<vmem>>, vector<16xf32>,
    %get3A_13 = vector.shape_cast %get3A_12 : vector<16xf32> to vector<16xf32>
    %get3A_14 = arith.constant 64 : index
    %get3A_15 = tpu.vector_load %arg7[%get3A_14] {strides = array<i32>} : memref<128xf32, #tpu.memory_space<vmem>>, vector<16xf32>,
    %get3A_16 = vector.shape_cast %get3A_15 : vector<16xf32> to vector<16xf32>
    %get3A_17 = arith.constant 80 : index
    %get3A_18 = tpu.vector_load %arg7[%get3A_17] {strides = array<i32>} : memref<128xf32, #tpu.memory_space<vmem>>, vector<16xf32>,
    %get3A_19 = vector.shape_cast %get3A_18 : vector<16xf32> to vector<16xf32>
    %get3A_20 = arith.constant 96 : index
    %get3A_21 = tpu.vector_load %arg7[%get3A_20] {strides = array<i32>} : memref<128xf32, #tpu.memory_space<vmem>>, vector<16xf32>,
    %get3A_22 = vector.shape_cast %get3A_21 : vector<16xf32> to vector<16xf32>
    %get3A_23 = arith.constant 112 : index
    %get3A_24 = tpu.vector_load %arg7[%get3A_23] {strides = array<i32>} : memref<128xf32, #tpu.memory_space<vmem>>, vector<16xf32>,
    %get3A_25 = vector.shape_cast %get3A_24 : vector<16xf32> to vector<16xf32>
    %dma_start3A = arith.constant 0 : i32
    %dma_start3A_26 = arith.constant 0 : i32
    %dma_start3A_27 = arith.constant 0 : i32
    %dma_start3A_28 = arith.constant 0 : i32
    %dma_start3A_29 = arith.constant 0 : i32
    %dma_start3A_30 = tpu.memref_slice %arg8[%dma_start3A_26, %dma_start3A_28, %dma_start3A_29] : memref<5x128x128xf32, #tpu.memory_space<vmem>> -> memref<1x128x128xf32, #tpu.memory_space<vmem>>
    %dma_start3A_31 = tpu.memref_squeeze %dma_start3A_30 : memref<1x128x128xf32, #tpu.memory_space<vmem>> -> memref<128x128xf32, #tpu.memory_space<vmem>>
    %dma_start3A_32 = arith.constant 0 : i32
    %dma_start3A_33 = tpu.memref_slice %arg6[%dma_start3A, %dma_start3A_32] : memref<50x128xi32, #tpu.memory_space<vmem>> -> memref<1x128xi32, #tpu.memory_space<vmem>>
    %dma_start3A_34 = tpu.memref_squeeze %dma_start3A_33 : memref<1x128xi32, #tpu.memory_space<vmem>> -> memref<128xi32, #tpu.memory_space<vmem>>
    %dma_start3A_35 = arith.constant 0 : i32
    %dma_start3A_36 = arith.constant 0 : i32
    %dma_start3A_37 = tpu.memref_slice %arg3[%dma_start3A_35, %dma_start3A_36] : memref<100000x128xf32, #tpu.memory_space<hbm>> -> memref<100000x128xf32, #tpu.memory_space<hbm>>
    %dma_start3A_38 = tpu.memref_slice %arg9[%dma_start3A_27] : memref<5x!tpu.dma_semaphore, #tpu.memory_space<semaphore_mem>> -> memref<1x!tpu.dma_semaphore, #tpu.memory_space<semaphore_mem>>
    %dma_start3A_39 = tpu.memref_squeeze %dma_start3A_38 : memref<1x!tpu.dma_semaphore, #tpu.memory_space<semaphore_mem>> -> memref<!tpu.dma_semaphore, #tpu.memory_space<semaphore_mem>>
    tpu.enqueue_indirect_dma source(%dma_start3A_37 : memref<100000x128xf32, #tpu.memory_space<hbm>>) target(%dma_start3A_31 : memref<128x128xf32, #tpu.memory_space<vmem>>) offsets(%dma_start3A_34 : memref<128xi32, #tpu.memory_space<vmem>>) semaphore(%dma_start3A_39 : memref<!tpu.dma_semaphore, #tpu.memory_space<semaphore_mem>>)
    %dma_start3A_40 = arith.constant 1 : i32
    %dma_start3A_41 = arith.constant 1 : i32
    %dma_start3A_42 = arith.constant 1 : i32
    %dma_start3A_43 = arith.constant 0 : i32
    %dma_start3A_44 = arith.constant 0 : i32
    %dma_start3A_45 = tpu.memref_slice %arg8[%dma_start3A_41, %dma_start3A_43, %dma_start3A_44] : memref<5x128x128xf32, #tpu.memory_space<vmem>> -> memref<1x128x128xf32, #tpu.memory_space<vmem>>
    %dma_start3A_46 = tpu.memref_squeeze %dma_start3A_45 : memref<1x128x128xf32, #tpu.memory_space<vmem>> -> memref<128x128xf32, #tpu.memory_space<vmem>>
    %dma_start3A_47 = arith.constant 0 : i32
    %dma_start3A_48 = tpu.memref_slice %arg6[%dma_start3A_40, %dma_start3A_47] : memref<50x128xi32, #tpu.memory_space<vmem>> -> memref<1x128xi32, #tpu.memory_space<vmem>>
    %dma_start3A_49 = tpu.memref_squeeze %dma_start3A_48 : memref<1x128xi32, #tpu.memory_space<vmem>> -> memref<128xi32, #tpu.memory_space<vmem>>
    %dma_start3A_50 = arith.constant 0 : i32
    %dma_start3A_51 = arith.constant 0 : i32
    %dma_start3A_52 = tpu.memref_slice %arg3[%dma_start3A_50, %dma_start3A_51] : memref<100000x128xf32, #tpu.memory_space<hbm>> -> memref<100000x128xf32, #tpu.memory_space<hbm>>
    %dma_start3A_53 = tpu.memref_slice %arg9[%dma_start3A_42] : memref<5x!tpu.dma_semaphore, #tpu.memory_space<semaphore_mem>> -> memref<1x!tpu.dma_semaphore, #tpu.memory_space<semaphore_mem>>
    %dma_start3A_54 = tpu.memref_squeeze %dma_start3A_53 : memref<1x!tpu.dma_semaphore, #tpu.memory_space<semaphore_mem>> -> memref<!tpu.dma_semaphore, #tpu.memory_space<semaphore_mem>>
    tpu.enqueue_indirect_dma source(%dma_start3A_52 : memref<100000x128xf32, #tpu.memory_space<hbm>>) target(%dma_start3A_46 : memref<128x128xf32, #tpu.memory_space<vmem>>) offsets(%dma_start3A_49 : memref<128xi32, #tpu.memory_space<vmem>>) semaphore(%dma_start3A_54 : memref<!tpu.dma_semaphore, #tpu.memory_space<semaphore_mem>>)
    %dma_start3A_55 = arith.constant 2 : i32
    %dma_start3A_56 = arith.constant 2 : i32
    %dma_start3A_57 = arith.constant 2 : i32
    %dma_start3A_58 = arith.constant 0 : i32
    %dma_start3A_59 = arith.constant 0 : i32
    %dma_start3A_60 = tpu.memref_slice %arg8[%dma_start3A_56, %dma_start3A_58, %dma_start3A_59] : memref<5x128x128xf32, #tpu.memory_space<vmem>> -> memref<1x128x128xf32, #tpu.memory_space<vmem>>
    %dma_start3A_61 = tpu.memref_squeeze %dma_start3A_60 : memref<1x128x128xf32, #tpu.memory_space<vmem>> -> memref<128x128xf32, #tpu.memory_space<vmem>>
    %dma_start3A_62 = arith.constant 0 : i32
    %dma_start3A_63 = tpu.memref_slice %arg6[%dma_start3A_55, %dma_start3A_62] : memref<50x128xi32, #tpu.memory_space<vmem>> -> memref<1x128xi32, #tpu.memory_space<vmem>>
    %dma_start3A_64 = tpu.memref_squeeze %dma_start3A_63 : memref<1x128xi32, #tpu.memory_space<vmem>> -> memref<128xi32, #tpu.memory_space<vmem>>
    %dma_start3A_65 = arith.constant 0 : i32
    %dma_start3A_66 = arith.constant 0 : i32
    %dma_start3A_67 = tpu.memref_slice %arg3[%dma_start3A_65, %dma_start3A_66] : memref<100000x128xf32, #tpu.memory_space<hbm>> -> memref<100000x128xf32, #tpu.memory_space<hbm>>
    %dma_start3A_68 = tpu.memref_slice %arg9[%dma_start3A_57] : memref<5x!tpu.dma_semaphore, #tpu.memory_space<semaphore_mem>> -> memref<1x!tpu.dma_semaphore, #tpu.memory_space<semaphore_mem>>
    %dma_start3A_69 = tpu.memref_squeeze %dma_start3A_68 : memref<1x!tpu.dma_semaphore, #tpu.memory_space<semaphore_mem>> -> memref<!tpu.dma_semaphore, #tpu.memory_space<semaphore_mem>>
    tpu.enqueue_indirect_dma source(%dma_start3A_67 : memref<100000x128xf32, #tpu.memory_space<hbm>>) target(%dma_start3A_61 : memref<128x128xf32, #tpu.memory_space<vmem>>) offsets(%dma_start3A_64 : memref<128xi32, #tpu.memory_space<vmem>>) semaphore(%dma_start3A_69 : memref<!tpu.dma_semaphore, #tpu.memory_space<semaphore_mem>>)
    %dma_wait3A = arith.constant 0 : i32
    %dma_wait3A_70 = arith.constant 0 : i32
    %dma_wait3A_71 = arith.constant 0 : i32
    %dma_wait3A_72 = arith.constant 0 : i32
    %dma_wait3A_73 = arith.constant 0 : i32
    %dma_wait3A_74 = tpu.memref_slice %arg8[%dma_wait3A_70, %dma_wait3A_72, %dma_wait3A_73] : memref<5x128x128xf32, #tpu.memory_space<vmem>> -> memref<1x128x128xf32, #tpu.memory_space<vmem>>
    %dma_wait3A_75 = tpu.memref_squeeze %dma_wait3A_74 : memref<1x128x128xf32, #tpu.memory_space<vmem>> -> memref<128x128xf32, #tpu.memory_space<vmem>>
    %dma_wait3A_76 = arith.constant 0 : i32
    %dma_wait3A_77 = tpu.memref_slice %arg6[%dma_wait3A, %dma_wait3A_76] : memref<50x128xi32, #tpu.memory_space<vmem>> -> memref<1x128xi32, #tpu.memory_space<vmem>>
    %dma_wait3A_78 = tpu.memref_squeeze %dma_wait3A_77 : memref<1x128xi32, #tpu.memory_space<vmem>> -> memref<128xi32, #tpu.memory_space<vmem>>
    %dma_wait3A_79 = arith.constant 0 : i32
    %dma_wait3A_80 = arith.constant 0 : i32
    %dma_wait3A_81 = tpu.memref_slice %arg3[%dma_wait3A_79, %dma_wait3A_80] : memref<100000x128xf32, #tpu.memory_space<hbm>> -> memref<100000x128xf32, #tpu.memory_space<hbm>>
    %dma_wait3A_82 = tpu.memref_slice %arg9[%dma_wait3A_71] : memref<5x!tpu.dma_semaphore, #tpu.memory_space<semaphore_mem>> -> memref<1x!tpu.dma_semaphore, #tpu.memory_space<semaphore_mem>>
    %dma_wait3A_83 = tpu.memref_squeeze %dma_wait3A_82 : memref<1x!tpu.dma_semaphore, #tpu.memory_space<semaphore_mem>> -> memref<!tpu.dma_semaphore, #tpu.memory_space<semaphore_mem>>
    tpu.wait_indirect_dma semaphore(%dma_wait3A_83 : memref<!tpu.dma_semaphore, #tpu.memory_space<semaphore_mem>>) src(%dma_wait3A_81 : memref<100000x128xf32, #tpu.memory_space<hbm>>) dst(%dma_wait3A_75 : memref<128x128xf32, #tpu.memory_space<vmem>>)
    %scan3A = arith.constant 0 : i32
    %scan3A_84 = arith.constant 0 : i32
    %scan3A_85 = arith.constant 0 : i32
    %scan3A_86 = arith.constant 128 : i32
    %scan3A_87 = arith.addi %scan3A_85, %scan3A_86 : i32
    %scan3A_88 = arith.constant 1 : i32
    scf.for %scan3A_493 = %scan3A_85 to %scan3A_87 step %scan3A_88  : i32 {
      %get3A_494 = arith.constant 0 : i32
      %get3A_495 = arith.constant 0 : i32
      %get3A_496 = tpu.memref_slice %arg8[%scan3A_84, %get3A_494, %get3A_495] : memref<5x128x128xf32, #tpu.memory_space<vmem>> -> memref<1x128x128xf32, #tpu.memory_space<vmem>>
      %get3A_497 = tpu.memref_squeeze %get3A_496 : memref<1x128x128xf32, #tpu.memory_space<vmem>> -> memref<128x128xf32, #tpu.memory_space<vmem>>
      %get3A_498 = arith.index_cast %scan3A_493 : i32 to index
      %get3A_499 = arith.constant 0 : index
      %get3A_500 = tpu.vector_load %get3A_497[%get3A_498, %get3A_499] {strides = array<i32>} : memref<128x128xf32, #tpu.memory_space<vmem>>, vector<1x16xf32>,
      %get3A_501 = vector.shape_cast %get3A_500 : vector<1x16xf32> to vector<16xf32>
      %mul3A_502 = arith.mulf %get3A_501, %get3A_4 : vector<16xf32>
      %swap3A = arith.constant 0 : i32
      %swap3A_503 = arith.constant 0 : i32
      %swap3A_504 = tpu.memref_slice %arg8[%scan3A_84, %swap3A, %swap3A_503] : memref<5x128x128xf32, #tpu.memory_space<vmem>> -> memref<1x128x128xf32, #tpu.memory_space<vmem>>
      %swap3A_505 = tpu.memref_squeeze %swap3A_504 : memref<1x128x128xf32, #tpu.memory_space<vmem>> -> memref<128x128xf32, #tpu.memory_space<vmem>>
      %swap3A_506 = arith.index_cast %scan3A_493 : i32 to index
      %swap3A_507 = arith.constant 0 : index
      %swap3A_508 = tpu.vector_load %swap3A_505[%swap3A_506, %swap3A_507] {strides = array<i32>} : memref<128x128xf32, #tpu.memory_space<vmem>>, vector<1x16xf32>,
      %swap3A_509 = vector.shape_cast %swap3A_508 : vector<1x16xf32> to vector<16xf32>
      %swap3A_510 = vector.shape_cast %mul3A_502 : vector<16xf32> to vector<1x16xf32>
      tpu.vector_store %swap3A_505[%swap3A_506, %swap3A_507], %swap3A_510 {strides = array<i32>} : memref<128x128xf32, #tpu.memory_space<vmem>>, vector<1x16xf32>,
      %get3A_511 = arith.constant 0 : i32
      %get3A_512 = arith.constant 0 : i32
      %get3A_513 = tpu.memref_slice %arg8[%scan3A_84, %get3A_511, %get3A_512] : memref<5x128x128xf32, #tpu.memory_space<vmem>> -> memref<1x128x128xf32, #tpu.memory_space<vmem>>
      %get3A_514 = tpu.memref_squeeze %get3A_513 : memref<1x128x128xf32, #tpu.memory_space<vmem>> -> memref<128x128xf32, #tpu.memory_space<vmem>>
      %get3A_515 = arith.index_cast %scan3A_493 : i32 to index
      %get3A_516 = arith.constant 16 : index
      %get3A_517 = tpu.vector_load %get3A_514[%get3A_515, %get3A_516] {strides = array<i32>} : memref<128x128xf32, #tpu.memory_space<vmem>>, vector<1x16xf32>,
      %get3A_518 = vector.shape_cast %get3A_517 : vector<1x16xf32> to vector<16xf32>
      %mul3A_519 = arith.mulf %get3A_518, %get3A_7 : vector<16xf32>
      %swap3A_520 = arith.constant 0 : i32
      %swap3A_521 = arith.constant 0 : i32
      %swap3A_522 = tpu.memref_slice %arg8[%scan3A_84, %swap3A_520, %swap3A_521] : memref<5x128x128xf32, #tpu.memory_space<vmem>> -> memref<1x128x128xf32, #tpu.memory_space<vmem>>
      %swap3A_523 = tpu.memref_squeeze %swap3A_522 : memref<1x128x128xf32, #tpu.memory_space<vmem>> -> memref<128x128xf32, #tpu.memory_space<vmem>>
      %swap3A_524 = arith.index_cast %scan3A_493 : i32 to index
      %swap3A_525 = arith.constant 16 : index
      %swap3A_526 = tpu.vector_load %swap3A_523[%swap3A_524, %swap3A_525] {strides = array<i32>} : memref<128x128xf32, #tpu.memory_space<vmem>>, vector<1x16xf32>,
      %swap3A_527 = vector.shape_cast %swap3A_526 : vector<1x16xf32> to vector<16xf32>
      %swap3A_528 = vector.shape_cast %mul3A_519 : vector<16xf32> to vector<1x16xf32>
      tpu.vector_store %swap3A_523[%swap3A_524, %swap3A_525], %swap3A_528 {strides = array<i32>} : memref<128x128xf32, #tpu.memory_space<vmem>>, vector<1x16xf32>,
      %get3A_529 = arith.constant 0 : i32
      %get3A_530 = arith.constant 0 : i32
      %get3A_531 = tpu.memref_slice %arg8[%scan3A_84, %get3A_529, %get3A_530] : memref<5x128x128xf32, #tpu.memory_space<vmem>> -> memref<1x128x128xf32, #tpu.memory_space<vmem>>
      %get3A_532 = tpu.memref_squeeze %get3A_531 : memref<1x128x128xf32, #tpu.memory_space<vmem>> -> memref<128x128xf32, #tpu.memory_space<vmem>>
      %get3A_533 = arith.index_cast %scan3A_493 : i32 to index
      %get3A_534 = arith.constant 32 : index
      %get3A_535 = tpu.vector_load %get3A_532[%get3A_533, %get3A_534] {strides = array<i32>} : memref<128x128xf32, #tpu.memory_space<vmem>>, vector<1x16xf32>,
      %get3A_536 = vector.shape_cast %get3A_535 : vector<1x16xf32> to vector<16xf32>
      %mul3A_537 = arith.mulf %get3A_536, %get3A_10 : vector<16xf32>
      %swap3A_538 = arith.constant 0 : i32
      %swap3A_539 = arith.constant 0 : i32
      %swap3A_540 = tpu.memref_slice %arg8[%scan3A_84, %swap3A_538, %swap3A_539] : memref<5x128x128xf32, #tpu.memory_space<vmem>> -> memref<1x128x128xf32, #tpu.memory_space<vmem>>
      %swap3A_541 = tpu.memref_squeeze %swap3A_540 : memref<1x128x128xf32, #tpu.memory_space<vmem>> -> memref<128x128xf32, #tpu.memory_space<vmem>>
      %swap3A_542 = arith.index_cast %scan3A_493 : i32 to index
      %swap3A_543 = arith.constant 32 : index
      %swap3A_544 = tpu.vector_load %swap3A_541[%swap3A_542, %swap3A_543] {strides = array<i32>} : memref<128x128xf32, #tpu.memory_space<vmem>>, vector<1x16xf32>,
      %swap3A_545 = vector.shape_cast %swap3A_544 : vector<1x16xf32> to vector<16xf32>
      %swap3A_546 = vector.shape_cast %mul3A_537 : vector<16xf32> to vector<1x16xf32>
      tpu.vector_store %swap3A_541[%swap3A_542, %swap3A_543], %swap3A_546 {strides = array<i32>} : memref<128x128xf32, #tpu.memory_space<vmem>>, vector<1x16xf32>,
      %get3A_547 = arith.constant 0 : i32
      %get3A_548 = arith.constant 0 : i32
      %get3A_549 = tpu.memref_slice %arg8[%scan3A_84, %get3A_547, %get3A_548] : memref<5x128x128xf32, #tpu.memory_space<vmem>> -> memref<1x128x128xf32, #tpu.memory_space<vmem>>
      %get3A_550 = tpu.memref_squeeze %get3A_549 : memref<1x128x128xf32, #tpu.memory_space<vmem>> -> memref<128x128xf32, #tpu.memory_space<vmem>>
      %get3A_551 = arith.index_cast %scan3A_493 : i32 to index
      %get3A_552 = arith.constant 48 : index
      %get3A_553 = tpu.vector_load %get3A_550[%get3A_551, %get3A_552] {strides = array<i32>} : memref<128x128xf32, #tpu.memory_space<vmem>>, vector<1x16xf32>,
      %get3A_554 = vector.shape_cast %get3A_553 : vector<1x16xf32> to vector<16xf32>
      %mul3A_555 = arith.mulf %get3A_554, %get3A_13 : vector<16xf32>
      %swap3A_556 = arith.constant 0 : i32
      %swap3A_557 = arith.constant 0 : i32
      %swap3A_558 = tpu.memref_slice %arg8[%scan3A_84, %swap3A_556, %swap3A_557] : memref<5x128x128xf32, #tpu.memory_space<vmem>> -> memref<1x128x128xf32, #tpu.memory_space<vmem>>
      %swap3A_559 = tpu.memref_squeeze %swap3A_558 : memref<1x128x128xf32, #tpu.memory_space<vmem>> -> memref<128x128xf32, #tpu.memory_space<vmem>>
      %swap3A_560 = arith.index_cast %scan3A_493 : i32 to index
      %swap3A_561 = arith.constant 48 : index
      %swap3A_562 = tpu.vector_load %swap3A_559[%swap3A_560, %swap3A_561] {strides = array<i32>} : memref<128x128xf32, #tpu.memory_space<vmem>>, vector<1x16xf32>,
      %swap3A_563 = vector.shape_cast %swap3A_562 : vector<1x16xf32> to vector<16xf32>
      %swap3A_564 = vector.shape_cast %mul3A_555 : vector<16xf32> to vector<1x16xf32>
      tpu.vector_store %swap3A_559[%swap3A_560, %swap3A_561], %swap3A_564 {strides = array<i32>} : memref<128x128xf32, #tpu.memory_space<vmem>>, vector<1x16xf32>,
      %get3A_565 = arith.constant 0 : i32
      %get3A_566 = arith.constant 0 : i32
      %get3A_567 = tpu.memref_slice %arg8[%scan3A_84, %get3A_565, %get3A_566] : memref<5x128x128xf32, #tpu.memory_space<vmem>> -> memref<1x128x128xf32, #tpu.memory_space<vmem>>
      %get3A_568 = tpu.memref_squeeze %get3A_567 : memref<1x128x128xf32, #tpu.memory_space<vmem>> -> memref<128x128xf32, #tpu.memory_space<vmem>>
      %get3A_569 = arith.index_cast %scan3A_493 : i32 to index
      %get3A_570 = arith.constant 64 : index
      %get3A_571 = tpu.vector_load %get3A_568[%get3A_569, %get3A_570] {strides = array<i32>} : memref<128x128xf32, #tpu.memory_space<vmem>>, vector<1x16xf32>,
      %get3A_572 = vector.shape_cast %get3A_571 : vector<1x16xf32> to vector<16xf32>
      %mul3A_573 = arith.mulf %get3A_572, %get3A_16 : vector<16xf32>
      %swap3A_574 = arith.constant 0 : i32
      %swap3A_575 = arith.constant 0 : i32
      %swap3A_576 = tpu.memref_slice %arg8[%scan3A_84, %swap3A_574, %swap3A_575] : memref<5x128x128xf32, #tpu.memory_space<vmem>> -> memref<1x128x128xf32, #tpu.memory_space<vmem>>
      %swap3A_577 = tpu.memref_squeeze %swap3A_576 : memref<1x128x128xf32, #tpu.memory_space<vmem>> -> memref<128x128xf32, #tpu.memory_space<vmem>>
      %swap3A_578 = arith.index_cast %scan3A_493 : i32 to index
      %swap3A_579 = arith.constant 64 : index
      %swap3A_580 = tpu.vector_load %swap3A_577[%swap3A_578, %swap3A_579] {strides = array<i32>} : memref<128x128xf32, #tpu.memory_space<vmem>>, vector<1x16xf32>,
      %swap3A_581 = vector.shape_cast %swap3A_580 : vector<1x16xf32> to vector<16xf32>
      %swap3A_582 = vector.shape_cast %mul3A_573 : vector<16xf32> to vector<1x16xf32>
      tpu.vector_store %swap3A_577[%swap3A_578, %swap3A_579], %swap3A_582 {strides = array<i32>} : memref<128x128xf32, #tpu.memory_space<vmem>>, vector<1x16xf32>,
      %get3A_583 = arith.constant 0 : i32
      %get3A_584 = arith.constant 0 : i32
      %get3A_585 = tpu.memref_slice %arg8[%scan3A_84, %get3A_583, %get3A_584] : memref<5x128x128xf32, #tpu.memory_space<vmem>> -> memref<1x128x128xf32, #tpu.memory_space<vmem>>
      %get3A_586 = tpu.memref_squeeze %get3A_585 : memref<1x128x128xf32, #tpu.memory_space<vmem>> -> memref<128x128xf32, #tpu.memory_space<vmem>>
      %get3A_587 = arith.index_cast %scan3A_493 : i32 to index
      %get3A_588 = arith.constant 80 : index
      %get3A_589 = tpu.vector_load %get3A_586[%get3A_587, %get3A_588] {strides = array<i32>} : memref<128x128xf32, #tpu.memory_space<vmem>>, vector<1x16xf32>,
      %get3A_590 = vector.shape_cast %get3A_589 : vector<1x16xf32> to vector<16xf32>
      %mul3A_591 = arith.mulf %get3A_590, %get3A_19 : vector<16xf32>
      %swap3A_592 = arith.constant 0 : i32
      %swap3A_593 = arith.constant 0 : i32
      %swap3A_594 = tpu.memref_slice %arg8[%scan3A_84, %swap3A_592, %swap3A_593] : memref<5x128x128xf32, #tpu.memory_space<vmem>> -> memref<1x128x128xf32, #tpu.memory_space<vmem>>
      %swap3A_595 = tpu.memref_squeeze %swap3A_594 : memref<1x128x128xf32, #tpu.memory_space<vmem>> -> memref<128x128xf32, #tpu.memory_space<vmem>>
      %swap3A_596 = arith.index_cast %scan3A_493 : i32 to index
      %swap3A_597 = arith.constant 80 : index
      %swap3A_598 = tpu.vector_load %swap3A_595[%swap3A_596, %swap3A_597] {strides = array<i32>} : memref<128x128xf32, #tpu.memory_space<vmem>>, vector<1x16xf32>,
      %swap3A_599 = vector.shape_cast %swap3A_598 : vector<1x16xf32> to vector<16xf32>
      %swap3A_600 = vector.shape_cast %mul3A_591 : vector<16xf32> to vector<1x16xf32>
      tpu.vector_store %swap3A_595[%swap3A_596, %swap3A_597], %swap3A_600 {strides = array<i32>} : memref<128x128xf32, #tpu.memory_space<vmem>>, vector<1x16xf32>,
      %get3A_601 = arith.constant 0 : i32
      %get3A_602 = arith.constant 0 : i32
      %get3A_603 = tpu.memref_slice %arg8[%scan3A_84, %get3A_601, %get3A_602] : memref<5x128x128xf32, #tpu.memory_space<vmem>> -> memref<1x128x128xf32, #tpu.memory_space<vmem>>
      %get3A_604 = tpu.memref_squeeze %get3A_603 : memref<1x128x128xf32, #tpu.memory_space<vmem>> -> memref<128x128xf32, #tpu.memory_space<vmem>>
      %get3A_605 = arith.index_cast %scan3A_493 : i32 to index
      %get3A_606 = arith.constant 96 : index
      %get3A_607 = tpu.vector_load %get3A_604[%get3A_605, %get3A_606] {strides = array<i32>} : memref<128x128xf32, #tpu.memory_space<vmem>>, vector<1x16xf32>,
      %get3A_608 = vector.shape_cast %get3A_607 : vector<1x16xf32> to vector<16xf32>
      %mul3A_609 = arith.mulf %get3A_608, %get3A_22 : vector<16xf32>
      %swap3A_610 = arith.constant 0 : i32
      %swap3A_611 = arith.constant 0 : i32
      %swap3A_612 = tpu.memref_slice %arg8[%scan3A_84, %swap3A_610, %swap3A_611] : memref<5x128x128xf32, #tpu.memory_space<vmem>> -> memref<1x128x128xf32, #tpu.memory_space<vmem>>
      %swap3A_613 = tpu.memref_squeeze %swap3A_612 : memref<1x128x128xf32, #tpu.memory_space<vmem>> -> memref<128x128xf32, #tpu.memory_space<vmem>>
      %swap3A_614 = arith.index_cast %scan3A_493 : i32 to index
      %swap3A_615 = arith.constant 96 : index
      %swap3A_616 = tpu.vector_load %swap3A_613[%swap3A_614, %swap3A_615] {strides = array<i32>} : memref<128x128xf32, #tpu.memory_space<vmem>>, vector<1x16xf32>,
      %swap3A_617 = vector.shape_cast %swap3A_616 : vector<1x16xf32> to vector<16xf32>
      %swap3A_618 = vector.shape_cast %mul3A_609 : vector<16xf32> to vector<1x16xf32>
      tpu.vector_store %swap3A_613[%swap3A_614, %swap3A_615], %swap3A_618 {strides = array<i32>} : memref<128x128xf32, #tpu.memory_space<vmem>>, vector<1x16xf32>,
      %get3A_619 = arith.constant 0 : i32
      %get3A_620 = arith.constant 0 : i32
      %get3A_621 = tpu.memref_slice %arg8[%scan3A_84, %get3A_619, %get3A_620] : memref<5x128x128xf32, #tpu.memory_space<vmem>> -> memref<1x128x128xf32, #tpu.memory_space<vmem>>
      %get3A_622 = tpu.memref_squeeze %get3A_621 : memref<1x128x128xf32, #tpu.memory_space<vmem>> -> memref<128x128xf32, #tpu.memory_space<vmem>>
      %get3A_623 = arith.index_cast %scan3A_493 : i32 to index
      %get3A_624 = arith.constant 112 : index
      %get3A_625 = tpu.vector_load %get3A_622[%get3A_623, %get3A_624] {strides = array<i32>} : memref<128x128xf32, #tpu.memory_space<vmem>>, vector<1x16xf32>,
      %get3A_626 = vector.shape_cast %get3A_625 : vector<1x16xf32> to vector<16xf32>
      %mul3A_627 = arith.mulf %get3A_626, %get3A_25 : vector<16xf32>
      %swap3A_628 = arith.constant 0 : i32
      %swap3A_629 = arith.constant 0 : i32
      %swap3A_630 = tpu.memref_slice %arg8[%scan3A_84, %swap3A_628, %swap3A_629] : memref<5x128x128xf32, #tpu.memory_space<vmem>> -> memref<1x128x128xf32, #tpu.memory_space<vmem>>
      %swap3A_631 = tpu.memref_squeeze %swap3A_630 : memref<1x128x128xf32, #tpu.memory_space<vmem>> -> memref<128x128xf32, #tpu.memory_space<vmem>>
      %swap3A_632 = arith.index_cast %scan3A_493 : i32 to index
      %swap3A_633 = arith.constant 112 : index
      %swap3A_634 = tpu.vector_load %swap3A_631[%swap3A_632, %swap3A_633] {strides = array<i32>} : memref<128x128xf32, #tpu.memory_space<vmem>>, vector<1x16xf32>,
      %swap3A_635 = vector.shape_cast %swap3A_634 : vector<1x16xf32> to vector<16xf32>
      %swap3A_636 = vector.shape_cast %mul3A_627 : vector<16xf32> to vector<1x16xf32>
      tpu.vector_store %swap3A_631[%swap3A_632, %swap3A_633], %swap3A_636 {strides = array<i32>} : memref<128x128xf32, #tpu.memory_space<vmem>>, vector<1x16xf32>,
    }
    %scan3A_89 = arith.constant 128 : i32
    %add3A_90 = arith.constant 0 : i32
    %add3A_91 = arith.addi %mul3A_2, %add3A_90 : i32
    %dma_start3A_92 = arith.constant 0 : i32
    %dma_start3A_93 = arith.constant 0 : i32
    %dma_start3A_94 = arith.constant 0 : i32
    %dma_start3A_95 = arith.constant 0 : i32
    %dma_start3A_96 = tpu.memref_slice %arg8[%dma_start3A_92, %dma_start3A_94, %dma_start3A_95] : memref<5x128x128xf32, #tpu.memory_space<vmem>> -> memref<1x128x128xf32, #tpu.memory_space<vmem>>
    %dma_start3A_97 = tpu.memref_squeeze %dma_start3A_96 : memref<1x128x128xf32, #tpu.memory_space<vmem>> -> memref<128x128xf32, #tpu.memory_space<vmem>>
    %dma_start3A_98 = arith.constant 0 : i32
    %dma_start3A_99 = tpu.memref_slice %arg5[%add3A_91, %dma_start3A_98] : memref<204800x128xf32, #tpu.memory_space<hbm>> -> memref<128x128xf32, #tpu.memory_space<hbm>>
    %dma_start3A_100 = tpu.memref_slice %arg10[%dma_start3A_93] : memref<5x!tpu.dma_semaphore, #tpu.memory_space<semaphore_mem>> -> memref<1x!tpu.dma_semaphore, #tpu.memory_space<semaphore_mem>>
    %dma_start3A_101 = tpu.memref_squeeze %dma_start3A_100 : memref<1x!tpu.dma_semaphore, #tpu.memory_space<semaphore_mem>> -> memref<!tpu.dma_semaphore, #tpu.memory_space<semaphore_mem>>
    %dma_start3A_102 = arith.constant 0 : i32
    %dma_start3A_103 = tpu.memref_slice %arg5[%add3A_91, %dma_start3A_102] : memref<204800x128xf32, #tpu.memory_space<hbm>> -> memref<128x128xf32, #tpu.memory_space<hbm>>
    %dma_start3A_104 = arith.constant 0 : i32
    %dma_start3A_105 = arith.constant 0 : i32
    %dma_start3A_106 = tpu.memref_slice %arg8[%dma_start3A_92, %dma_start3A_104, %dma_start3A_105] : memref<5x128x128xf32, #tpu.memory_space<vmem>> -> memref<1x128x128xf32, #tpu.memory_space<vmem>>
    %dma_start3A_107 = tpu.memref_squeeze %dma_start3A_106 : memref<1x128x128xf32, #tpu.memory_space<vmem>> -> memref<128x128xf32, #tpu.memory_space<vmem>>
    tpu.enqueue_dma source(%dma_start3A_107 : memref<128x128xf32, #tpu.memory_space<vmem>>) target(%dma_start3A_103 : memref<128x128xf32, #tpu.memory_space<hbm>>) target_semaphore(%dma_start3A_101 : memref<!tpu.dma_semaphore, #tpu.memory_space<semaphore_mem>>)
    %dma_start3A_108 = arith.constant 3 : i32
    %dma_start3A_109 = arith.constant 3 : i32
    %dma_start3A_110 = arith.constant 3 : i32
    %dma_start3A_111 = arith.constant 0 : i32
    %dma_start3A_112 = arith.constant 0 : i32
    %dma_start3A_113 = tpu.memref_slice %arg8[%dma_start3A_109, %dma_start3A_111, %dma_start3A_112] : memref<5x128x128xf32, #tpu.memory_space<vmem>> -> memref<1x128x128xf32, #tpu.memory_space<vmem>>
    %dma_start3A_114 = tpu.memref_squeeze %dma_start3A_113 : memref<1x128x128xf32, #tpu.memory_space<vmem>> -> memref<128x128xf32, #tpu.memory_space<vmem>>
    %dma_start3A_115 = arith.constant 0 : i32
    %dma_start3A_116 = tpu.memref_slice %arg6[%dma_start3A_108, %dma_start3A_115] : memref<50x128xi32, #tpu.memory_space<vmem>> -> memref<1x128xi32, #tpu.memory_space<vmem>>
    %dma_start3A_117 = tpu.memref_squeeze %dma_start3A_116 : memref<1x128xi32, #tpu.memory_space<vmem>> -> memref<128xi32, #tpu.memory_space<vmem>>
    %dma_start3A_118 = arith.constant 0 : i32
    %dma_start3A_119 = arith.constant 0 : i32
    %dma_start3A_120 = tpu.memref_slice %arg3[%dma_start3A_118, %dma_start3A_119] : memref<100000x128xf32, #tpu.memory_space<hbm>> -> memref<100000x128xf32, #tpu.memory_space<hbm>>
    %dma_start3A_121 = tpu.memref_slice %arg9[%dma_start3A_110] : memref<5x!tpu.dma_semaphore, #tpu.memory_space<semaphore_mem>> -> memref<1x!tpu.dma_semaphore, #tpu.memory_space<semaphore_mem>>
    %dma_start3A_122 = tpu.memref_squeeze %dma_start3A_121 : memref<1x!tpu.dma_semaphore, #tpu.memory_space<semaphore_mem>> -> memref<!tpu.dma_semaphore, #tpu.memory_space<semaphore_mem>>
    tpu.enqueue_indirect_dma source(%dma_start3A_120 : memref<100000x128xf32, #tpu.memory_space<hbm>>) target(%dma_start3A_114 : memref<128x128xf32, #tpu.memory_space<vmem>>) offsets(%dma_start3A_117 : memref<128xi32, #tpu.memory_space<vmem>>) semaphore(%dma_start3A_122 : memref<!tpu.dma_semaphore, #tpu.memory_space<semaphore_mem>>)
    %dma_wait3A_123 = arith.constant 1 : i32
    %dma_wait3A_124 = arith.constant 1 : i32
    %dma_wait3A_125 = arith.constant 1 : i32
    %dma_wait3A_126 = arith.constant 0 : i32
    %dma_wait3A_127 = arith.constant 0 : i32
    %dma_wait3A_128 = tpu.memref_slice %arg8[%dma_wait3A_124, %dma_wait3A_126, %dma_wait3A_127] : memref<5x128x128xf32, #tpu.memory_space<vmem>> -> memref<1x128x128xf32, #tpu.memory_space<vmem>>
    %dma_wait3A_129 = tpu.memref_squeeze %dma_wait3A_128 : memref<1x128x128xf32, #tpu.memory_space<vmem>> -> memref<128x128xf32, #tpu.memory_space<vmem>>
    %dma_wait3A_130 = arith.constant 0 : i32
    %dma_wait3A_131 = tpu.memref_slice %arg6[%dma_wait3A_123, %dma_wait3A_130] : memref<50x128xi32, #tpu.memory_space<vmem>> -> memref<1x128xi32, #tpu.memory_space<vmem>>
    %dma_wait3A_132 = tpu.memref_squeeze %dma_wait3A_131 : memref<1x128xi32, #tpu.memory_space<vmem>> -> memref<128xi32, #tpu.memory_space<vmem>>
    %dma_wait3A_133 = arith.constant 0 : i32
    %dma_wait3A_134 = arith.constant 0 : i32
    %dma_wait3A_135 = tpu.memref_slice %arg3[%dma_wait3A_133, %dma_wait3A_134] : memref<100000x128xf32, #tpu.memory_space<hbm>> -> memref<100000x128xf32, #tpu.memory_space<hbm>>
    %dma_wait3A_136 = tpu.memref_slice %arg9[%dma_wait3A_125] : memref<5x!tpu.dma_semaphore, #tpu.memory_space<semaphore_mem>> -> memref<1x!tpu.dma_semaphore, #tpu.memory_space<semaphore_mem>>
    %dma_wait3A_137 = tpu.memref_squeeze %dma_wait3A_136 : memref<1x!tpu.dma_semaphore, #tpu.memory_space<semaphore_mem>> -> memref<!tpu.dma_semaphore, #tpu.memory_space<semaphore_mem>>
    tpu.wait_indirect_dma semaphore(%dma_wait3A_137 : memref<!tpu.dma_semaphore, #tpu.memory_space<semaphore_mem>>) src(%dma_wait3A_135 : memref<100000x128xf32, #tpu.memory_space<hbm>>) dst(%dma_wait3A_129 : memref<128x128xf32, #tpu.memory_space<vmem>>)
    %scan3A_138 = arith.constant 0 : i32
    %scan3A_139 = arith.constant 1 : i32
    %scan3A_140 = arith.constant 0 : i32
    %scan3A_141 = arith.constant 128 : i32
    %scan3A_142 = arith.addi %scan3A_140, %scan3A_141 : i32
    %scan3A_143 = arith.constant 1 : i32
    scf.for %scan3A_493 = %scan3A_140 to %scan3A_142 step %scan3A_143  : i32 {
      %get3A_494 = arith.constant 0 : i32
      %get3A_495 = arith.constant 0 : i32
      %get3A_496 = tpu.memref_slice %arg8[%scan3A_139, %get3A_494, %get3A_495] : memref<5x128x128xf32, #tpu.memory_space<vmem>> -> memref<1x128x128xf32, #tpu.memory_space<vmem>>
      %get3A_497 = tpu.memref_squeeze %get3A_496 : memref<1x128x128xf32, #tpu.memory_space<vmem>> -> memref<128x128xf32, #tpu.memory_space<vmem>>
      %get3A_498 = arith.index_cast %scan3A_493 : i32 to index
      %get3A_499 = arith.constant 0 : index
      %get3A_500 = tpu.vector_load %get3A_497[%get3A_498, %get3A_499] {strides = array<i32>} : memref<128x128xf32, #tpu.memory_space<vmem>>, vector<1x16xf32>,
      %get3A_501 = vector.shape_cast %get3A_500 : vector<1x16xf32> to vector<16xf32>
      %mul3A_502 = arith.mulf %get3A_501, %get3A_4 : vector<16xf32>
      %swap3A = arith.constant 0 : i32
      %swap3A_503 = arith.constant 0 : i32
      %swap3A_504 = tpu.memref_slice %arg8[%scan3A_139, %swap3A, %swap3A_503] : memref<5x128x128xf32, #tpu.memory_space<vmem>> -> memref<1x128x128xf32, #tpu.memory_space<vmem>>
      %swap3A_505 = tpu.memref_squeeze %swap3A_504 : memref<1x128x128xf32, #tpu.memory_space<vmem>> -> memref<128x128xf32, #tpu.memory_space<vmem>>
      %swap3A_506 = arith.index_cast %scan3A_493 : i32 to index
      %swap3A_507 = arith.constant 0 : index
      %swap3A_508 = tpu.vector_load %swap3A_505[%swap3A_506, %swap3A_507] {strides = array<i32>} : memref<128x128xf32, #tpu.memory_space<vmem>>, vector<1x16xf32>,
      %swap3A_509 = vector.shape_cast %swap3A_508 : vector<1x16xf32> to vector<16xf32>
      %swap3A_510 = vector.shape_cast %mul3A_502 : vector<16xf32> to vector<1x16xf32>
      tpu.vector_store %swap3A_505[%swap3A_506, %swap3A_507], %swap3A_510 {strides = array<i32>} : memref<128x128xf32, #tpu.memory_space<vmem>>, vector<1x16xf32>,
      %get3A_511 = arith.constant 0 : i32
      %get3A_512 = arith.constant 0 : i32
      %get3A_513 = tpu.memref_slice %arg8[%scan3A_139, %get3A_511, %get3A_512] : memref<5x128x128xf32, #tpu.memory_space<vmem>> -> memref<1x128x128xf32, #tpu.memory_space<vmem>>
      %get3A_514 = tpu.memref_squeeze %get3A_513 : memref<1x128x128xf32, #tpu.memory_space<vmem>> -> memref<128x128xf32, #tpu.memory_space<vmem>>
      %get3A_515 = arith.index_cast %scan3A_493 : i32 to index
      %get3A_516 = arith.constant 16 : index
      %get3A_517 = tpu.vector_load %get3A_514[%get3A_515, %get3A_516] {strides = array<i32>} : memref<128x128xf32, #tpu.memory_space<vmem>>, vector<1x16xf32>,
      %get3A_518 = vector.shape_cast %get3A_517 : vector<1x16xf32> to vector<16xf32>
      %mul3A_519 = arith.mulf %get3A_518, %get3A_7 : vector<16xf32>
      %swap3A_520 = arith.constant 0 : i32
      %swap3A_521 = arith.constant 0 : i32
      %swap3A_522 = tpu.memref_slice %arg8[%scan3A_139, %swap3A_520, %swap3A_521] : memref<5x128x128xf32, #tpu.memory_space<vmem>> -> memref<1x128x128xf32, #tpu.memory_space<vmem>>
      %swap3A_523 = tpu.memref_squeeze %swap3A_522 : memref<1x128x128xf32, #tpu.memory_space<vmem>> -> memref<128x128xf32, #tpu.memory_space<vmem>>
      %swap3A_524 = arith.index_cast %scan3A_493 : i32 to index
      %swap3A_525 = arith.constant 16 : index
      %swap3A_526 = tpu.vector_load %swap3A_523[%swap3A_524, %swap3A_525] {strides = array<i32>} : memref<128x128xf32, #tpu.memory_space<vmem>>, vector<1x16xf32>,
      %swap3A_527 = vector.shape_cast %swap3A_526 : vector<1x16xf32> to vector<16xf32>
      %swap3A_528 = vector.shape_cast %mul3A_519 : vector<16xf32> to vector<1x16xf32>
      tpu.vector_store %swap3A_523[%swap3A_524, %swap3A_525], %swap3A_528 {strides = array<i32>} : memref<128x128xf32, #tpu.memory_space<vmem>>, vector<1x16xf32>,
      %get3A_529 = arith.constant 0 : i32
      %get3A_530 = arith.constant 0 : i32
      %get3A_531 = tpu.memref_slice %arg8[%scan3A_139, %get3A_529, %get3A_530] : memref<5x128x128xf32, #tpu.memory_space<vmem>> -> memref<1x128x128xf32, #tpu.memory_space<vmem>>
      %get3A_532 = tpu.memref_squeeze %get3A_531 : memref<1x128x128xf32, #tpu.memory_space<vmem>> -> memref<128x128xf32, #tpu.memory_space<vmem>>
      %get3A_533 = arith.index_cast %scan3A_493 : i32 to index
      %get3A_534 = arith.constant 32 : index
      %get3A_535 = tpu.vector_load %get3A_532[%get3A_533, %get3A_534] {strides = array<i32>} : memref<128x128xf32, #tpu.memory_space<vmem>>, vector<1x16xf32>,
      %get3A_536 = vector.shape_cast %get3A_535 : vector<1x16xf32> to vector<16xf32>
      %mul3A_537 = arith.mulf %get3A_536, %get3A_10 : vector<16xf32>
      %swap3A_538 = arith.constant 0 : i32
      %swap3A_539 = arith.constant 0 : i32
      %swap3A_540 = tpu.memref_slice %arg8[%scan3A_139, %swap3A_538, %swap3A_539] : memref<5x128x128xf32, #tpu.memory_space<vmem>> -> memref<1x128x128xf32, #tpu.memory_space<vmem>>
      %swap3A_541 = tpu.memref_squeeze %swap3A_540 : memref<1x128x128xf32, #tpu.memory_space<vmem>> -> memref<128x128xf32, #tpu.memory_space<vmem>>
      %swap3A_542 = arith.index_cast %scan3A_493 : i32 to index
      %swap3A_543 = arith.constant 32 : index
      %swap3A_544 = tpu.vector_load %swap3A_541[%swap3A_542, %swap3A_543] {strides = array<i32>} : memref<128x128xf32, #tpu.memory_space<vmem>>, vector<1x16xf32>,
      %swap3A_545 = vector.shape_cast %swap3A_544 : vector<1x16xf32> to vector<16xf32>
      %swap3A_546 = vector.shape_cast %mul3A_537 : vector<16xf32> to vector<1x16xf32>
      tpu.vector_store %swap3A_541[%swap3A_542, %swap3A_543], %swap3A_546 {strides = array<i32>} : memref<128x128xf32, #tpu.memory_space<vmem>>, vector<1x16xf32>,
      %get3A_547 = arith.constant 0 : i32
      %get3A_548 = arith.constant 0 : i32
      %get3A_549 = tpu.memref_slice %arg8[%scan3A_139, %get3A_547, %get3A_548] : memref<5x128x128xf32, #tpu.memory_space<vmem>> -> memref<1x128x128xf32, #tpu.memory_space<vmem>>
      %get3A_550 = tpu.memref_squeeze %get3A_549 : memref<1x128x128xf32, #tpu.memory_space<vmem>> -> memref<128x128xf32, #tpu.memory_space<vmem>>
      %get3A_551 = arith.index_cast %scan3A_493 : i32 to index
      %get3A_552 = arith.constant 48 : index
      %get3A_553 = tpu.vector_load %get3A_550[%get3A_551, %get3A_552] {strides = array<i32>} : memref<128x128xf32, #tpu.memory_space<vmem>>, vector<1x16xf32>,
      %get3A_554 = vector.shape_cast %get3A_553 : vector<1x16xf32> to vector<16xf32>
      %mul3A_555 = arith.mulf %get3A_554, %get3A_13 : vector<16xf32>
      %swap3A_556 = arith.constant 0 : i32
      %swap3A_557 = arith.constant 0 : i32
      %swap3A_558 = tpu.memref_slice %arg8[%scan3A_139, %swap3A_556, %swap3A_557] : memref<5x128x128xf32, #tpu.memory_space<vmem>> -> memref<1x128x128xf32, #tpu.memory_space<vmem>>
      %swap3A_559 = tpu.memref_squeeze %swap3A_558 : memref<1x128x128xf32, #tpu.memory_space<vmem>> -> memref<128x128xf32, #tpu.memory_space<vmem>>
      %swap3A_560 = arith.index_cast %scan3A_493 : i32 to index
      %swap3A_561 = arith.constant 48 : index
      %swap3A_562 = tpu.vector_load %swap3A_559[%swap3A_560, %swap3A_561] {strides = array<i32>} : memref<128x128xf32, #tpu.memory_space<vmem>>, vector<1x16xf32>,
      %swap3A_563 = vector.shape_cast %swap3A_562 : vector<1x16xf32> to vector<16xf32>
      %swap3A_564 = vector.shape_cast %mul3A_555 : vector<16xf32> to vector<1x16xf32>
      tpu.vector_store %swap3A_559[%swap3A_560, %swap3A_561], %swap3A_564 {strides = array<i32>} : memref<128x128xf32, #tpu.memory_space<vmem>>, vector<1x16xf32>,
      %get3A_565 = arith.constant 0 : i32
      %get3A_566 = arith.constant 0 : i32
      %get3A_567 = tpu.memref_slice %arg8[%scan3A_139, %get3A_565, %get3A_566] : memref<5x128x128xf32, #tpu.memory_space<vmem>> -> memref<1x128x128xf32, #tpu.memory_space<vmem>>
      %get3A_568 = tpu.memref_squeeze %get3A_567 : memref<1x128x128xf32, #tpu.memory_space<vmem>> -> memref<128x128xf32, #tpu.memory_space<vmem>>
      %get3A_569 = arith.index_cast %scan3A_493 : i32 to index
      %get3A_570 = arith.constant 64 : index
      %get3A_571 = tpu.vector_load %get3A_568[%get3A_569, %get3A_570] {strides = array<i32>} : memref<128x128xf32, #tpu.memory_space<vmem>>, vector<1x16xf32>,
      %get3A_572 = vector.shape_cast %get3A_571 : vector<1x16xf32> to vector<16xf32>
      %mul3A_573 = arith.mulf %get3A_572, %get3A_16 : vector<16xf32>
      %swap3A_574 = arith.constant 0 : i32
      %swap3A_575 = arith.constant 0 : i32
      %swap3A_576 = tpu.memref_slice %arg8[%scan3A_139, %swap3A_574, %swap3A_575] : memref<5x128x128xf32, #tpu.memory_space<vmem>> -> memref<1x128x128xf32, #tpu.memory_space<vmem>>
      %swap3A_577 = tpu.memref_squeeze %swap3A_576 : memref<1x128x128xf32, #tpu.memory_space<vmem>> -> memref<128x128xf32, #tpu.memory_space<vmem>>
      %swap3A_578 = arith.index_cast %scan3A_493 : i32 to index
      %swap3A_579 = arith.constant 64 : index
      %swap3A_580 = tpu.vector_load %swap3A_577[%swap3A_578, %swap3A_579] {strides = array<i32>} : memref<128x128xf32, #tpu.memory_space<vmem>>, vector<1x16xf32>,
      %swap3A_581 = vector.shape_cast %swap3A_580 : vector<1x16xf32> to vector<16xf32>
      %swap3A_582 = vector.shape_cast %mul3A_573 : vector<16xf32> to vector<1x16xf32>
      tpu.vector_store %swap3A_577[%swap3A_578, %swap3A_579], %swap3A_582 {strides = array<i32>} : memref<128x128xf32, #tpu.memory_space<vmem>>, vector<1x16xf32>,
      %get3A_583 = arith.constant 0 : i32
      %get3A_584 = arith.constant 0 : i32
      %get3A_585 = tpu.memref_slice %arg8[%scan3A_139, %get3A_583, %get3A_584] : memref<5x128x128xf32, #tpu.memory_space<vmem>> -> memref<1x128x128xf32, #tpu.memory_space<vmem>>
      %get3A_586 = tpu.memref_squeeze %get3A_585 : memref<1x128x128xf32, #tpu.memory_space<vmem>> -> memref<128x128xf32, #tpu.memory_space<vmem>>
      %get3A_587 = arith.index_cast %scan3A_493 : i32 to index
      %get3A_588 = arith.constant 80 : index
      %get3A_589 = tpu.vector_load %get3A_586[%get3A_587, %get3A_588] {strides = array<i32>} : memref<128x128xf32, #tpu.memory_space<vmem>>, vector<1x16xf32>,
      %get3A_590 = vector.shape_cast %get3A_589 : vector<1x16xf32> to vector<16xf32>
      %mul3A_591 = arith.mulf %get3A_590, %get3A_19 : vector<16xf32>
      %swap3A_592 = arith.constant 0 : i32
      %swap3A_593 = arith.constant 0 : i32
      %swap3A_594 = tpu.memref_slice %arg8[%scan3A_139, %swap3A_592, %swap3A_593] : memref<5x128x128xf32, #tpu.memory_space<vmem>> -> memref<1x128x128xf32, #tpu.memory_space<vmem>>
      %swap3A_595 = tpu.memref_squeeze %swap3A_594 : memref<1x128x128xf32, #tpu.memory_space<vmem>> -> memref<128x128xf32, #tpu.memory_space<vmem>>
      %swap3A_596 = arith.index_cast %scan3A_493 : i32 to index
      %swap3A_597 = arith.constant 80 : index
      %swap3A_598 = tpu.vector_load %swap3A_595[%swap3A_596, %swap3A_597] {strides = array<i32>} : memref<128x128xf32, #tpu.memory_space<vmem>>, vector<1x16xf32>,
      %swap3A_599 = vector.shape_cast %swap3A_598 : vector<1x16xf32> to vector<16xf32>
      %swap3A_600 = vector.shape_cast %mul3A_591 : vector<16xf32> to vector<1x16xf32>
      tpu.vector_store %swap3A_595[%swap3A_596, %swap3A_597], %swap3A_600 {strides = array<i32>} : memref<128x128xf32, #tpu.memory_space<vmem>>, vector<1x16xf32>,
      %get3A_601 = arith.constant 0 : i32
      %get3A_602 = arith.constant 0 : i32
      %get3A_603 = tpu.memref_slice %arg8[%scan3A_139, %get3A_601, %get3A_602] : memref<5x128x128xf32, #tpu.memory_space<vmem>> -> memref<1x128x128xf32, #tpu.memory_space<vmem>>
      %get3A_604 = tpu.memref_squeeze %get3A_603 : memref<1x128x128xf32, #tpu.memory_space<vmem>> -> memref<128x128xf32, #tpu.memory_space<vmem>>
      %get3A_605 = arith.index_cast %scan3A_493 : i32 to index
      %get3A_606 = arith.constant 96 : index
      %get3A_607 = tpu.vector_load %get3A_604[%get3A_605, %get3A_606] {strides = array<i32>} : memref<128x128xf32, #tpu.memory_space<vmem>>, vector<1x16xf32>,
      %get3A_608 = vector.shape_cast %get3A_607 : vector<1x16xf32> to vector<16xf32>
      %mul3A_609 = arith.mulf %get3A_608, %get3A_22 : vector<16xf32>
      %swap3A_610 = arith.constant 0 : i32
      %swap3A_611 = arith.constant 0 : i32
      %swap3A_612 = tpu.memref_slice %arg8[%scan3A_139, %swap3A_610, %swap3A_611] : memref<5x128x128xf32, #tpu.memory_space<vmem>> -> memref<1x128x128xf32, #tpu.memory_space<vmem>>
      %swap3A_613 = tpu.memref_squeeze %swap3A_612 : memref<1x128x128xf32, #tpu.memory_space<vmem>> -> memref<128x128xf32, #tpu.memory_space<vmem>>
      %swap3A_614 = arith.index_cast %scan3A_493 : i32 to index
      %swap3A_615 = arith.constant 96 : index
      %swap3A_616 = tpu.vector_load %swap3A_613[%swap3A_614, %swap3A_615] {strides = array<i32>} : memref<128x128xf32, #tpu.memory_space<vmem>>, vector<1x16xf32>,
      %swap3A_617 = vector.shape_cast %swap3A_616 : vector<1x16xf32> to vector<16xf32>
      %swap3A_618 = vector.shape_cast %mul3A_609 : vector<16xf32> to vector<1x16xf32>
      tpu.vector_store %swap3A_613[%swap3A_614, %swap3A_615], %swap3A_618 {strides = array<i32>} : memref<128x128xf32, #tpu.memory_space<vmem>>, vector<1x16xf32>,
      %get3A_619 = arith.constant 0 : i32
      %get3A_620 = arith.constant 0 : i32
      %get3A_621 = tpu.memref_slice %arg8[%scan3A_139, %get3A_619, %get3A_620] : memref<5x128x128xf32, #tpu.memory_space<vmem>> -> memref<1x128x128xf32, #tpu.memory_space<vmem>>
      %get3A_622 = tpu.memref_squeeze %get3A_621 : memref<1x128x128xf32, #tpu.memory_space<vmem>> -> memref<128x128xf32, #tpu.memory_space<vmem>>
      %get3A_623 = arith.index_cast %scan3A_493 : i32 to index
      %get3A_624 = arith.constant 112 : index
      %get3A_625 = tpu.vector_load %get3A_622[%get3A_623, %get3A_624] {strides = array<i32>} : memref<128x128xf32, #tpu.memory_space<vmem>>, vector<1x16xf32>,
      %get3A_626 = vector.shape_cast %get3A_625 : vector<1x16xf32> to vector<16xf32>
      %mul3A_627 = arith.mulf %get3A_626, %get3A_25 : vector<16xf32>
      %swap3A_628 = arith.constant 0 : i32
      %swap3A_629 = arith.constant 0 : i32
      %swap3A_630 = tpu.memref_slice %arg8[%scan3A_139, %swap3A_628, %swap3A_629] : memref<5x128x128xf32, #tpu.memory_space<vmem>> -> memref<1x128x128xf32, #tpu.memory_space<vmem>>
      %swap3A_631 = tpu.memref_squeeze %swap3A_630 : memref<1x128x128xf32, #tpu.memory_space<vmem>> -> memref<128x128xf32, #tpu.memory_space<vmem>>
      %swap3A_632 = arith.index_cast %scan3A_493 : i32 to index
      %swap3A_633 = arith.constant 112 : index
      %swap3A_634 = tpu.vector_load %swap3A_631[%swap3A_632, %swap3A_633] {strides = array<i32>} : memref<128x128xf32, #tpu.memory_space<vmem>>, vector<1x16xf32>,
      %swap3A_635 = vector.shape_cast %swap3A_634 : vector<1x16xf32> to vector<16xf32>
      %swap3A_636 = vector.shape_cast %mul3A_627 : vector<16xf32> to vector<1x16xf32>
      tpu.vector_store %swap3A_631[%swap3A_632, %swap3A_633], %swap3A_636 {strides = array<i32>} : memref<128x128xf32, #tpu.memory_space<vmem>>, vector<1x16xf32>,
    }
    %scan3A_144 = arith.constant 128 : i32
    %add3A_145 = arith.constant 128 : i32
    %add3A_146 = arith.addi %mul3A_2, %add3A_145 : i32
    %dma_start3A_147 = arith.constant 1 : i32
    %dma_start3A_148 = arith.constant 1 : i32
    %dma_start3A_149 = arith.constant 0 : i32
    %dma_start3A_150 = arith.constant 0 : i32
    %dma_start3A_151 = tpu.memref_slice %arg8[%dma_start3A_147, %dma_start3A_149, %dma_start3A_150] : memref<5x128x128xf32, #tpu.memory_space<vmem>> -> memref<1x128x128xf32, #tpu.memory_space<vmem>>
    %dma_start3A_152 = tpu.memref_squeeze %dma_start3A_151 : memref<1x128x128xf32, #tpu.memory_space<vmem>> -> memref<128x128xf32, #tpu.memory_space<vmem>>
    %dma_start3A_153 = arith.constant 0 : i32
    %dma_start3A_154 = tpu.memref_slice %arg5[%add3A_146, %dma_start3A_153] : memref<204800x128xf32, #tpu.memory_space<hbm>> -> memref<128x128xf32, #tpu.memory_space<hbm>>
    %dma_start3A_155 = tpu.memref_slice %arg10[%dma_start3A_148] : memref<5x!tpu.dma_semaphore, #tpu.memory_space<semaphore_mem>> -> memref<1x!tpu.dma_semaphore, #tpu.memory_space<semaphore_mem>>
    %dma_start3A_156 = tpu.memref_squeeze %dma_start3A_155 : memref<1x!tpu.dma_semaphore, #tpu.memory_space<semaphore_mem>> -> memref<!tpu.dma_semaphore, #tpu.memory_space<semaphore_mem>>
    %dma_start3A_157 = arith.constant 0 : i32
    %dma_start3A_158 = tpu.memref_slice %arg5[%add3A_146, %dma_start3A_157] : memref<204800x128xf32, #tpu.memory_space<hbm>> -> memref<128x128xf32, #tpu.memory_space<hbm>>
    %dma_start3A_159 = arith.constant 0 : i32
    %dma_start3A_160 = arith.constant 0 : i32
    %dma_start3A_161 = tpu.memref_slice %arg8[%dma_start3A_147, %dma_start3A_159, %dma_start3A_160] : memref<5x128x128xf32, #tpu.memory_space<vmem>> -> memref<1x128x128xf32, #tpu.memory_space<vmem>>
    %dma_start3A_162 = tpu.memref_squeeze %dma_start3A_161 : memref<1x128x128xf32, #tpu.memory_space<vmem>> -> memref<128x128xf32, #tpu.memory_space<vmem>>
    tpu.enqueue_dma source(%dma_start3A_162 : memref<128x128xf32, #tpu.memory_space<vmem>>) target(%dma_start3A_158 : memref<128x128xf32, #tpu.memory_space<hbm>>) target_semaphore(%dma_start3A_156 : memref<!tpu.dma_semaphore, #tpu.memory_space<semaphore_mem>>)
    %dma_start3A_163 = arith.constant 4 : i32
    %dma_start3A_164 = arith.constant 4 : i32
    %dma_start3A_165 = arith.constant 4 : i32
    %dma_start3A_166 = arith.constant 0 : i32
    %dma_start3A_167 = arith.constant 0 : i32
    %dma_start3A_168 = tpu.memref_slice %arg8[%dma_start3A_164, %dma_start3A_166, %dma_start3A_167] : memref<5x128x128xf32, #tpu.memory_space<vmem>> -> memref<1x128x128xf32, #tpu.memory_space<vmem>>
    %dma_start3A_169 = tpu.memref_squeeze %dma_start3A_168 : memref<1x128x128xf32, #tpu.memory_space<vmem>> -> memref<128x128xf32, #tpu.memory_space<vmem>>
    %dma_start3A_170 = arith.constant 0 : i32
    %dma_start3A_171 = tpu.memref_slice %arg6[%dma_start3A_163, %dma_start3A_170] : memref<50x128xi32, #tpu.memory_space<vmem>> -> memref<1x128xi32, #tpu.memory_space<vmem>>
    %dma_start3A_172 = tpu.memref_squeeze %dma_start3A_171 : memref<1x128xi32, #tpu.memory_space<vmem>> -> memref<128xi32, #tpu.memory_space<vmem>>
    %dma_start3A_173 = arith.constant 0 : i32
    %dma_start3A_174 = arith.constant 0 : i32
    %dma_start3A_175 = tpu.memref_slice %arg3[%dma_start3A_173, %dma_start3A_174] : memref<100000x128xf32, #tpu.memory_space<hbm>> -> memref<100000x128xf32, #tpu.memory_space<hbm>>
    %dma_start3A_176 = tpu.memref_slice %arg9[%dma_start3A_165] : memref<5x!tpu.dma_semaphore, #tpu.memory_space<semaphore_mem>> -> memref<1x!tpu.dma_semaphore, #tpu.memory_space<semaphore_mem>>
    %dma_start3A_177 = tpu.memref_squeeze %dma_start3A_176 : memref<1x!tpu.dma_semaphore, #tpu.memory_space<semaphore_mem>> -> memref<!tpu.dma_semaphore, #tpu.memory_space<semaphore_mem>>
    tpu.enqueue_indirect_dma source(%dma_start3A_175 : memref<100000x128xf32, #tpu.memory_space<hbm>>) target(%dma_start3A_169 : memref<128x128xf32, #tpu.memory_space<vmem>>) offsets(%dma_start3A_172 : memref<128xi32, #tpu.memory_space<vmem>>) semaphore(%dma_start3A_177 : memref<!tpu.dma_semaphore, #tpu.memory_space<semaphore_mem>>)
    %dma_wait3A_178 = arith.constant 2 : i32
    %dma_wait3A_179 = arith.constant 2 : i32
    %dma_wait3A_180 = arith.constant 2 : i32
    %dma_wait3A_181 = arith.constant 0 : i32
    %dma_wait3A_182 = arith.constant 0 : i32
    %dma_wait3A_183 = tpu.memref_slice %arg8[%dma_wait3A_179, %dma_wait3A_181, %dma_wait3A_182] : memref<5x128x128xf32, #tpu.memory_space<vmem>> -> memref<1x128x128xf32, #tpu.memory_space<vmem>>
    %dma_wait3A_184 = tpu.memref_squeeze %dma_wait3A_183 : memref<1x128x128xf32, #tpu.memory_space<vmem>> -> memref<128x128xf32, #tpu.memory_space<vmem>>
    %dma_wait3A_185 = arith.constant 0 : i32
    %dma_wait3A_186 = tpu.memref_slice %arg6[%dma_wait3A_178, %dma_wait3A_185] : memref<50x128xi32, #tpu.memory_space<vmem>> -> memref<1x128xi32, #tpu.memory_space<vmem>>
    %dma_wait3A_187 = tpu.memref_squeeze %dma_wait3A_186 : memref<1x128xi32, #tpu.memory_space<vmem>> -> memref<128xi32, #tpu.memory_space<vmem>>
    %dma_wait3A_188 = arith.constant 0 : i32
    %dma_wait3A_189 = arith.constant 0 : i32
    %dma_wait3A_190 = tpu.memref_slice %arg3[%dma_wait3A_188, %dma_wait3A_189] : memref<100000x128xf32, #tpu.memory_space<hbm>> -> memref<100000x128xf32, #tpu.memory_space<hbm>>
    %dma_wait3A_191 = tpu.memref_slice %arg9[%dma_wait3A_180] : memref<5x!tpu.dma_semaphore, #tpu.memory_space<semaphore_mem>> -> memref<1x!tpu.dma_semaphore, #tpu.memory_space<semaphore_mem>>
    %dma_wait3A_192 = tpu.memref_squeeze %dma_wait3A_191 : memref<1x!tpu.dma_semaphore, #tpu.memory_space<semaphore_mem>> -> memref<!tpu.dma_semaphore, #tpu.memory_space<semaphore_mem>>
    tpu.wait_indirect_dma semaphore(%dma_wait3A_192 : memref<!tpu.dma_semaphore, #tpu.memory_space<semaphore_mem>>) src(%dma_wait3A_190 : memref<100000x128xf32, #tpu.memory_space<hbm>>) dst(%dma_wait3A_184 : memref<128x128xf32, #tpu.memory_space<vmem>>)
    %scan3A_193 = arith.constant 0 : i32
    %scan3A_194 = arith.constant 2 : i32
    %scan3A_195 = arith.constant 0 : i32
    %scan3A_196 = arith.constant 128 : i32
    %scan3A_197 = arith.addi %scan3A_195, %scan3A_196 : i32
    %scan3A_198 = arith.constant 1 : i32
    scf.for %scan3A_493 = %scan3A_195 to %scan3A_197 step %scan3A_198  : i32 {
      %get3A_494 = arith.constant 0 : i32
      %get3A_495 = arith.constant 0 : i32
      %get3A_496 = tpu.memref_slice %arg8[%scan3A_194, %get3A_494, %get3A_495] : memref<5x128x128xf32, #tpu.memory_space<vmem>> -> memref<1x128x128xf32, #tpu.memory_space<vmem>>
      %get3A_497 = tpu.memref_squeeze %get3A_496 : memref<1x128x128xf32, #tpu.memory_space<vmem>> -> memref<128x128xf32, #tpu.memory_space<vmem>>
      %get3A_498 = arith.index_cast %scan3A_493 : i32 to index
      %get3A_499 = arith.constant 0 : index
      %get3A_500 = tpu.vector_load %get3A_497[%get3A_498, %get3A_499] {strides = array<i32>} : memref<128x128xf32, #tpu.memory_space<vmem>>, vector<1x16xf32>,
      %get3A_501 = vector.shape_cast %get3A_500 : vector<1x16xf32> to vector<16xf32>
      %mul3A_502 = arith.mulf %get3A_501, %get3A_4 : vector<16xf32>
      %swap3A = arith.constant 0 : i32
      %swap3A_503 = arith.constant 0 : i32
      %swap3A_504 = tpu.memref_slice %arg8[%scan3A_194, %swap3A, %swap3A_503] : memref<5x128x128xf32, #tpu.memory_space<vmem>> -> memref<1x128x128xf32, #tpu.memory_space<vmem>>
      %swap3A_505 = tpu.memref_squeeze %swap3A_504 : memref<1x128x128xf32, #tpu.memory_space<vmem>> -> memref<128x128xf32, #tpu.memory_space<vmem>>
      %swap3A_506 = arith.index_cast %scan3A_493 : i32 to index
      %swap3A_507 = arith.constant 0 : index
      %swap3A_508 = tpu.vector_load %swap3A_505[%swap3A_506, %swap3A_507] {strides = array<i32>} : memref<128x128xf32, #tpu.memory_space<vmem>>, vector<1x16xf32>,
      %swap3A_509 = vector.shape_cast %swap3A_508 : vector<1x16xf32> to vector<16xf32>
      %swap3A_510 = vector.shape_cast %mul3A_502 : vector<16xf32> to vector<1x16xf32>
      tpu.vector_store %swap3A_505[%swap3A_506, %swap3A_507], %swap3A_510 {strides = array<i32>} : memref<128x128xf32, #tpu.memory_space<vmem>>, vector<1x16xf32>,
      %get3A_511 = arith.constant 0 : i32
      %get3A_512 = arith.constant 0 : i32
      %get3A_513 = tpu.memref_slice %arg8[%scan3A_194, %get3A_511, %get3A_512] : memref<5x128x128xf32, #tpu.memory_space<vmem>> -> memref<1x128x128xf32, #tpu.memory_space<vmem>>
      %get3A_514 = tpu.memref_squeeze %get3A_513 : memref<1x128x128xf32, #tpu.memory_space<vmem>> -> memref<128x128xf32, #tpu.memory_space<vmem>>
      %get3A_515 = arith.index_cast %scan3A_493 : i32 to index
      %get3A_516 = arith.constant 16 : index
      %get3A_517 = tpu.vector_load %get3A_514[%get3A_515, %get3A_516] {strides = array<i32>} : memref<128x128xf32, #tpu.memory_space<vmem>>, vector<1x16xf32>,
      %get3A_518 = vector.shape_cast %get3A_517 : vector<1x16xf32> to vector<16xf32>
      %mul3A_519 = arith.mulf %get3A_518, %get3A_7 : vector<16xf32>
      %swap3A_520 = arith.constant 0 : i32
      %swap3A_521 = arith.constant 0 : i32
      %swap3A_522 = tpu.memref_slice %arg8[%scan3A_194, %swap3A_520, %swap3A_521] : memref<5x128x128xf32, #tpu.memory_space<vmem>> -> memref<1x128x128xf32, #tpu.memory_space<vmem>>
      %swap3A_523 = tpu.memref_squeeze %swap3A_522 : memref<1x128x128xf32, #tpu.memory_space<vmem>> -> memref<128x128xf32, #tpu.memory_space<vmem>>
      %swap3A_524 = arith.index_cast %scan3A_493 : i32 to index
      %swap3A_525 = arith.constant 16 : index
      %swap3A_526 = tpu.vector_load %swap3A_523[%swap3A_524, %swap3A_525] {strides = array<i32>} : memref<128x128xf32, #tpu.memory_space<vmem>>, vector<1x16xf32>,
      %swap3A_527 = vector.shape_cast %swap3A_526 : vector<1x16xf32> to vector<16xf32>
      %swap3A_528 = vector.shape_cast %mul3A_519 : vector<16xf32> to vector<1x16xf32>
      tpu.vector_store %swap3A_523[%swap3A_524, %swap3A_525], %swap3A_528 {strides = array<i32>} : memref<128x128xf32, #tpu.memory_space<vmem>>, vector<1x16xf32>,
      %get3A_529 = arith.constant 0 : i32
      %get3A_530 = arith.constant 0 : i32
      %get3A_531 = tpu.memref_slice %arg8[%scan3A_194, %get3A_529, %get3A_530] : memref<5x128x128xf32, #tpu.memory_space<vmem>> -> memref<1x128x128xf32, #tpu.memory_space<vmem>>
      %get3A_532 = tpu.memref_squeeze %get3A_531 : memref<1x128x128xf32, #tpu.memory_space<vmem>> -> memref<128x128xf32, #tpu.memory_space<vmem>>
      %get3A_533 = arith.index_cast %scan3A_493 : i32 to index
      %get3A_534 = arith.constant 32 : index
      %get3A_535 = tpu.vector_load %get3A_532[%get3A_533, %get3A_534] {strides = array<i32>} : memref<128x128xf32, #tpu.memory_space<vmem>>, vector<1x16xf32>,
      %get3A_536 = vector.shape_cast %get3A_535 : vector<1x16xf32> to vector<16xf32>
      %mul3A_537 = arith.mulf %get3A_536, %get3A_10 : vector<16xf32>
      %swap3A_538 = arith.constant 0 : i32
      %swap3A_539 = arith.constant 0 : i32
      %swap3A_540 = tpu.memref_slice %arg8[%scan3A_194, %swap3A_538, %swap3A_539] : memref<5x128x128xf32, #tpu.memory_space<vmem>> -> memref<1x128x128xf32, #tpu.memory_space<vmem>>
      %swap3A_541 = tpu.memref_squeeze %swap3A_540 : memref<1x128x128xf32, #tpu.memory_space<vmem>> -> memref<128x128xf32, #tpu.memory_space<vmem>>
      %swap3A_542 = arith.index_cast %scan3A_493 : i32 to index
      %swap3A_543 = arith.constant 32 : index
      %swap3A_544 = tpu.vector_load %swap3A_541[%swap3A_542, %swap3A_543] {strides = array<i32>} : memref<128x128xf32, #tpu.memory_space<vmem>>, vector<1x16xf32>,
      %swap3A_545 = vector.shape_cast %swap3A_544 : vector<1x16xf32> to vector<16xf32>
      %swap3A_546 = vector.shape_cast %mul3A_537 : vector<16xf32> to vector<1x16xf32>
      tpu.vector_store %swap3A_541[%swap3A_542, %swap3A_543], %swap3A_546 {strides = array<i32>} : memref<128x128xf32, #tpu.memory_space<vmem>>, vector<1x16xf32>,
      %get3A_547 = arith.constant 0 : i32
      %get3A_548 = arith.constant 0 : i32
      %get3A_549 = tpu.memref_slice %arg8[%scan3A_194, %get3A_547, %get3A_548] : memref<5x128x128xf32, #tpu.memory_space<vmem>> -> memref<1x128x128xf32, #tpu.memory_space<vmem>>
      %get3A_550 = tpu.memref_squeeze %get3A_549 : memref<1x128x128xf32, #tpu.memory_space<vmem>> -> memref<128x128xf32, #tpu.memory_space<vmem>>
      %get3A_551 = arith.index_cast %scan3A_493 : i32 to index
      %get3A_552 = arith.constant 48 : index
      %get3A_553 = tpu.vector_load %get3A_550[%get3A_551, %get3A_552] {strides = array<i32>} : memref<128x128xf32, #tpu.memory_space<vmem>>, vector<1x16xf32>,
      %get3A_554 = vector.shape_cast %get3A_553 : vector<1x16xf32> to vector<16xf32>
      %mul3A_555 = arith.mulf %get3A_554, %get3A_13 : vector<16xf32>
      %swap3A_556 = arith.constant 0 : i32
      %swap3A_557 = arith.constant 0 : i32
      %swap3A_558 = tpu.memref_slice %arg8[%scan3A_194, %swap3A_556, %swap3A_557] : memref<5x128x128xf32, #tpu.memory_space<vmem>> -> memref<1x128x128xf32, #tpu.memory_space<vmem>>
      %swap3A_559 = tpu.memref_squeeze %swap3A_558 : memref<1x128x128xf32, #tpu.memory_space<vmem>> -> memref<128x128xf32, #tpu.memory_space<vmem>>
      %swap3A_560 = arith.index_cast %scan3A_493 : i32 to index
      %swap3A_561 = arith.constant 48 : index
      %swap3A_562 = tpu.vector_load %swap3A_559[%swap3A_560, %swap3A_561] {strides = array<i32>} : memref<128x128xf32, #tpu.memory_space<vmem>>, vector<1x16xf32>,
      %swap3A_563 = vector.shape_cast %swap3A_562 : vector<1x16xf32> to vector<16xf32>
      %swap3A_564 = vector.shape_cast %mul3A_555 : vector<16xf32> to vector<1x16xf32>
      tpu.vector_store %swap3A_559[%swap3A_560, %swap3A_561], %swap3A_564 {strides = array<i32>} : memref<128x128xf32, #tpu.memory_space<vmem>>, vector<1x16xf32>,
      %get3A_565 = arith.constant 0 : i32
      %get3A_566 = arith.constant 0 : i32
      %get3A_567 = tpu.memref_slice %arg8[%scan3A_194, %get3A_565, %get3A_566] : memref<5x128x128xf32, #tpu.memory_space<vmem>> -> memref<1x128x128xf32, #tpu.memory_space<vmem>>
      %get3A_568 = tpu.memref_squeeze %get3A_567 : memref<1x128x128xf32, #tpu.memory_space<vmem>> -> memref<128x128xf32, #tpu.memory_space<vmem>>
      %get3A_569 = arith.index_cast %scan3A_493 : i32 to index
      %get3A_570 = arith.constant 64 : index
      %get3A_571 = tpu.vector_load %get3A_568[%get3A_569, %get3A_570] {strides = array<i32>} : memref<128x128xf32, #tpu.memory_space<vmem>>, vector<1x16xf32>,
      %get3A_572 = vector.shape_cast %get3A_571 : vector<1x16xf32> to vector<16xf32>
      %mul3A_573 = arith.mulf %get3A_572, %get3A_16 : vector<16xf32>
      %swap3A_574 = arith.constant 0 : i32
      %swap3A_575 = arith.constant 0 : i32
      %swap3A_576 = tpu.memref_slice %arg8[%scan3A_194, %swap3A_574, %swap3A_575] : memref<5x128x128xf32, #tpu.memory_space<vmem>> -> memref<1x128x128xf32, #tpu.memory_space<vmem>>
      %swap3A_577 = tpu.memref_squeeze %swap3A_576 : memref<1x128x128xf32, #tpu.memory_space<vmem>> -> memref<128x128xf32, #tpu.memory_space<vmem>>
      %swap3A_578 = arith.index_cast %scan3A_493 : i32 to index
      %swap3A_579 = arith.constant 64 : index
      %swap3A_580 = tpu.vector_load %swap3A_577[%swap3A_578, %swap3A_579] {strides = array<i32>} : memref<128x128xf32, #tpu.memory_space<vmem>>, vector<1x16xf32>,
      %swap3A_581 = vector.shape_cast %swap3A_580 : vector<1x16xf32> to vector<16xf32>
      %swap3A_582 = vector.shape_cast %mul3A_573 : vector<16xf32> to vector<1x16xf32>
      tpu.vector_store %swap3A_577[%swap3A_578, %swap3A_579], %swap3A_582 {strides = array<i32>} : memref<128x128xf32, #tpu.memory_space<vmem>>, vector<1x16xf32>,
      %get3A_583 = arith.constant 0 : i32
      %get3A_584 = arith.constant 0 : i32
      %get3A_585 = tpu.memref_slice %arg8[%scan3A_194, %get3A_583, %get3A_584] : memref<5x128x128xf32, #tpu.memory_space<vmem>> -> memref<1x128x128xf32, #tpu.memory_space<vmem>>
      %get3A_586 = tpu.memref_squeeze %get3A_585 : memref<1x128x128xf32, #tpu.memory_space<vmem>> -> memref<128x128xf32, #tpu.memory_space<vmem>>
      %get3A_587 = arith.index_cast %scan3A_493 : i32 to index
      %get3A_588 = arith.constant 80 : index
      %get3A_589 = tpu.vector_load %get3A_586[%get3A_587, %get3A_588] {strides = array<i32>} : memref<128x128xf32, #tpu.memory_space<vmem>>, vector<1x16xf32>,
      %get3A_590 = vector.shape_cast %get3A_589 : vector<1x16xf32> to vector<16xf32>
      %mul3A_591 = arith.mulf %get3A_590, %get3A_19 : vector<16xf32>
      %swap3A_592 = arith.constant 0 : i32
      %swap3A_593 = arith.constant 0 : i32
      %swap3A_594 = tpu.memref_slice %arg8[%scan3A_194, %swap3A_592, %swap3A_593] : memref<5x128x128xf32, #tpu.memory_space<vmem>> -> memref<1x128x128xf32, #tpu.memory_space<vmem>>
      %swap3A_595 = tpu.memref_squeeze %swap3A_594 : memref<1x128x128xf32, #tpu.memory_space<vmem>> -> memref<128x128xf32, #tpu.memory_space<vmem>>
      %swap3A_596 = arith.index_cast %scan3A_493 : i32 to index
      %swap3A_597 = arith.constant 80 : index
      %swap3A_598 = tpu.vector_load %swap3A_595[%swap3A_596, %swap3A_597] {strides = array<i32>} : memref<128x128xf32, #tpu.memory_space<vmem>>, vector<1x16xf32>,
      %swap3A_599 = vector.shape_cast %swap3A_598 : vector<1x16xf32> to vector<16xf32>
      %swap3A_600 = vector.shape_cast %mul3A_591 : vector<16xf32> to vector<1x16xf32>
      tpu.vector_store %swap3A_595[%swap3A_596, %swap3A_597], %swap3A_600 {strides = array<i32>} : memref<128x128xf32, #tpu.memory_space<vmem>>, vector<1x16xf32>,
      %get3A_601 = arith.constant 0 : i32
      %get3A_602 = arith.constant 0 : i32
      %get3A_603 = tpu.memref_slice %arg8[%scan3A_194, %get3A_601, %get3A_602] : memref<5x128x128xf32, #tpu.memory_space<vmem>> -> memref<1x128x128xf32, #tpu.memory_space<vmem>>
      %get3A_604 = tpu.memref_squeeze %get3A_603 : memref<1x128x128xf32, #tpu.memory_space<vmem>> -> memref<128x128xf32, #tpu.memory_space<vmem>>
      %get3A_605 = arith.index_cast %scan3A_493 : i32 to index
      %get3A_606 = arith.constant 96 : index
      %get3A_607 = tpu.vector_load %get3A_604[%get3A_605, %get3A_606] {strides = array<i32>} : memref<128x128xf32, #tpu.memory_space<vmem>>, vector<1x16xf32>,
      %get3A_608 = vector.shape_cast %get3A_607 : vector<1x16xf32> to vector<16xf32>
      %mul3A_609 = arith.mulf %get3A_608, %get3A_22 : vector<16xf32>
      %swap3A_610 = arith.constant 0 : i32
      %swap3A_611 = arith.constant 0 : i32
      %swap3A_612 = tpu.memref_slice %arg8[%scan3A_194, %swap3A_610, %swap3A_611] : memref<5x128x128xf32, #tpu.memory_space<vmem>> -> memref<1x128x128xf32, #tpu.memory_space<vmem>>
      %swap3A_613 = tpu.memref_squeeze %swap3A_612 : memref<1x128x128xf32, #tpu.memory_space<vmem>> -> memref<128x128xf32, #tpu.memory_space<vmem>>
      %swap3A_614 = arith.index_cast %scan3A_493 : i32 to index
      %swap3A_615 = arith.constant 96 : index
      %swap3A_616 = tpu.vector_load %swap3A_613[%swap3A_614, %swap3A_615] {strides = array<i32>} : memref<128x128xf32, #tpu.memory_space<vmem>>, vector<1x16xf32>,
      %swap3A_617 = vector.shape_cast %swap3A_616 : vector<1x16xf32> to vector<16xf32>
      %swap3A_618 = vector.shape_cast %mul3A_609 : vector<16xf32> to vector<1x16xf32>
      tpu.vector_store %swap3A_613[%swap3A_614, %swap3A_615], %swap3A_618 {strides = array<i32>} : memref<128x128xf32, #tpu.memory_space<vmem>>, vector<1x16xf32>,
      %get3A_619 = arith.constant 0 : i32
      %get3A_620 = arith.constant 0 : i32
      %get3A_621 = tpu.memref_slice %arg8[%scan3A_194, %get3A_619, %get3A_620] : memref<5x128x128xf32, #tpu.memory_space<vmem>> -> memref<1x128x128xf32, #tpu.memory_space<vmem>>
      %get3A_622 = tpu.memref_squeeze %get3A_621 : memref<1x128x128xf32, #tpu.memory_space<vmem>> -> memref<128x128xf32, #tpu.memory_space<vmem>>
      %get3A_623 = arith.index_cast %scan3A_493 : i32 to index
      %get3A_624 = arith.constant 112 : index
      %get3A_625 = tpu.vector_load %get3A_622[%get3A_623, %get3A_624] {strides = array<i32>} : memref<128x128xf32, #tpu.memory_space<vmem>>, vector<1x16xf32>,
      %get3A_626 = vector.shape_cast %get3A_625 : vector<1x16xf32> to vector<16xf32>
      %mul3A_627 = arith.mulf %get3A_626, %get3A_25 : vector<16xf32>
      %swap3A_628 = arith.constant 0 : i32
      %swap3A_629 = arith.constant 0 : i32
      %swap3A_630 = tpu.memref_slice %arg8[%scan3A_194, %swap3A_628, %swap3A_629] : memref<5x128x128xf32, #tpu.memory_space<vmem>> -> memref<1x128x128xf32, #tpu.memory_space<vmem>>
      %swap3A_631 = tpu.memref_squeeze %swap3A_630 : memref<1x128x128xf32, #tpu.memory_space<vmem>> -> memref<128x128xf32, #tpu.memory_space<vmem>>
      %swap3A_632 = arith.index_cast %scan3A_493 : i32 to index
      %swap3A_633 = arith.constant 112 : index
      %swap3A_634 = tpu.vector_load %swap3A_631[%swap3A_632, %swap3A_633] {strides = array<i32>} : memref<128x128xf32, #tpu.memory_space<vmem>>, vector<1x16xf32>,
      %swap3A_635 = vector.shape_cast %swap3A_634 : vector<1x16xf32> to vector<16xf32>
      %swap3A_636 = vector.shape_cast %mul3A_627 : vector<16xf32> to vector<1x16xf32>
      tpu.vector_store %swap3A_631[%swap3A_632, %swap3A_633], %swap3A_636 {strides = array<i32>} : memref<128x128xf32, #tpu.memory_space<vmem>>, vector<1x16xf32>,
    }
    %scan3A_199 = arith.constant 128 : i32
    %add3A_200 = arith.constant 256 : i32
    %add3A_201 = arith.addi %mul3A_2, %add3A_200 : i32
    %dma_start3A_202 = arith.constant 2 : i32
    %dma_start3A_203 = arith.constant 2 : i32
    %dma_start3A_204 = arith.constant 0 : i32
    %dma_start3A_205 = arith.constant 0 : i32
    %dma_start3A_206 = tpu.memref_slice %arg8[%dma_start3A_202, %dma_start3A_204, %dma_start3A_205] : memref<5x128x128xf32, #tpu.memory_space<vmem>> -> memref<1x128x128xf32, #tpu.memory_space<vmem>>
    %dma_start3A_207 = tpu.memref_squeeze %dma_start3A_206 : memref<1x128x128xf32, #tpu.memory_space<vmem>> -> memref<128x128xf32, #tpu.memory_space<vmem>>
    %dma_start3A_208 = arith.constant 0 : i32
    %dma_start3A_209 = tpu.memref_slice %arg5[%add3A_201, %dma_start3A_208] : memref<204800x128xf32, #tpu.memory_space<hbm>> -> memref<128x128xf32, #tpu.memory_space<hbm>>
    %dma_start3A_210 = tpu.memref_slice %arg10[%dma_start3A_203] : memref<5x!tpu.dma_semaphore, #tpu.memory_space<semaphore_mem>> -> memref<1x!tpu.dma_semaphore, #tpu.memory_space<semaphore_mem>>
    %dma_start3A_211 = tpu.memref_squeeze %dma_start3A_210 : memref<1x!tpu.dma_semaphore, #tpu.memory_space<semaphore_mem>> -> memref<!tpu.dma_semaphore, #tpu.memory_space<semaphore_mem>>
    %dma_start3A_212 = arith.constant 0 : i32
    %dma_start3A_213 = tpu.memref_slice %arg5[%add3A_201, %dma_start3A_212] : memref<204800x128xf32, #tpu.memory_space<hbm>> -> memref<128x128xf32, #tpu.memory_space<hbm>>
    %dma_start3A_214 = arith.constant 0 : i32
    %dma_start3A_215 = arith.constant 0 : i32
    %dma_start3A_216 = tpu.memref_slice %arg8[%dma_start3A_202, %dma_start3A_214, %dma_start3A_215] : memref<5x128x128xf32, #tpu.memory_space<vmem>> -> memref<1x128x128xf32, #tpu.memory_space<vmem>>
    %dma_start3A_217 = tpu.memref_squeeze %dma_start3A_216 : memref<1x128x128xf32, #tpu.memory_space<vmem>> -> memref<128x128xf32, #tpu.memory_space<vmem>>
    tpu.enqueue_dma source(%dma_start3A_217 : memref<128x128xf32, #tpu.memory_space<vmem>>) target(%dma_start3A_213 : memref<128x128xf32, #tpu.memory_space<hbm>>) target_semaphore(%dma_start3A_211 : memref<!tpu.dma_semaphore, #tpu.memory_space<semaphore_mem>>)
    %add3A_218 = arith.constant 0 : i32
    %add3A_219 = arith.addi %mul3A_2, %add3A_218 : i32
    %dma_wait3A_220 = arith.constant 0 : i32
    %dma_wait3A_221 = arith.constant 0 : i32
    %dma_wait3A_222 = arith.constant 0 : i32
    %dma_wait3A_223 = arith.constant 0 : i32
    %dma_wait3A_224 = tpu.memref_slice %arg8[%dma_wait3A_220, %dma_wait3A_222, %dma_wait3A_223] : memref<5x128x128xf32, #tpu.memory_space<vmem>> -> memref<1x128x128xf32, #tpu.memory_space<vmem>>
    %dma_wait3A_225 = tpu.memref_squeeze %dma_wait3A_224 : memref<1x128x128xf32, #tpu.memory_space<vmem>> -> memref<128x128xf32, #tpu.memory_space<vmem>>
    %dma_wait3A_226 = arith.constant 0 : i32
    %dma_wait3A_227 = tpu.memref_slice %arg5[%add3A_219, %dma_wait3A_226] : memref<204800x128xf32, #tpu.memory_space<hbm>> -> memref<128x128xf32, #tpu.memory_space<hbm>>
    %dma_wait3A_228 = tpu.memref_slice %arg10[%dma_wait3A_221] : memref<5x!tpu.dma_semaphore, #tpu.memory_space<semaphore_mem>> -> memref<1x!tpu.dma_semaphore, #tpu.memory_space<semaphore_mem>>
    %dma_wait3A_229 = tpu.memref_squeeze %dma_wait3A_228 : memref<1x!tpu.dma_semaphore, #tpu.memory_space<semaphore_mem>> -> memref<!tpu.dma_semaphore, #tpu.memory_space<semaphore_mem>>
    %dma_wait3A_230 = arith.constant 0 : i32
    %dma_wait3A_231 = tpu.memref_slice %arg5[%add3A_219, %dma_wait3A_230] : memref<204800x128xf32, #tpu.memory_space<hbm>> -> memref<128x128xf32, #tpu.memory_space<hbm>>
    %dma_wait3A_232 = arith.constant 0 : i32
    %dma_wait3A_233 = arith.constant 0 : i32
    %dma_wait3A_234 = tpu.memref_slice %arg8[%dma_wait3A_220, %dma_wait3A_232, %dma_wait3A_233] : memref<5x128x128xf32, #tpu.memory_space<vmem>> -> memref<1x128x128xf32, #tpu.memory_space<vmem>>
    %dma_wait3A_235 = tpu.memref_squeeze %dma_wait3A_234 : memref<1x128x128xf32, #tpu.memory_space<vmem>> -> memref<128x128xf32, #tpu.memory_space<vmem>>
    tpu.wait_dma2 semaphore(%dma_wait3A_229 : memref<!tpu.dma_semaphore, #tpu.memory_space<semaphore_mem>>) src(%dma_wait3A_235 : memref<128x128xf32, #tpu.memory_space<vmem>>) dst(%dma_wait3A_231 : memref<128x128xf32, #tpu.memory_space<hbm>>)
    %dma_start3A_236 = arith.constant 5 : i32
    %dma_start3A_237 = arith.constant 0 : i32
    %dma_start3A_238 = arith.constant 0 : i32
    %dma_start3A_239 = arith.constant 0 : i32
    %dma_start3A_240 = arith.constant 0 : i32
    %dma_start3A_241 = tpu.memref_slice %arg8[%dma_start3A_237, %dma_start3A_239, %dma_start3A_240] : memref<5x128x128xf32, #tpu.memory_space<vmem>> -> memref<1x128x128xf32, #tpu.memory_space<vmem>>
    %dma_start3A_242 = tpu.memref_squeeze %dma_start3A_241 : memref<1x128x128xf32, #tpu.memory_space<vmem>> -> memref<128x128xf32, #tpu.memory_space<vmem>>
    %dma_start3A_243 = arith.constant 0 : i32
    %dma_start3A_244 = tpu.memref_slice %arg6[%dma_start3A_236, %dma_start3A_243] : memref<50x128xi32, #tpu.memory_space<vmem>> -> memref<1x128xi32, #tpu.memory_space<vmem>>
    %dma_start3A_245 = tpu.memref_squeeze %dma_start3A_244 : memref<1x128xi32, #tpu.memory_space<vmem>> -> memref<128xi32, #tpu.memory_space<vmem>>
    %dma_start3A_246 = arith.constant 0 : i32
    %dma_start3A_247 = arith.constant 0 : i32
    %dma_start3A_248 = tpu.memref_slice %arg3[%dma_start3A_246, %dma_start3A_247] : memref<100000x128xf32, #tpu.memory_space<hbm>> -> memref<100000x128xf32, #tpu.memory_space<hbm>>
    %dma_start3A_249 = tpu.memref_slice %arg9[%dma_start3A_238] : memref<5x!tpu.dma_semaphore, #tpu.memory_space<semaphore_mem>> -> memref<1x!tpu.dma_semaphore, #tpu.memory_space<semaphore_mem>>
    %dma_start3A_250 = tpu.memref_squeeze %dma_start3A_249 : memref<1x!tpu.dma_semaphore, #tpu.memory_space<semaphore_mem>> -> memref<!tpu.dma_semaphore, #tpu.memory_space<semaphore_mem>>
    tpu.enqueue_indirect_dma source(%dma_start3A_248 : memref<100000x128xf32, #tpu.memory_space<hbm>>) target(%dma_start3A_242 : memref<128x128xf32, #tpu.memory_space<vmem>>) offsets(%dma_start3A_245 : memref<128xi32, #tpu.memory_space<vmem>>) semaphore(%dma_start3A_250 : memref<!tpu.dma_semaphore, #tpu.memory_space<semaphore_mem>>)
    %dma_wait3A_251 = arith.constant 3 : i32
    %dma_wait3A_252 = arith.constant 3 : i32
    %dma_wait3A_253 = arith.constant 3 : i32
    %dma_wait3A_254 = arith.constant 0 : i32
    %dma_wait3A_255 = arith.constant 0 : i32
    %dma_wait3A_256 = tpu.memref_slice %arg8[%dma_wait3A_252, %dma_wait3A_254, %dma_wait3A_255] : memref<5x128x128xf32, #tpu.memory_space<vmem>> -> memref<1x128x128xf32, #tpu.memory_space<vmem>>
    %dma_wait3A_257 = tpu.memref_squeeze %dma_wait3A_256 : memref<1x128x128xf32, #tpu.memory_space<vmem>> -> memref<128x128xf32, #tpu.memory_space<vmem>>
    %dma_wait3A_258 = arith.constant 0 : i32
    %dma_wait3A_259 = tpu.memref_slice %arg6[%dma_wait3A_251, %dma_wait3A_258] : memref<50x128xi32, #tpu.memory_space<vmem>> -> memref<1x128xi32, #tpu.memory_space<vmem>>
    %dma_wait3A_260 = tpu.memref_squeeze %dma_wait3A_259 : memref<1x128xi32, #tpu.memory_space<vmem>> -> memref<128xi32, #tpu.memory_space<vmem>>
    %dma_wait3A_261 = arith.constant 0 : i32
    %dma_wait3A_262 = arith.constant 0 : i32
    %dma_wait3A_263 = tpu.memref_slice %arg3[%dma_wait3A_261, %dma_wait3A_262] : memref<100000x128xf32, #tpu.memory_space<hbm>> -> memref<100000x128xf32, #tpu.memory_space<hbm>>
    %dma_wait3A_264 = tpu.memref_slice %arg9[%dma_wait3A_253] : memref<5x!tpu.dma_semaphore, #tpu.memory_space<semaphore_mem>> -> memref<1x!tpu.dma_semaphore, #tpu.memory_space<semaphore_mem>>
    %dma_wait3A_265 = tpu.memref_squeeze %dma_wait3A_264 : memref<1x!tpu.dma_semaphore, #tpu.memory_space<semaphore_mem>> -> memref<!tpu.dma_semaphore, #tpu.memory_space<semaphore_mem>>
    tpu.wait_indirect_dma semaphore(%dma_wait3A_265 : memref<!tpu.dma_semaphore, #tpu.memory_space<semaphore_mem>>) src(%dma_wait3A_263 : memref<100000x128xf32, #tpu.memory_space<hbm>>) dst(%dma_wait3A_257 : memref<128x128xf32, #tpu.memory_space<vmem>>)
    %scan3A_266 = arith.constant 0 : i32
    %scan3A_267 = arith.constant 3 : i32
    %scan3A_268 = arith.constant 0 : i32
    %scan3A_269 = arith.constant 128 : i32
    %scan3A_270 = arith.addi %scan3A_268, %scan3A_269 : i32
    %scan3A_271 = arith.constant 1 : i32
    scf.for %scan3A_493 = %scan3A_268 to %scan3A_270 step %scan3A_271  : i32 {
      %get3A_494 = arith.constant 0 : i32
      %get3A_495 = arith.constant 0 : i32
      %get3A_496 = tpu.memref_slice %arg8[%scan3A_267, %get3A_494, %get3A_495] : memref<5x128x128xf32, #tpu.memory_space<vmem>> -> memref<1x128x128xf32, #tpu.memory_space<vmem>>
      %get3A_497 = tpu.memref_squeeze %get3A_496 : memref<1x128x128xf32, #tpu.memory_space<vmem>> -> memref<128x128xf32, #tpu.memory_space<vmem>>
      %get3A_498 = arith.index_cast %scan3A_493 : i32 to index
      %get3A_499 = arith.constant 0 : index
      %get3A_500 = tpu.vector_load %get3A_497[%get3A_498, %get3A_499] {strides = array<i32>} : memref<128x128xf32, #tpu.memory_space<vmem>>, vector<1x16xf32>,
      %get3A_501 = vector.shape_cast %get3A_500 : vector<1x16xf32> to vector<16xf32>
      %mul3A_502 = arith.mulf %get3A_501, %get3A_4 : vector<16xf32>
      %swap3A = arith.constant 0 : i32
      %swap3A_503 = arith.constant 0 : i32
      %swap3A_504 = tpu.memref_slice %arg8[%scan3A_267, %swap3A, %swap3A_503] : memref<5x128x128xf32, #tpu.memory_space<vmem>> -> memref<1x128x128xf32, #tpu.memory_space<vmem>>
      %swap3A_505 = tpu.memref_squeeze %swap3A_504 : memref<1x128x128xf32, #tpu.memory_space<vmem>> -> memref<128x128xf32, #tpu.memory_space<vmem>>
      %swap3A_506 = arith.index_cast %scan3A_493 : i32 to index
      %swap3A_507 = arith.constant 0 : index
      %swap3A_508 = tpu.vector_load %swap3A_505[%swap3A_506, %swap3A_507] {strides = array<i32>} : memref<128x128xf32, #tpu.memory_space<vmem>>, vector<1x16xf32>,
      %swap3A_509 = vector.shape_cast %swap3A_508 : vector<1x16xf32> to vector<16xf32>
      %swap3A_510 = vector.shape_cast %mul3A_502 : vector<16xf32> to vector<1x16xf32>
      tpu.vector_store %swap3A_505[%swap3A_506, %swap3A_507], %swap3A_510 {strides = array<i32>} : memref<128x128xf32, #tpu.memory_space<vmem>>, vector<1x16xf32>,
      %get3A_511 = arith.constant 0 : i32
      %get3A_512 = arith.constant 0 : i32
      %get3A_513 = tpu.memref_slice %arg8[%scan3A_267, %get3A_511, %get3A_512] : memref<5x128x128xf32, #tpu.memory_space<vmem>> -> memref<1x128x128xf32, #tpu.memory_space<vmem>>
      %get3A_514 = tpu.memref_squeeze %get3A_513 : memref<1x128x128xf32, #tpu.memory_space<vmem>> -> memref<128x128xf32, #tpu.memory_space<vmem>>
      %get3A_515 = arith.index_cast %scan3A_493 : i32 to index
      %get3A_516 = arith.constant 16 : index
      %get3A_517 = tpu.vector_load %get3A_514[%get3A_515, %get3A_516] {strides = array<i32>} : memref<128x128xf32, #tpu.memory_space<vmem>>, vector<1x16xf32>,
      %get3A_518 = vector.shape_cast %get3A_517 : vector<1x16xf32> to vector<16xf32>
      %mul3A_519 = arith.mulf %get3A_518, %get3A_7 : vector<16xf32>
      %swap3A_520 = arith.constant 0 : i32
      %swap3A_521 = arith.constant 0 : i32
      %swap3A_522 = tpu.memref_slice %arg8[%scan3A_267, %swap3A_520, %swap3A_521] : memref<5x128x128xf32, #tpu.memory_space<vmem>> -> memref<1x128x128xf32, #tpu.memory_space<vmem>>
      %swap3A_523 = tpu.memref_squeeze %swap3A_522 : memref<1x128x128xf32, #tpu.memory_space<vmem>> -> memref<128x128xf32, #tpu.memory_space<vmem>>
      %swap3A_524 = arith.index_cast %scan3A_493 : i32 to index
      %swap3A_525 = arith.constant 16 : index
      %swap3A_526 = tpu.vector_load %swap3A_523[%swap3A_524, %swap3A_525] {strides = array<i32>} : memref<128x128xf32, #tpu.memory_space<vmem>>, vector<1x16xf32>,
      %swap3A_527 = vector.shape_cast %swap3A_526 : vector<1x16xf32> to vector<16xf32>
      %swap3A_528 = vector.shape_cast %mul3A_519 : vector<16xf32> to vector<1x16xf32>
      tpu.vector_store %swap3A_523[%swap3A_524, %swap3A_525], %swap3A_528 {strides = array<i32>} : memref<128x128xf32, #tpu.memory_space<vmem>>, vector<1x16xf32>,
      %get3A_529 = arith.constant 0 : i32
      %get3A_530 = arith.constant 0 : i32
      %get3A_531 = tpu.memref_slice %arg8[%scan3A_267, %get3A_529, %get3A_530] : memref<5x128x128xf32, #tpu.memory_space<vmem>> -> memref<1x128x128xf32, #tpu.memory_space<vmem>>
      %get3A_532 = tpu.memref_squeeze %get3A_531 : memref<1x128x128xf32, #tpu.memory_space<vmem>> -> memref<128x128xf32, #tpu.memory_space<vmem>>
      %get3A_533 = arith.index_cast %scan3A_493 : i32 to index
      %get3A_534 = arith.constant 32 : index
      %get3A_535 = tpu.vector_load %get3A_532[%get3A_533, %get3A_534] {strides = array<i32>} : memref<128x128xf32, #tpu.memory_space<vmem>>, vector<1x16xf32>,
      %get3A_536 = vector.shape_cast %get3A_535 : vector<1x16xf32> to vector<16xf32>
      %mul3A_537 = arith.mulf %get3A_536, %get3A_10 : vector<16xf32>
      %swap3A_538 = arith.constant 0 : i32
      %swap3A_539 = arith.constant 0 : i32
      %swap3A_540 = tpu.memref_slice %arg8[%scan3A_267, %swap3A_538, %swap3A_539] : memref<5x128x128xf32, #tpu.memory_space<vmem>> -> memref<1x128x128xf32, #tpu.memory_space<vmem>>
      %swap3A_541 = tpu.memref_squeeze %swap3A_540 : memref<1x128x128xf32, #tpu.memory_space<vmem>> -> memref<128x128xf32, #tpu.memory_space<vmem>>
      %swap3A_542 = arith.index_cast %scan3A_493 : i32 to index
      %swap3A_543 = arith.constant 32 : index
      %swap3A_544 = tpu.vector_load %swap3A_541[%swap3A_542, %swap3A_543] {strides = array<i32>} : memref<128x128xf32, #tpu.memory_space<vmem>>, vector<1x16xf32>,
      %swap3A_545 = vector.shape_cast %swap3A_544 : vector<1x16xf32> to vector<16xf32>
      %swap3A_546 = vector.shape_cast %mul3A_537 : vector<16xf32> to vector<1x16xf32>
      tpu.vector_store %swap3A_541[%swap3A_542, %swap3A_543], %swap3A_546 {strides = array<i32>} : memref<128x128xf32, #tpu.memory_space<vmem>>, vector<1x16xf32>,
      %get3A_547 = arith.constant 0 : i32
      %get3A_548 = arith.constant 0 : i32
      %get3A_549 = tpu.memref_slice %arg8[%scan3A_267, %get3A_547, %get3A_548] : memref<5x128x128xf32, #tpu.memory_space<vmem>> -> memref<1x128x128xf32, #tpu.memory_space<vmem>>
      %get3A_550 = tpu.memref_squeeze %get3A_549 : memref<1x128x128xf32, #tpu.memory_space<vmem>> -> memref<128x128xf32, #tpu.memory_space<vmem>>
      %get3A_551 = arith.index_cast %scan3A_493 : i32 to index
      %get3A_552 = arith.constant 48 : index
      %get3A_553 = tpu.vector_load %get3A_550[%get3A_551, %get3A_552] {strides = array<i32>} : memref<128x128xf32, #tpu.memory_space<vmem>>, vector<1x16xf32>,
      %get3A_554 = vector.shape_cast %get3A_553 : vector<1x16xf32> to vector<16xf32>
      %mul3A_555 = arith.mulf %get3A_554, %get3A_13 : vector<16xf32>
      %swap3A_556 = arith.constant 0 : i32
      %swap3A_557 = arith.constant 0 : i32
      %swap3A_558 = tpu.memref_slice %arg8[%scan3A_267, %swap3A_556, %swap3A_557] : memref<5x128x128xf32, #tpu.memory_space<vmem>> -> memref<1x128x128xf32, #tpu.memory_space<vmem>>
      %swap3A_559 = tpu.memref_squeeze %swap3A_558 : memref<1x128x128xf32, #tpu.memory_space<vmem>> -> memref<128x128xf32, #tpu.memory_space<vmem>>
      %swap3A_560 = arith.index_cast %scan3A_493 : i32 to index
      %swap3A_561 = arith.constant 48 : index
      %swap3A_562 = tpu.vector_load %swap3A_559[%swap3A_560, %swap3A_561] {strides = array<i32>} : memref<128x128xf32, #tpu.memory_space<vmem>>, vector<1x16xf32>,
      %swap3A_563 = vector.shape_cast %swap3A_562 : vector<1x16xf32> to vector<16xf32>
      %swap3A_564 = vector.shape_cast %mul3A_555 : vector<16xf32> to vector<1x16xf32>
      tpu.vector_store %swap3A_559[%swap3A_560, %swap3A_561], %swap3A_564 {strides = array<i32>} : memref<128x128xf32, #tpu.memory_space<vmem>>, vector<1x16xf32>,
      %get3A_565 = arith.constant 0 : i32
      %get3A_566 = arith.constant 0 : i32
      %get3A_567 = tpu.memref_slice %arg8[%scan3A_267, %get3A_565, %get3A_566] : memref<5x128x128xf32, #tpu.memory_space<vmem>> -> memref<1x128x128xf32, #tpu.memory_space<vmem>>
      %get3A_568 = tpu.memref_squeeze %get3A_567 : memref<1x128x128xf32, #tpu.memory_space<vmem>> -> memref<128x128xf32, #tpu.memory_space<vmem>>
      %get3A_569 = arith.index_cast %scan3A_493 : i32 to index
      %get3A_570 = arith.constant 64 : index
      %get3A_571 = tpu.vector_load %get3A_568[%get3A_569, %get3A_570] {strides = array<i32>} : memref<128x128xf32, #tpu.memory_space<vmem>>, vector<1x16xf32>,
      %get3A_572 = vector.shape_cast %get3A_571 : vector<1x16xf32> to vector<16xf32>
      %mul3A_573 = arith.mulf %get3A_572, %get3A_16 : vector<16xf32>
      %swap3A_574 = arith.constant 0 : i32
      %swap3A_575 = arith.constant 0 : i32
      %swap3A_576 = tpu.memref_slice %arg8[%scan3A_267, %swap3A_574, %swap3A_575] : memref<5x128x128xf32, #tpu.memory_space<vmem>> -> memref<1x128x128xf32, #tpu.memory_space<vmem>>
      %swap3A_577 = tpu.memref_squeeze %swap3A_576 : memref<1x128x128xf32, #tpu.memory_space<vmem>> -> memref<128x128xf32, #tpu.memory_space<vmem>>
      %swap3A_578 = arith.index_cast %scan3A_493 : i32 to index
      %swap3A_579 = arith.constant 64 : index
      %swap3A_580 = tpu.vector_load %swap3A_577[%swap3A_578, %swap3A_579] {strides = array<i32>} : memref<128x128xf32, #tpu.memory_space<vmem>>, vector<1x16xf32>,
      %swap3A_581 = vector.shape_cast %swap3A_580 : vector<1x16xf32> to vector<16xf32>
      %swap3A_582 = vector.shape_cast %mul3A_573 : vector<16xf32> to vector<1x16xf32>
      tpu.vector_store %swap3A_577[%swap3A_578, %swap3A_579], %swap3A_582 {strides = array<i32>} : memref<128x128xf32, #tpu.memory_space<vmem>>, vector<1x16xf32>,
      %get3A_583 = arith.constant 0 : i32
      %get3A_584 = arith.constant 0 : i32
      %get3A_585 = tpu.memref_slice %arg8[%scan3A_267, %get3A_583, %get3A_584] : memref<5x128x128xf32, #tpu.memory_space<vmem>> -> memref<1x128x128xf32, #tpu.memory_space<vmem>>
      %get3A_586 = tpu.memref_squeeze %get3A_585 : memref<1x128x128xf32, #tpu.memory_space<vmem>> -> memref<128x128xf32, #tpu.memory_space<vmem>>
      %get3A_587 = arith.index_cast %scan3A_493 : i32 to index
      %get3A_588 = arith.constant 80 : index
      %get3A_589 = tpu.vector_load %get3A_586[%get3A_587, %get3A_588] {strides = array<i32>} : memref<128x128xf32, #tpu.memory_space<vmem>>, vector<1x16xf32>,
      %get3A_590 = vector.shape_cast %get3A_589 : vector<1x16xf32> to vector<16xf32>
      %mul3A_591 = arith.mulf %get3A_590, %get3A_19 : vector<16xf32>
      %swap3A_592 = arith.constant 0 : i32
      %swap3A_593 = arith.constant 0 : i32
      %swap3A_594 = tpu.memref_slice %arg8[%scan3A_267, %swap3A_592, %swap3A_593] : memref<5x128x128xf32, #tpu.memory_space<vmem>> -> memref<1x128x128xf32, #tpu.memory_space<vmem>>
      %swap3A_595 = tpu.memref_squeeze %swap3A_594 : memref<1x128x128xf32, #tpu.memory_space<vmem>> -> memref<128x128xf32, #tpu.memory_space<vmem>>
      %swap3A_596 = arith.index_cast %scan3A_493 : i32 to index
      %swap3A_597 = arith.constant 80 : index
      %swap3A_598 = tpu.vector_load %swap3A_595[%swap3A_596, %swap3A_597] {strides = array<i32>} : memref<128x128xf32, #tpu.memory_space<vmem>>, vector<1x16xf32>,
      %swap3A_599 = vector.shape_cast %swap3A_598 : vector<1x16xf32> to vector<16xf32>
      %swap3A_600 = vector.shape_cast %mul3A_591 : vector<16xf32> to vector<1x16xf32>
      tpu.vector_store %swap3A_595[%swap3A_596, %swap3A_597], %swap3A_600 {strides = array<i32>} : memref<128x128xf32, #tpu.memory_space<vmem>>, vector<1x16xf32>,
      %get3A_601 = arith.constant 0 : i32
      %get3A_602 = arith.constant 0 : i32
      %get3A_603 = tpu.memref_slice %arg8[%scan3A_267, %get3A_601, %get3A_602] : memref<5x128x128xf32, #tpu.memory_space<vmem>> -> memref<1x128x128xf32, #tpu.memory_space<vmem>>
      %get3A_604 = tpu.memref_squeeze %get3A_603 : memref<1x128x128xf32, #tpu.memory_space<vmem>> -> memref<128x128xf32, #tpu.memory_space<vmem>>
      %get3A_605 = arith.index_cast %scan3A_493 : i32 to index
      %get3A_606 = arith.constant 96 : index
      %get3A_607 = tpu.vector_load %get3A_604[%get3A_605, %get3A_606] {strides = array<i32>} : memref<128x128xf32, #tpu.memory_space<vmem>>, vector<1x16xf32>,
      %get3A_608 = vector.shape_cast %get3A_607 : vector<1x16xf32> to vector<16xf32>
      %mul3A_609 = arith.mulf %get3A_608, %get3A_22 : vector<16xf32>
      %swap3A_610 = arith.constant 0 : i32
      %swap3A_611 = arith.constant 0 : i32
      %swap3A_612 = tpu.memref_slice %arg8[%scan3A_267, %swap3A_610, %swap3A_611] : memref<5x128x128xf32, #tpu.memory_space<vmem>> -> memref<1x128x128xf32, #tpu.memory_space<vmem>>
      %swap3A_613 = tpu.memref_squeeze %swap3A_612 : memref<1x128x128xf32, #tpu.memory_space<vmem>> -> memref<128x128xf32, #tpu.memory_space<vmem>>
      %swap3A_614 = arith.index_cast %scan3A_493 : i32 to index
      %swap3A_615 = arith.constant 96 : index
      %swap3A_616 = tpu.vector_load %swap3A_613[%swap3A_614, %swap3A_615] {strides = array<i32>} : memref<128x128xf32, #tpu.memory_space<vmem>>, vector<1x16xf32>,
      %swap3A_617 = vector.shape_cast %swap3A_616 : vector<1x16xf32> to vector<16xf32>
      %swap3A_618 = vector.shape_cast %mul3A_609 : vector<16xf32> to vector<1x16xf32>
      tpu.vector_store %swap3A_613[%swap3A_614, %swap3A_615], %swap3A_618 {strides = array<i32>} : memref<128x128xf32, #tpu.memory_space<vmem>>, vector<1x16xf32>,
      %get3A_619 = arith.constant 0 : i32
      %get3A_620 = arith.constant 0 : i32
      %get3A_621 = tpu.memref_slice %arg8[%scan3A_267, %get3A_619, %get3A_620] : memref<5x128x128xf32, #tpu.memory_space<vmem>> -> memref<1x128x128xf32, #tpu.memory_space<vmem>>
      %get3A_622 = tpu.memref_squeeze %get3A_621 : memref<1x128x128xf32, #tpu.memory_space<vmem>> -> memref<128x128xf32, #tpu.memory_space<vmem>>
      %get3A_623 = arith.index_cast %scan3A_493 : i32 to index
      %get3A_624 = arith.constant 112 : index
      %get3A_625 = tpu.vector_load %get3A_622[%get3A_623, %get3A_624] {strides = array<i32>} : memref<128x128xf32, #tpu.memory_space<vmem>>, vector<1x16xf32>,
      %get3A_626 = vector.shape_cast %get3A_625 : vector<1x16xf32> to vector<16xf32>
      %mul3A_627 = arith.mulf %get3A_626, %get3A_25 : vector<16xf32>
      %swap3A_628 = arith.constant 0 : i32
      %swap3A_629 = arith.constant 0 : i32
      %swap3A_630 = tpu.memref_slice %arg8[%scan3A_267, %swap3A_628, %swap3A_629] : memref<5x128x128xf32, #tpu.memory_space<vmem>> -> memref<1x128x128xf32, #tpu.memory_space<vmem>>
      %swap3A_631 = tpu.memref_squeeze %swap3A_630 : memref<1x128x128xf32, #tpu.memory_space<vmem>> -> memref<128x128xf32, #tpu.memory_space<vmem>>
      %swap3A_632 = arith.index_cast %scan3A_493 : i32 to index
      %swap3A_633 = arith.constant 112 : index
      %swap3A_634 = tpu.vector_load %swap3A_631[%swap3A_632, %swap3A_633] {strides = array<i32>} : memref<128x128xf32, #tpu.memory_space<vmem>>, vector<1x16xf32>,
      %swap3A_635 = vector.shape_cast %swap3A_634 : vector<1x16xf32> to vector<16xf32>
      %swap3A_636 = vector.shape_cast %mul3A_627 : vector<16xf32> to vector<1x16xf32>
      tpu.vector_store %swap3A_631[%swap3A_632, %swap3A_633], %swap3A_636 {strides = array<i32>} : memref<128x128xf32, #tpu.memory_space<vmem>>, vector<1x16xf32>,
    }
    %scan3A_272 = arith.constant 128 : i32
    %add3A_273 = arith.constant 384 : i32
    %add3A_274 = arith.addi %mul3A_2, %add3A_273 : i32
    %dma_start3A_275 = arith.constant 3 : i32
    %dma_start3A_276 = arith.constant 3 : i32
    %dma_start3A_277 = arith.constant 0 : i32
    %dma_start3A_278 = arith.constant 0 : i32
    %dma_start3A_279 = tpu.memref_slice %arg8[%dma_start3A_275, %dma_start3A_277, %dma_start3A_278] : memref<5x128x128xf32, #tpu.memory_space<vmem>> -> memref<1x128x128xf32, #tpu.memory_space<vmem>>
    %dma_start3A_280 = tpu.memref_squeeze %dma_start3A_279 : memref<1x128x128xf32, #tpu.memory_space<vmem>> -> memref<128x128xf32, #tpu.memory_space<vmem>>
    %dma_start3A_281 = arith.constant 0 : i32
    %dma_start3A_282 = tpu.memref_slice %arg5[%add3A_274, %dma_start3A_281] : memref<204800x128xf32, #tpu.memory_space<hbm>> -> memref<128x128xf32, #tpu.memory_space<hbm>>
    %dma_start3A_283 = tpu.memref_slice %arg10[%dma_start3A_276] : memref<5x!tpu.dma_semaphore, #tpu.memory_space<semaphore_mem>> -> memref<1x!tpu.dma_semaphore, #tpu.memory_space<semaphore_mem>>
    %dma_start3A_284 = tpu.memref_squeeze %dma_start3A_283 : memref<1x!tpu.dma_semaphore, #tpu.memory_space<semaphore_mem>> -> memref<!tpu.dma_semaphore, #tpu.memory_space<semaphore_mem>>
    %dma_start3A_285 = arith.constant 0 : i32
    %dma_start3A_286 = tpu.memref_slice %arg5[%add3A_274, %dma_start3A_285] : memref<204800x128xf32, #tpu.memory_space<hbm>> -> memref<128x128xf32, #tpu.memory_space<hbm>>
    %dma_start3A_287 = arith.constant 0 : i32
    %dma_start3A_288 = arith.constant 0 : i32
    %dma_start3A_289 = tpu.memref_slice %arg8[%dma_start3A_275, %dma_start3A_287, %dma_start3A_288] : memref<5x128x128xf32, #tpu.memory_space<vmem>> -> memref<1x128x128xf32, #tpu.memory_space<vmem>>
    %dma_start3A_290 = tpu.memref_squeeze %dma_start3A_289 : memref<1x128x128xf32, #tpu.memory_space<vmem>> -> memref<128x128xf32, #tpu.memory_space<vmem>>
    tpu.enqueue_dma source(%dma_start3A_290 : memref<128x128xf32, #tpu.memory_space<vmem>>) target(%dma_start3A_286 : memref<128x128xf32, #tpu.memory_space<hbm>>) target_semaphore(%dma_start3A_284 : memref<!tpu.dma_semaphore, #tpu.memory_space<semaphore_mem>>)
    %add3A_291 = arith.constant 128 : i32
    %add3A_292 = arith.addi %mul3A_2, %add3A_291 : i32
    %dma_wait3A_293 = arith.constant 1 : i32
    %dma_wait3A_294 = arith.constant 1 : i32
    %dma_wait3A_295 = arith.constant 0 : i32
    %dma_wait3A_296 = arith.constant 0 : i32
    %dma_wait3A_297 = tpu.memref_slice %arg8[%dma_wait3A_293, %dma_wait3A_295, %dma_wait3A_296] : memref<5x128x128xf32, #tpu.memory_space<vmem>> -> memref<1x128x128xf32, #tpu.memory_space<vmem>>
    %dma_wait3A_298 = tpu.memref_squeeze %dma_wait3A_297 : memref<1x128x128xf32, #tpu.memory_space<vmem>> -> memref<128x128xf32, #tpu.memory_space<vmem>>
    %dma_wait3A_299 = arith.constant 0 : i32
    %dma_wait3A_300 = tpu.memref_slice %arg5[%add3A_292, %dma_wait3A_299] : memref<204800x128xf32, #tpu.memory_space<hbm>> -> memref<128x128xf32, #tpu.memory_space<hbm>>
    %dma_wait3A_301 = tpu.memref_slice %arg10[%dma_wait3A_294] : memref<5x!tpu.dma_semaphore, #tpu.memory_space<semaphore_mem>> -> memref<1x!tpu.dma_semaphore, #tpu.memory_space<semaphore_mem>>
    %dma_wait3A_302 = tpu.memref_squeeze %dma_wait3A_301 : memref<1x!tpu.dma_semaphore, #tpu.memory_space<semaphore_mem>> -> memref<!tpu.dma_semaphore, #tpu.memory_space<semaphore_mem>>
    %dma_wait3A_303 = arith.constant 0 : i32
    %dma_wait3A_304 = tpu.memref_slice %arg5[%add3A_292, %dma_wait3A_303] : memref<204800x128xf32, #tpu.memory_space<hbm>> -> memref<128x128xf32, #tpu.memory_space<hbm>>
    %dma_wait3A_305 = arith.constant 0 : i32
    %dma_wait3A_306 = arith.constant 0 : i32
    %dma_wait3A_307 = tpu.memref_slice %arg8[%dma_wait3A_293, %dma_wait3A_305, %dma_wait3A_306] : memref<5x128x128xf32, #tpu.memory_space<vmem>> -> memref<1x128x128xf32, #tpu.memory_space<vmem>>
    %dma_wait3A_308 = tpu.memref_squeeze %dma_wait3A_307 : memref<1x128x128xf32, #tpu.memory_space<vmem>> -> memref<128x128xf32, #tpu.memory_space<vmem>>
    tpu.wait_dma2 semaphore(%dma_wait3A_302 : memref<!tpu.dma_semaphore, #tpu.memory_space<semaphore_mem>>) src(%dma_wait3A_308 : memref<128x128xf32, #tpu.memory_space<vmem>>) dst(%dma_wait3A_304 : memref<128x128xf32, #tpu.memory_space<hbm>>)
    %dma_start3A_309 = arith.constant 6 : i32
    %dma_start3A_310 = arith.constant 1 : i32
    %dma_start3A_311 = arith.constant 1 : i32
    %dma_start3A_312 = arith.constant 0 : i32
    %dma_start3A_313 = arith.constant 0 : i32
    %dma_start3A_314 = tpu.memref_slice %arg8[%dma_start3A_310, %dma_start3A_312, %dma_start3A_313] : memref<5x128x128xf32, #tpu.memory_space<vmem>> -> memref<1x128x128xf32, #tpu.memory_space<vmem>>
    %dma_start3A_315 = tpu.memref_squeeze %dma_start3A_314 : memref<1x128x128xf32, #tpu.memory_space<vmem>> -> memref<128x128xf32, #tpu.memory_space<vmem>>
    %dma_start3A_316 = arith.constant 0 : i32
    %dma_start3A_317 = tpu.memref_slice %arg6[%dma_start3A_309, %dma_start3A_316] : memref<50x128xi32, #tpu.memory_space<vmem>> -> memref<1x128xi32, #tpu.memory_space<vmem>>
    %dma_start3A_318 = tpu.memref_squeeze %dma_start3A_317 : memref<1x128xi32, #tpu.memory_space<vmem>> -> memref<128xi32, #tpu.memory_space<vmem>>
    %dma_start3A_319 = arith.constant 0 : i32
    %dma_start3A_320 = arith.constant 0 : i32
    %dma_start3A_321 = tpu.memref_slice %arg3[%dma_start3A_319, %dma_start3A_320] : memref<100000x128xf32, #tpu.memory_space<hbm>> -> memref<100000x128xf32, #tpu.memory_space<hbm>>
    %dma_start3A_322 = tpu.memref_slice %arg9[%dma_start3A_311] : memref<5x!tpu.dma_semaphore, #tpu.memory_space<semaphore_mem>> -> memref<1x!tpu.dma_semaphore, #tpu.memory_space<semaphore_mem>>
    %dma_start3A_323 = tpu.memref_squeeze %dma_start3A_322 : memref<1x!tpu.dma_semaphore, #tpu.memory_space<semaphore_mem>> -> memref<!tpu.dma_semaphore, #tpu.memory_space<semaphore_mem>>
    tpu.enqueue_indirect_dma source(%dma_start3A_321 : memref<100000x128xf32, #tpu.memory_space<hbm>>) target(%dma_start3A_315 : memref<128x128xf32, #tpu.memory_space<vmem>>) offsets(%dma_start3A_318 : memref<128xi32, #tpu.memory_space<vmem>>) semaphore(%dma_start3A_323 : memref<!tpu.dma_semaphore, #tpu.memory_space<semaphore_mem>>)
    %dma_wait3A_324 = arith.constant 4 : i32
    %dma_wait3A_325 = arith.constant 4 : i32
    %dma_wait3A_326 = arith.constant 4 : i32
    %dma_wait3A_327 = arith.constant 0 : i32
    %dma_wait3A_328 = arith.constant 0 : i32
    %dma_wait3A_329 = tpu.memref_slice %arg8[%dma_wait3A_325, %dma_wait3A_327, %dma_wait3A_328] : memref<5x128x128xf32, #tpu.memory_space<vmem>> -> memref<1x128x128xf32, #tpu.memory_space<vmem>>
    %dma_wait3A_330 = tpu.memref_squeeze %dma_wait3A_329 : memref<1x128x128xf32, #tpu.memory_space<vmem>> -> memref<128x128xf32, #tpu.memory_space<vmem>>
    %dma_wait3A_331 = arith.constant 0 : i32
    %dma_wait3A_332 = tpu.memref_slice %arg6[%dma_wait3A_324, %dma_wait3A_331] : memref<50x128xi32, #tpu.memory_space<vmem>> -> memref<1x128xi32, #tpu.memory_space<vmem>>
    %dma_wait3A_333 = tpu.memref_squeeze %dma_wait3A_332 : memref<1x128xi32, #tpu.memory_space<vmem>> -> memref<128xi32, #tpu.memory_space<vmem>>
    %dma_wait3A_334 = arith.constant 0 : i32
    %dma_wait3A_335 = arith.constant 0 : i32
    %dma_wait3A_336 = tpu.memref_slice %arg3[%dma_wait3A_334, %dma_wait3A_335] : memref<100000x128xf32, #tpu.memory_space<hbm>> -> memref<100000x128xf32, #tpu.memory_space<hbm>>
    %dma_wait3A_337 = tpu.memref_slice %arg9[%dma_wait3A_326] : memref<5x!tpu.dma_semaphore, #tpu.memory_space<semaphore_mem>> -> memref<1x!tpu.dma_semaphore, #tpu.memory_space<semaphore_mem>>
    %dma_wait3A_338 = tpu.memref_squeeze %dma_wait3A_337 : memref<1x!tpu.dma_semaphore, #tpu.memory_space<semaphore_mem>> -> memref<!tpu.dma_semaphore, #tpu.memory_space<semaphore_mem>>
    tpu.wait_indirect_dma semaphore(%dma_wait3A_338 : memref<!tpu.dma_semaphore, #tpu.memory_space<semaphore_mem>>) src(%dma_wait3A_336 : memref<100000x128xf32, #tpu.memory_space<hbm>>) dst(%dma_wait3A_330 : memref<128x128xf32, #tpu.memory_space<vmem>>)
    %scan3A_339 = arith.constant 0 : i32
    %scan3A_340 = arith.constant 4 : i32
    %scan3A_341 = arith.constant 0 : i32
    %scan3A_342 = arith.constant 128 : i32
    %scan3A_343 = arith.addi %scan3A_341, %scan3A_342 : i32
    %scan3A_344 = arith.constant 1 : i32
    scf.for %scan3A_493 = %scan3A_341 to %scan3A_343 step %scan3A_344  : i32 {
      %get3A_494 = arith.constant 0 : i32
      %get3A_495 = arith.constant 0 : i32
      %get3A_496 = tpu.memref_slice %arg8[%scan3A_340, %get3A_494, %get3A_495] : memref<5x128x128xf32, #tpu.memory_space<vmem>> -> memref<1x128x128xf32, #tpu.memory_space<vmem>>
      %get3A_497 = tpu.memref_squeeze %get3A_496 : memref<1x128x128xf32, #tpu.memory_space<vmem>> -> memref<128x128xf32, #tpu.memory_space<vmem>>
      %get3A_498 = arith.index_cast %scan3A_493 : i32 to index
      %get3A_499 = arith.constant 0 : index
      %get3A_500 = tpu.vector_load %get3A_497[%get3A_498, %get3A_499] {strides = array<i32>} : memref<128x128xf32, #tpu.memory_space<vmem>>, vector<1x16xf32>,
      %get3A_501 = vector.shape_cast %get3A_500 : vector<1x16xf32> to vector<16xf32>
      %mul3A_502 = arith.mulf %get3A_501, %get3A_4 : vector<16xf32>
      %swap3A = arith.constant 0 : i32
      %swap3A_503 = arith.constant 0 : i32
      %swap3A_504 = tpu.memref_slice %arg8[%scan3A_340, %swap3A, %swap3A_503] : memref<5x128x128xf32, #tpu.memory_space<vmem>> -> memref<1x128x128xf32, #tpu.memory_space<vmem>>
      %swap3A_505 = tpu.memref_squeeze %swap3A_504 : memref<1x128x128xf32, #tpu.memory_space<vmem>> -> memref<128x128xf32, #tpu.memory_space<vmem>>
      %swap3A_506 = arith.index_cast %scan3A_493 : i32 to index
      %swap3A_507 = arith.constant 0 : index
      %swap3A_508 = tpu.vector_load %swap3A_505[%swap3A_506, %swap3A_507] {strides = array<i32>} : memref<128x128xf32, #tpu.memory_space<vmem>>, vector<1x16xf32>,
      %swap3A_509 = vector.shape_cast %swap3A_508 : vector<1x16xf32> to vector<16xf32>
      %swap3A_510 = vector.shape_cast %mul3A_502 : vector<16xf32> to vector<1x16xf32>
      tpu.vector_store %swap3A_505[%swap3A_506, %swap3A_507], %swap3A_510 {strides = array<i32>} : memref<128x128xf32, #tpu.memory_space<vmem>>, vector<1x16xf32>,
      %get3A_511 = arith.constant 0 : i32
      %get3A_512 = arith.constant 0 : i32
      %get3A_513 = tpu.memref_slice %arg8[%scan3A_340, %get3A_511, %get3A_512] : memref<5x128x128xf32, #tpu.memory_space<vmem>> -> memref<1x128x128xf32, #tpu.memory_space<vmem>>
      %get3A_514 = tpu.memref_squeeze %get3A_513 : memref<1x128x128xf32, #tpu.memory_space<vmem>> -> memref<128x128xf32, #tpu.memory_space<vmem>>
      %get3A_515 = arith.index_cast %scan3A_493 : i32 to index
      %get3A_516 = arith.constant 16 : index
      %get3A_517 = tpu.vector_load %get3A_514[%get3A_515, %get3A_516] {strides = array<i32>} : memref<128x128xf32, #tpu.memory_space<vmem>>, vector<1x16xf32>,
      %get3A_518 = vector.shape_cast %get3A_517 : vector<1x16xf32> to vector<16xf32>
      %mul3A_519 = arith.mulf %get3A_518, %get3A_7 : vector<16xf32>
      %swap3A_520 = arith.constant 0 : i32
      %swap3A_521 = arith.constant 0 : i32
      %swap3A_522 = tpu.memref_slice %arg8[%scan3A_340, %swap3A_520, %swap3A_521] : memref<5x128x128xf32, #tpu.memory_space<vmem>> -> memref<1x128x128xf32, #tpu.memory_space<vmem>>
      %swap3A_523 = tpu.memref_squeeze %swap3A_522 : memref<1x128x128xf32, #tpu.memory_space<vmem>> -> memref<128x128xf32, #tpu.memory_space<vmem>>
      %swap3A_524 = arith.index_cast %scan3A_493 : i32 to index
      %swap3A_525 = arith.constant 16 : index
      %swap3A_526 = tpu.vector_load %swap3A_523[%swap3A_524, %swap3A_525] {strides = array<i32>} : memref<128x128xf32, #tpu.memory_space<vmem>>, vector<1x16xf32>,
      %swap3A_527 = vector.shape_cast %swap3A_526 : vector<1x16xf32> to vector<16xf32>
      %swap3A_528 = vector.shape_cast %mul3A_519 : vector<16xf32> to vector<1x16xf32>
      tpu.vector_store %swap3A_523[%swap3A_524, %swap3A_525], %swap3A_528 {strides = array<i32>} : memref<128x128xf32, #tpu.memory_space<vmem>>, vector<1x16xf32>,
      %get3A_529 = arith.constant 0 : i32
      %get3A_530 = arith.constant 0 : i32
      %get3A_531 = tpu.memref_slice %arg8[%scan3A_340, %get3A_529, %get3A_530] : memref<5x128x128xf32, #tpu.memory_space<vmem>> -> memref<1x128x128xf32, #tpu.memory_space<vmem>>
      %get3A_532 = tpu.memref_squeeze %get3A_531 : memref<1x128x128xf32, #tpu.memory_space<vmem>> -> memref<128x128xf32, #tpu.memory_space<vmem>>
      %get3A_533 = arith.index_cast %scan3A_493 : i32 to index
      %get3A_534 = arith.constant 32 : index
      %get3A_535 = tpu.vector_load %get3A_532[%get3A_533, %get3A_534] {strides = array<i32>} : memref<128x128xf32, #tpu.memory_space<vmem>>, vector<1x16xf32>,
      %get3A_536 = vector.shape_cast %get3A_535 : vector<1x16xf32> to vector<16xf32>
      %mul3A_537 = arith.mulf %get3A_536, %get3A_10 : vector<16xf32>
      %swap3A_538 = arith.constant 0 : i32
      %swap3A_539 = arith.constant 0 : i32
      %swap3A_540 = tpu.memref_slice %arg8[%scan3A_340, %swap3A_538, %swap3A_539] : memref<5x128x128xf32, #tpu.memory_space<vmem>> -> memref<1x128x128xf32, #tpu.memory_space<vmem>>
      %swap3A_541 = tpu.memref_squeeze %swap3A_540 : memref<1x128x128xf32, #tpu.memory_space<vmem>> -> memref<128x128xf32, #tpu.memory_space<vmem>>
      %swap3A_542 = arith.index_cast %scan3A_493 : i32 to index
      %swap3A_543 = arith.constant 32 : index
      %swap3A_544 = tpu.vector_load %swap3A_541[%swap3A_542, %swap3A_543] {strides = array<i32>} : memref<128x128xf32, #tpu.memory_space<vmem>>, vector<1x16xf32>,
      %swap3A_545 = vector.shape_cast %swap3A_544 : vector<1x16xf32> to vector<16xf32>
      %swap3A_546 = vector.shape_cast %mul3A_537 : vector<16xf32> to vector<1x16xf32>
      tpu.vector_store %swap3A_541[%swap3A_542, %swap3A_543], %swap3A_546 {strides = array<i32>} : memref<128x128xf32, #tpu.memory_space<vmem>>, vector<1x16xf32>,
      %get3A_547 = arith.constant 0 : i32
      %get3A_548 = arith.constant 0 : i32
      %get3A_549 = tpu.memref_slice %arg8[%scan3A_340, %get3A_547, %get3A_548] : memref<5x128x128xf32, #tpu.memory_space<vmem>> -> memref<1x128x128xf32, #tpu.memory_space<vmem>>
      %get3A_550 = tpu.memref_squeeze %get3A_549 : memref<1x128x128xf32, #tpu.memory_space<vmem>> -> memref<128x128xf32, #tpu.memory_space<vmem>>
      %get3A_551 = arith.index_cast %scan3A_493 : i32 to index
      %get3A_552 = arith.constant 48 : index
      %get3A_553 = tpu.vector_load %get3A_550[%get3A_551, %get3A_552] {strides = array<i32>} : memref<128x128xf32, #tpu.memory_space<vmem>>, vector<1x16xf32>,
      %get3A_554 = vector.shape_cast %get3A_553 : vector<1x16xf32> to vector<16xf32>
      %mul3A_555 = arith.mulf %get3A_554, %get3A_13 : vector<16xf32>
      %swap3A_556 = arith.constant 0 : i32
      %swap3A_557 = arith.constant 0 : i32
      %swap3A_558 = tpu.memref_slice %arg8[%scan3A_340, %swap3A_556, %swap3A_557] : memref<5x128x128xf32, #tpu.memory_space<vmem>> -> memref<1x128x128xf32, #tpu.memory_space<vmem>>
      %swap3A_559 = tpu.memref_squeeze %swap3A_558 : memref<1x128x128xf32, #tpu.memory_space<vmem>> -> memref<128x128xf32, #tpu.memory_space<vmem>>
      %swap3A_560 = arith.index_cast %scan3A_493 : i32 to index
      %swap3A_561 = arith.constant 48 : index
      %swap3A_562 = tpu.vector_load %swap3A_559[%swap3A_560, %swap3A_561] {strides = array<i32>} : memref<128x128xf32, #tpu.memory_space<vmem>>, vector<1x16xf32>,
      %swap3A_563 = vector.shape_cast %swap3A_562 : vector<1x16xf32> to vector<16xf32>
      %swap3A_564 = vector.shape_cast %mul3A_555 : vector<16xf32> to vector<1x16xf32>
      tpu.vector_store %swap3A_559[%swap3A_560, %swap3A_561], %swap3A_564 {strides = array<i32>} : memref<128x128xf32, #tpu.memory_space<vmem>>, vector<1x16xf32>,
      %get3A_565 = arith.constant 0 : i32
      %get3A_566 = arith.constant 0 : i32
      %get3A_567 = tpu.memref_slice %arg8[%scan3A_340, %get3A_565, %get3A_566] : memref<5x128x128xf32, #tpu.memory_space<vmem>> -> memref<1x128x128xf32, #tpu.memory_space<vmem>>
      %get3A_568 = tpu.memref_squeeze %get3A_567 : memref<1x128x128xf32, #tpu.memory_space<vmem>> -> memref<128x128xf32, #tpu.memory_space<vmem>>
      %get3A_569 = arith.index_cast %scan3A_493 : i32 to index
      %get3A_570 = arith.constant 64 : index
      %get3A_571 = tpu.vector_load %get3A_568[%get3A_569, %get3A_570] {strides = array<i32>} : memref<128x128xf32, #tpu.memory_space<vmem>>, vector<1x16xf32>,
      %get3A_572 = vector.shape_cast %get3A_571 : vector<1x16xf32> to vector<16xf32>
      %mul3A_573 = arith.mulf %get3A_572, %get3A_16 : vector<16xf32>
      %swap3A_574 = arith.constant 0 : i32
      %swap3A_575 = arith.constant 0 : i32
      %swap3A_576 = tpu.memref_slice %arg8[%scan3A_340, %swap3A_574, %swap3A_575] : memref<5x128x128xf32, #tpu.memory_space<vmem>> -> memref<1x128x128xf32, #tpu.memory_space<vmem>>
      %swap3A_577 = tpu.memref_squeeze %swap3A_576 : memref<1x128x128xf32, #tpu.memory_space<vmem>> -> memref<128x128xf32, #tpu.memory_space<vmem>>
      %swap3A_578 = arith.index_cast %scan3A_493 : i32 to index
      %swap3A_579 = arith.constant 64 : index
      %swap3A_580 = tpu.vector_load %swap3A_577[%swap3A_578, %swap3A_579] {strides = array<i32>} : memref<128x128xf32, #tpu.memory_space<vmem>>, vector<1x16xf32>,
      %swap3A_581 = vector.shape_cast %swap3A_580 : vector<1x16xf32> to vector<16xf32>
      %swap3A_582 = vector.shape_cast %mul3A_573 : vector<16xf32> to vector<1x16xf32>
      tpu.vector_store %swap3A_577[%swap3A_578, %swap3A_579], %swap3A_582 {strides = array<i32>} : memref<128x128xf32, #tpu.memory_space<vmem>>, vector<1x16xf32>,
      %get3A_583 = arith.constant 0 : i32
      %get3A_584 = arith.constant 0 : i32
      %get3A_585 = tpu.memref_slice %arg8[%scan3A_340, %get3A_583, %get3A_584] : memref<5x128x128xf32, #tpu.memory_space<vmem>> -> memref<1x128x128xf32, #tpu.memory_space<vmem>>
      %get3A_586 = tpu.memref_squeeze %get3A_585 : memref<1x128x128xf32, #tpu.memory_space<vmem>> -> memref<128x128xf32, #tpu.memory_space<vmem>>
      %get3A_587 = arith.index_cast %scan3A_493 : i32 to index
      %get3A_588 = arith.constant 80 : index
      %get3A_589 = tpu.vector_load %get3A_586[%get3A_587, %get3A_588] {strides = array<i32>} : memref<128x128xf32, #tpu.memory_space<vmem>>, vector<1x16xf32>,
      %get3A_590 = vector.shape_cast %get3A_589 : vector<1x16xf32> to vector<16xf32>
      %mul3A_591 = arith.mulf %get3A_590, %get3A_19 : vector<16xf32>
      %swap3A_592 = arith.constant 0 : i32
      %swap3A_593 = arith.constant 0 : i32
      %swap3A_594 = tpu.memref_slice %arg8[%scan3A_340, %swap3A_592, %swap3A_593] : memref<5x128x128xf32, #tpu.memory_space<vmem>> -> memref<1x128x128xf32, #tpu.memory_space<vmem>>
      %swap3A_595 = tpu.memref_squeeze %swap3A_594 : memref<1x128x128xf32, #tpu.memory_space<vmem>> -> memref<128x128xf32, #tpu.memory_space<vmem>>
      %swap3A_596 = arith.index_cast %scan3A_493 : i32 to index
      %swap3A_597 = arith.constant 80 : index
      %swap3A_598 = tpu.vector_load %swap3A_595[%swap3A_596, %swap3A_597] {strides = array<i32>} : memref<128x128xf32, #tpu.memory_space<vmem>>, vector<1x16xf32>,
      %swap3A_599 = vector.shape_cast %swap3A_598 : vector<1x16xf32> to vector<16xf32>
      %swap3A_600 = vector.shape_cast %mul3A_591 : vector<16xf32> to vector<1x16xf32>
      tpu.vector_store %swap3A_595[%swap3A_596, %swap3A_597], %swap3A_600 {strides = array<i32>} : memref<128x128xf32, #tpu.memory_space<vmem>>, vector<1x16xf32>,
      %get3A_601 = arith.constant 0 : i32
      %get3A_602 = arith.constant 0 : i32
      %get3A_603 = tpu.memref_slice %arg8[%scan3A_340, %get3A_601, %get3A_602] : memref<5x128x128xf32, #tpu.memory_space<vmem>> -> memref<1x128x128xf32, #tpu.memory_space<vmem>>
      %get3A_604 = tpu.memref_squeeze %get3A_603 : memref<1x128x128xf32, #tpu.memory_space<vmem>> -> memref<128x128xf32, #tpu.memory_space<vmem>>
      %get3A_605 = arith.index_cast %scan3A_493 : i32 to index
      %get3A_606 = arith.constant 96 : index
      %get3A_607 = tpu.vector_load %get3A_604[%get3A_605, %get3A_606] {strides = array<i32>} : memref<128x128xf32, #tpu.memory_space<vmem>>, vector<1x16xf32>,
      %get3A_608 = vector.shape_cast %get3A_607 : vector<1x16xf32> to vector<16xf32>
      %mul3A_609 = arith.mulf %get3A_608, %get3A_22 : vector<16xf32>
      %swap3A_610 = arith.constant 0 : i32
      %swap3A_611 = arith.constant 0 : i32
      %swap3A_612 = tpu.memref_slice %arg8[%scan3A_340, %swap3A_610, %swap3A_611] : memref<5x128x128xf32, #tpu.memory_space<vmem>> -> memref<1x128x128xf32, #tpu.memory_space<vmem>>
      %swap3A_613 = tpu.memref_squeeze %swap3A_612 : memref<1x128x128xf32, #tpu.memory_space<vmem>> -> memref<128x128xf32, #tpu.memory_space<vmem>>
      %swap3A_614 = arith.index_cast %scan3A_493 : i32 to index
      %swap3A_615 = arith.constant 96 : index
      %swap3A_616 = tpu.vector_load %swap3A_613[%swap3A_614, %swap3A_615] {strides = array<i32>} : memref<128x128xf32, #tpu.memory_space<vmem>>, vector<1x16xf32>,
      %swap3A_617 = vector.shape_cast %swap3A_616 : vector<1x16xf32> to vector<16xf32>
      %swap3A_618 = vector.shape_cast %mul3A_609 : vector<16xf32> to vector<1x16xf32>
      tpu.vector_store %swap3A_613[%swap3A_614, %swap3A_615], %swap3A_618 {strides = array<i32>} : memref<128x128xf32, #tpu.memory_space<vmem>>, vector<1x16xf32>,
      %get3A_619 = arith.constant 0 : i32
      %get3A_620 = arith.constant 0 : i32
      %get3A_621 = tpu.memref_slice %arg8[%scan3A_340, %get3A_619, %get3A_620] : memref<5x128x128xf32, #tpu.memory_space<vmem>> -> memref<1x128x128xf32, #tpu.memory_space<vmem>>
      %get3A_622 = tpu.memref_squeeze %get3A_621 : memref<1x128x128xf32, #tpu.memory_space<vmem>> -> memref<128x128xf32, #tpu.memory_space<vmem>>
      %get3A_623 = arith.index_cast %scan3A_493 : i32 to index
      %get3A_624 = arith.constant 112 : index
      %get3A_625 = tpu.vector_load %get3A_622[%get3A_623, %get3A_624] {strides = array<i32>} : memref<128x128xf32, #tpu.memory_space<vmem>>, vector<1x16xf32>,
      %get3A_626 = vector.shape_cast %get3A_625 : vector<1x16xf32> to vector<16xf32>
      %mul3A_627 = arith.mulf %get3A_626, %get3A_25 : vector<16xf32>
      %swap3A_628 = arith.constant 0 : i32
      %swap3A_629 = arith.constant 0 : i32
      %swap3A_630 = tpu.memref_slice %arg8[%scan3A_340, %swap3A_628, %swap3A_629] : memref<5x128x128xf32, #tpu.memory_space<vmem>> -> memref<1x128x128xf32, #tpu.memory_space<vmem>>
      %swap3A_631 = tpu.memref_squeeze %swap3A_630 : memref<1x128x128xf32, #tpu.memory_space<vmem>> -> memref<128x128xf32, #tpu.memory_space<vmem>>
      %swap3A_632 = arith.index_cast %scan3A_493 : i32 to index
      %swap3A_633 = arith.constant 112 : index
      %swap3A_634 = tpu.vector_load %swap3A_631[%swap3A_632, %swap3A_633] {strides = array<i32>} : memref<128x128xf32, #tpu.memory_space<vmem>>, vector<1x16xf32>,
      %swap3A_635 = vector.shape_cast %swap3A_634 : vector<1x16xf32> to vector<16xf32>
      %swap3A_636 = vector.shape_cast %mul3A_627 : vector<16xf32> to vector<1x16xf32>
      tpu.vector_store %swap3A_631[%swap3A_632, %swap3A_633], %swap3A_636 {strides = array<i32>} : memref<128x128xf32, #tpu.memory_space<vmem>>, vector<1x16xf32>,
    }
    %scan3A_345 = arith.constant 128 : i32
    %add3A_346 = arith.constant 512 : i32
    %add3A_347 = arith.addi %mul3A_2, %add3A_346 : i32
    %dma_start3A_348 = arith.constant 4 : i32
    %dma_start3A_349 = arith.constant 4 : i32
    %dma_start3A_350 = arith.constant 0 : i32
    %dma_start3A_351 = arith.constant 0 : i32
    %dma_start3A_352 = tpu.memref_slice %arg8[%dma_start3A_348, %dma_start3A_350, %dma_start3A_351] : memref<5x128x128xf32, #tpu.memory_space<vmem>> -> memref<1x128x128xf32, #tpu.memory_space<vmem>>
    %dma_start3A_353 = tpu.memref_squeeze %dma_start3A_352 : memref<1x128x128xf32, #tpu.memory_space<vmem>> -> memref<128x128xf32, #tpu.memory_space<vmem>>
    %dma_start3A_354 = arith.constant 0 : i32
    %dma_start3A_355 = tpu.memref_slice %arg5[%add3A_347, %dma_start3A_354] : memref<204800x128xf32, #tpu.memory_space<hbm>> -> memref<128x128xf32, #tpu.memory_space<hbm>>
    %dma_start3A_356 = tpu.memref_slice %arg10[%dma_start3A_349] : memref<5x!tpu.dma_semaphore, #tpu.memory_space<semaphore_mem>> -> memref<1x!tpu.dma_semaphore, #tpu.memory_space<semaphore_mem>>
    %dma_start3A_357 = tpu.memref_squeeze %dma_start3A_356 : memref<1x!tpu.dma_semaphore, #tpu.memory_space<semaphore_mem>> -> memref<!tpu.dma_semaphore, #tpu.memory_space<semaphore_mem>>
    %dma_start3A_358 = arith.constant 0 : i32
    %dma_start3A_359 = tpu.memref_slice %arg5[%add3A_347, %dma_start3A_358] : memref<204800x128xf32, #tpu.memory_space<hbm>> -> memref<128x128xf32, #tpu.memory_space<hbm>>
    %dma_start3A_360 = arith.constant 0 : i32
    %dma_start3A_361 = arith.constant 0 : i32
    %dma_start3A_362 = tpu.memref_slice %arg8[%dma_start3A_348, %dma_start3A_360, %dma_start3A_361] : memref<5x128x128xf32, #tpu.memory_space<vmem>> -> memref<1x128x128xf32, #tpu.memory_space<vmem>>
    %dma_start3A_363 = tpu.memref_squeeze %dma_start3A_362 : memref<1x128x128xf32, #tpu.memory_space<vmem>> -> memref<128x128xf32, #tpu.memory_space<vmem>>
    tpu.enqueue_dma source(%dma_start3A_363 : memref<128x128xf32, #tpu.memory_space<vmem>>) target(%dma_start3A_359 : memref<128x128xf32, #tpu.memory_space<hbm>>) target_semaphore(%dma_start3A_357 : memref<!tpu.dma_semaphore, #tpu.memory_space<semaphore_mem>>)
    %add3A_364 = arith.constant 256 : i32
    %add3A_365 = arith.addi %mul3A_2, %add3A_364 : i32
    %dma_wait3A_366 = arith.constant 2 : i32
    %dma_wait3A_367 = arith.constant 2 : i32
    %dma_wait3A_368 = arith.constant 0 : i32
    %dma_wait3A_369 = arith.constant 0 : i32
    %dma_wait3A_370 = tpu.memref_slice %arg8[%dma_wait3A_366, %dma_wait3A_368, %dma_wait3A_369] : memref<5x128x128xf32, #tpu.memory_space<vmem>> -> memref<1x128x128xf32, #tpu.memory_space<vmem>>
    %dma_wait3A_371 = tpu.memref_squeeze %dma_wait3A_370 : memref<1x128x128xf32, #tpu.memory_space<vmem>> -> memref<128x128xf32, #tpu.memory_space<vmem>>
    %dma_wait3A_372 = arith.constant 0 : i32
    %dma_wait3A_373 = tpu.memref_slice %arg5[%add3A_365, %dma_wait3A_372] : memref<204800x128xf32, #tpu.memory_space<hbm>> -> memref<128x128xf32, #tpu.memory_space<hbm>>
    %dma_wait3A_374 = tpu.memref_slice %arg10[%dma_wait3A_367] : memref<5x!tpu.dma_semaphore, #tpu.memory_space<semaphore_mem>> -> memref<1x!tpu.dma_semaphore, #tpu.memory_space<semaphore_mem>>
    %dma_wait3A_375 = tpu.memref_squeeze %dma_wait3A_374 : memref<1x!tpu.dma_semaphore, #tpu.memory_space<semaphore_mem>> -> memref<!tpu.dma_semaphore, #tpu.memory_space<semaphore_mem>>
    %dma_wait3A_376 = arith.constant 0 : i32
    %dma_wait3A_377 = tpu.memref_slice %arg5[%add3A_365, %dma_wait3A_376] : memref<204800x128xf32, #tpu.memory_space<hbm>> -> memref<128x128xf32, #tpu.memory_space<hbm>>
    %dma_wait3A_378 = arith.constant 0 : i32
    %dma_wait3A_379 = arith.constant 0 : i32
    %dma_wait3A_380 = tpu.memref_slice %arg8[%dma_wait3A_366, %dma_wait3A_378, %dma_wait3A_379] : memref<5x128x128xf32, #tpu.memory_space<vmem>> -> memref<1x128x128xf32, #tpu.memory_space<vmem>>
    %dma_wait3A_381 = tpu.memref_squeeze %dma_wait3A_380 : memref<1x128x128xf32, #tpu.memory_space<vmem>> -> memref<128x128xf32, #tpu.memory_space<vmem>>
    tpu.wait_dma2 semaphore(%dma_wait3A_375 : memref<!tpu.dma_semaphore, #tpu.memory_space<semaphore_mem>>) src(%dma_wait3A_381 : memref<128x128xf32, #tpu.memory_space<vmem>>) dst(%dma_wait3A_377 : memref<128x128xf32, #tpu.memory_space<hbm>>)
    %dma_start3A_382 = arith.constant 7 : i32
    %dma_start3A_383 = arith.constant 2 : i32
    %dma_start3A_384 = arith.constant 2 : i32
    %dma_start3A_385 = arith.constant 0 : i32
    %dma_start3A_386 = arith.constant 0 : i32
    %dma_start3A_387 = tpu.memref_slice %arg8[%dma_start3A_383, %dma_start3A_385, %dma_start3A_386] : memref<5x128x128xf32, #tpu.memory_space<vmem>> -> memref<1x128x128xf32, #tpu.memory_space<vmem>>
    %dma_start3A_388 = tpu.memref_squeeze %dma_start3A_387 : memref<1x128x128xf32, #tpu.memory_space<vmem>> -> memref<128x128xf32, #tpu.memory_space<vmem>>
    %dma_start3A_389 = arith.constant 0 : i32
    %dma_start3A_390 = tpu.memref_slice %arg6[%dma_start3A_382, %dma_start3A_389] : memref<50x128xi32, #tpu.memory_space<vmem>> -> memref<1x128xi32, #tpu.memory_space<vmem>>
    %dma_start3A_391 = tpu.memref_squeeze %dma_start3A_390 : memref<1x128xi32, #tpu.memory_space<vmem>> -> memref<128xi32, #tpu.memory_space<vmem>>
    %dma_start3A_392 = arith.constant 0 : i32
    %dma_start3A_393 = arith.constant 0 : i32
    %dma_start3A_394 = tpu.memref_slice %arg3[%dma_start3A_392, %dma_start3A_393] : memref<100000x128xf32, #tpu.memory_space<hbm>> -> memref<100000x128xf32, #tpu.memory_space<hbm>>
    %dma_start3A_395 = tpu.memref_slice %arg9[%dma_start3A_384] : memref<5x!tpu.dma_semaphore, #tpu.memory_space<semaphore_mem>> -> memref<1x!tpu.dma_semaphore, #tpu.memory_space<semaphore_mem>>
    %dma_start3A_396 = tpu.memref_squeeze %dma_start3A_395 : memref<1x!tpu.dma_semaphore, #tpu.memory_space<semaphore_mem>> -> memref<!tpu.dma_semaphore, #tpu.memory_space<semaphore_mem>>
    tpu.enqueue_indirect_dma source(%dma_start3A_394 : memref<100000x128xf32, #tpu.memory_space<hbm>>) target(%dma_start3A_388 : memref<128x128xf32, #tpu.memory_space<vmem>>) offsets(%dma_start3A_391 : memref<128xi32, #tpu.memory_space<vmem>>) semaphore(%dma_start3A_396 : memref<!tpu.dma_semaphore, #tpu.memory_space<semaphore_mem>>)
    %scan3A_397 = arith.constant 0 : i32
    %scan3A_398 = arith.constant 1 : i32
    %scan3A_399 = arith.constant 9 : i32
    %scan3A_400 = arith.addi %scan3A_398, %scan3A_399 : i32
    %scan3A_401 = arith.constant 1 : i32
    scf.for %scan3A_493 = %scan3A_398 to %scan3A_400 step %scan3A_401  : i32 {
      %mul3A_494 = arith.constant 5 : i32
      %mul3A_495 = arith.muli %scan3A_493, %mul3A_494 : i32
      %add3A_496 = arith.constant 0 : i32
      %add3A_497 = arith.addi %mul3A_495, %add3A_496 : i32
      %dma_wait3A_498 = arith.constant 0 : i32
      %dma_wait3A_499 = arith.constant 0 : i32
      %dma_wait3A_500 = arith.constant 0 : i32
      %dma_wait3A_501 = arith.constant 0 : i32
      %dma_wait3A_502 = tpu.memref_slice %arg8[%dma_wait3A_498, %dma_wait3A_500, %dma_wait3A_501] : memref<5x128x128xf32, #tpu.memory_space<vmem>> -> memref<1x128x128xf32, #tpu.memory_space<vmem>>
      %dma_wait3A_503 = tpu.memref_squeeze %dma_wait3A_502 : memref<1x128x128xf32, #tpu.memory_space<vmem>> -> memref<128x128xf32, #tpu.memory_space<vmem>>
      %dma_wait3A_504 = arith.constant 0 : i32
      %dma_wait3A_505 = tpu.memref_slice %arg6[%add3A_497, %dma_wait3A_504] : memref<50x128xi32, #tpu.memory_space<vmem>> -> memref<1x128xi32, #tpu.memory_space<vmem>>
      %dma_wait3A_506 = tpu.memref_squeeze %dma_wait3A_505 : memref<1x128xi32, #tpu.memory_space<vmem>> -> memref<128xi32, #tpu.memory_space<vmem>>
      %dma_wait3A_507 = arith.constant 0 : i32
      %dma_wait3A_508 = arith.constant 0 : i32
      %dma_wait3A_509 = tpu.memref_slice %arg3[%dma_wait3A_507, %dma_wait3A_508] : memref<100000x128xf32, #tpu.memory_space<hbm>> -> memref<100000x128xf32, #tpu.memory_space<hbm>>
      %dma_wait3A_510 = tpu.memref_slice %arg9[%dma_wait3A_499] : memref<5x!tpu.dma_semaphore, #tpu.memory_space<semaphore_mem>> -> memref<1x!tpu.dma_semaphore, #tpu.memory_space<semaphore_mem>>
      %dma_wait3A_511 = tpu.memref_squeeze %dma_wait3A_510 : memref<1x!tpu.dma_semaphore, #tpu.memory_space<semaphore_mem>> -> memref<!tpu.dma_semaphore, #tpu.memory_space<semaphore_mem>>
      tpu.wait_indirect_dma semaphore(%dma_wait3A_511 : memref<!tpu.dma_semaphore, #tpu.memory_space<semaphore_mem>>) src(%dma_wait3A_509 : memref<100000x128xf32, #tpu.memory_space<hbm>>) dst(%dma_wait3A_503 : memref<128x128xf32, #tpu.memory_space<vmem>>)
      %scan3A_512 = arith.constant 0 : i32
      %scan3A_513 = arith.constant 0 : i32
      %scan3A_514 = arith.constant 0 : i32
      %scan3A_515 = arith.constant 128 : i32
      %scan3A_516 = arith.addi %scan3A_514, %scan3A_515 : i32
      %scan3A_517 = arith.constant 1 : i32
      scf.for %scan3A_738 = %scan3A_514 to %scan3A_516 step %scan3A_517  : i32 {
        %get3A_739 = arith.constant 0 : i32
        %get3A_740 = arith.constant 0 : i32
        %get3A_741 = tpu.memref_slice %arg8[%scan3A_513, %get3A_739, %get3A_740] : memref<5x128x128xf32, #tpu.memory_space<vmem>> -> memref<1x128x128xf32, #tpu.memory_space<vmem>>
        %get3A_742 = tpu.memref_squeeze %get3A_741 : memref<1x128x128xf32, #tpu.memory_space<vmem>> -> memref<128x128xf32, #tpu.memory_space<vmem>>
        %get3A_743 = arith.index_cast %scan3A_738 : i32 to index
        %get3A_744 = arith.constant 0 : index
        %get3A_745 = tpu.vector_load %get3A_742[%get3A_743, %get3A_744] {strides = array<i32>} : memref<128x128xf32, #tpu.memory_space<vmem>>, vector<1x16xf32>,
        %get3A_746 = vector.shape_cast %get3A_745 : vector<1x16xf32> to vector<16xf32>
        %mul3A_747 = arith.mulf %get3A_746, %get3A_4 : vector<16xf32>
        %swap3A = arith.constant 0 : i32
        %swap3A_748 = arith.constant 0 : i32
        %swap3A_749 = tpu.memref_slice %arg8[%scan3A_513, %swap3A, %swap3A_748] : memref<5x128x128xf32, #tpu.memory_space<vmem>> -> memref<1x128x128xf32, #tpu.memory_space<vmem>>
        %swap3A_750 = tpu.memref_squeeze %swap3A_749 : memref<1x128x128xf32, #tpu.memory_space<vmem>> -> memref<128x128xf32, #tpu.memory_space<vmem>>
        %swap3A_751 = arith.index_cast %scan3A_738 : i32 to index
        %swap3A_752 = arith.constant 0 : index
        %swap3A_753 = tpu.vector_load %swap3A_750[%swap3A_751, %swap3A_752] {strides = array<i32>} : memref<128x128xf32, #tpu.memory_space<vmem>>, vector<1x16xf32>,
        %swap3A_754 = vector.shape_cast %swap3A_753 : vector<1x16xf32> to vector<16xf32>
        %swap3A_755 = vector.shape_cast %mul3A_747 : vector<16xf32> to vector<1x16xf32>
        tpu.vector_store %swap3A_750[%swap3A_751, %swap3A_752], %swap3A_755 {strides = array<i32>} : memref<128x128xf32, #tpu.memory_space<vmem>>, vector<1x16xf32>,
        %get3A_756 = arith.constant 0 : i32
        %get3A_757 = arith.constant 0 : i32
        %get3A_758 = tpu.memref_slice %arg8[%scan3A_513, %get3A_756, %get3A_757] : memref<5x128x128xf32, #tpu.memory_space<vmem>> -> memref<1x128x128xf32, #tpu.memory_space<vmem>>
        %get3A_759 = tpu.memref_squeeze %get3A_758 : memref<1x128x128xf32, #tpu.memory_space<vmem>> -> memref<128x128xf32, #tpu.memory_space<vmem>>
        %get3A_760 = arith.index_cast %scan3A_738 : i32 to index
        %get3A_761 = arith.constant 16 : index
        %get3A_762 = tpu.vector_load %get3A_759[%get3A_760, %get3A_761] {strides = array<i32>} : memref<128x128xf32, #tpu.memory_space<vmem>>, vector<1x16xf32>,
        %get3A_763 = vector.shape_cast %get3A_762 : vector<1x16xf32> to vector<16xf32>
        %mul3A_764 = arith.mulf %get3A_763, %get3A_7 : vector<16xf32>
        %swap3A_765 = arith.constant 0 : i32
        %swap3A_766 = arith.constant 0 : i32
        %swap3A_767 = tpu.memref_slice %arg8[%scan3A_513, %swap3A_765, %swap3A_766] : memref<5x128x128xf32, #tpu.memory_space<vmem>> -> memref<1x128x128xf32, #tpu.memory_space<vmem>>
        %swap3A_768 = tpu.memref_squeeze %swap3A_767 : memref<1x128x128xf32, #tpu.memory_space<vmem>> -> memref<128x128xf32, #tpu.memory_space<vmem>>
        %swap3A_769 = arith.index_cast %scan3A_738 : i32 to index
        %swap3A_770 = arith.constant 16 : index
        %swap3A_771 = tpu.vector_load %swap3A_768[%swap3A_769, %swap3A_770] {strides = array<i32>} : memref<128x128xf32, #tpu.memory_space<vmem>>, vector<1x16xf32>,
        %swap3A_772 = vector.shape_cast %swap3A_771 : vector<1x16xf32> to vector<16xf32>
        %swap3A_773 = vector.shape_cast %mul3A_764 : vector<16xf32> to vector<1x16xf32>
        tpu.vector_store %swap3A_768[%swap3A_769, %swap3A_770], %swap3A_773 {strides = array<i32>} : memref<128x128xf32, #tpu.memory_space<vmem>>, vector<1x16xf32>,
        %get3A_774 = arith.constant 0 : i32
        %get3A_775 = arith.constant 0 : i32
        %get3A_776 = tpu.memref_slice %arg8[%scan3A_513, %get3A_774, %get3A_775] : memref<5x128x128xf32, #tpu.memory_space<vmem>> -> memref<1x128x128xf32, #tpu.memory_space<vmem>>
        %get3A_777 = tpu.memref_squeeze %get3A_776 : memref<1x128x128xf32, #tpu.memory_space<vmem>> -> memref<128x128xf32, #tpu.memory_space<vmem>>
        %get3A_778 = arith.index_cast %scan3A_738 : i32 to index
        %get3A_779 = arith.constant 32 : index
        %get3A_780 = tpu.vector_load %get3A_777[%get3A_778, %get3A_779] {strides = array<i32>} : memref<128x128xf32, #tpu.memory_space<vmem>>, vector<1x16xf32>,
        %get3A_781 = vector.shape_cast %get3A_780 : vector<1x16xf32> to vector<16xf32>
        %mul3A_782 = arith.mulf %get3A_781, %get3A_10 : vector<16xf32>
        %swap3A_783 = arith.constant 0 : i32
        %swap3A_784 = arith.constant 0 : i32
        %swap3A_785 = tpu.memref_slice %arg8[%scan3A_513, %swap3A_783, %swap3A_784] : memref<5x128x128xf32, #tpu.memory_space<vmem>> -> memref<1x128x128xf32, #tpu.memory_space<vmem>>
        %swap3A_786 = tpu.memref_squeeze %swap3A_785 : memref<1x128x128xf32, #tpu.memory_space<vmem>> -> memref<128x128xf32, #tpu.memory_space<vmem>>
        %swap3A_787 = arith.index_cast %scan3A_738 : i32 to index
        %swap3A_788 = arith.constant 32 : index
        %swap3A_789 = tpu.vector_load %swap3A_786[%swap3A_787, %swap3A_788] {strides = array<i32>} : memref<128x128xf32, #tpu.memory_space<vmem>>, vector<1x16xf32>,
        %swap3A_790 = vector.shape_cast %swap3A_789 : vector<1x16xf32> to vector<16xf32>
        %swap3A_791 = vector.shape_cast %mul3A_782 : vector<16xf32> to vector<1x16xf32>
        tpu.vector_store %swap3A_786[%swap3A_787, %swap3A_788], %swap3A_791 {strides = array<i32>} : memref<128x128xf32, #tpu.memory_space<vmem>>, vector<1x16xf32>,
        %get3A_792 = arith.constant 0 : i32
        %get3A_793 = arith.constant 0 : i32
        %get3A_794 = tpu.memref_slice %arg8[%scan3A_513, %get3A_792, %get3A_793] : memref<5x128x128xf32, #tpu.memory_space<vmem>> -> memref<1x128x128xf32, #tpu.memory_space<vmem>>
        %get3A_795 = tpu.memref_squeeze %get3A_794 : memref<1x128x128xf32, #tpu.memory_space<vmem>> -> memref<128x128xf32, #tpu.memory_space<vmem>>
        %get3A_796 = arith.index_cast %scan3A_738 : i32 to index
        %get3A_797 = arith.constant 48 : index
        %get3A_798 = tpu.vector_load %get3A_795[%get3A_796, %get3A_797] {strides = array<i32>} : memref<128x128xf32, #tpu.memory_space<vmem>>, vector<1x16xf32>,
        %get3A_799 = vector.shape_cast %get3A_798 : vector<1x16xf32> to vector<16xf32>
        %mul3A_800 = arith.mulf %get3A_799, %get3A_13 : vector<16xf32>
        %swap3A_801 = arith.constant 0 : i32
        %swap3A_802 = arith.constant 0 : i32
        %swap3A_803 = tpu.memref_slice %arg8[%scan3A_513, %swap3A_801, %swap3A_802] : memref<5x128x128xf32, #tpu.memory_space<vmem>> -> memref<1x128x128xf32, #tpu.memory_space<vmem>>
        %swap3A_804 = tpu.memref_squeeze %swap3A_803 : memref<1x128x128xf32, #tpu.memory_space<vmem>> -> memref<128x128xf32, #tpu.memory_space<vmem>>
        %swap3A_805 = arith.index_cast %scan3A_738 : i32 to index
        %swap3A_806 = arith.constant 48 : index
        %swap3A_807 = tpu.vector_load %swap3A_804[%swap3A_805, %swap3A_806] {strides = array<i32>} : memref<128x128xf32, #tpu.memory_space<vmem>>, vector<1x16xf32>,
        %swap3A_808 = vector.shape_cast %swap3A_807 : vector<1x16xf32> to vector<16xf32>
        %swap3A_809 = vector.shape_cast %mul3A_800 : vector<16xf32> to vector<1x16xf32>
        tpu.vector_store %swap3A_804[%swap3A_805, %swap3A_806], %swap3A_809 {strides = array<i32>} : memref<128x128xf32, #tpu.memory_space<vmem>>, vector<1x16xf32>,
        %get3A_810 = arith.constant 0 : i32
        %get3A_811 = arith.constant 0 : i32
        %get3A_812 = tpu.memref_slice %arg8[%scan3A_513, %get3A_810, %get3A_811] : memref<5x128x128xf32, #tpu.memory_space<vmem>> -> memref<1x128x128xf32, #tpu.memory_space<vmem>>
        %get3A_813 = tpu.memref_squeeze %get3A_812 : memref<1x128x128xf32, #tpu.memory_space<vmem>> -> memref<128x128xf32, #tpu.memory_space<vmem>>
        %get3A_814 = arith.index_cast %scan3A_738 : i32 to index
        %get3A_815 = arith.constant 64 : index
        %get3A_816 = tpu.vector_load %get3A_813[%get3A_814, %get3A_815] {strides = array<i32>} : memref<128x128xf32, #tpu.memory_space<vmem>>, vector<1x16xf32>,
        %get3A_817 = vector.shape_cast %get3A_816 : vector<1x16xf32> to vector<16xf32>
        %mul3A_818 = arith.mulf %get3A_817, %get3A_16 : vector<16xf32>
        %swap3A_819 = arith.constant 0 : i32
        %swap3A_820 = arith.constant 0 : i32
        %swap3A_821 = tpu.memref_slice %arg8[%scan3A_513, %swap3A_819, %swap3A_820] : memref<5x128x128xf32, #tpu.memory_space<vmem>> -> memref<1x128x128xf32, #tpu.memory_space<vmem>>
        %swap3A_822 = tpu.memref_squeeze %swap3A_821 : memref<1x128x128xf32, #tpu.memory_space<vmem>> -> memref<128x128xf32, #tpu.memory_space<vmem>>
        %swap3A_823 = arith.index_cast %scan3A_738 : i32 to index
        %swap3A_824 = arith.constant 64 : index
        %swap3A_825 = tpu.vector_load %swap3A_822[%swap3A_823, %swap3A_824] {strides = array<i32>} : memref<128x128xf32, #tpu.memory_space<vmem>>, vector<1x16xf32>,
        %swap3A_826 = vector.shape_cast %swap3A_825 : vector<1x16xf32> to vector<16xf32>
        %swap3A_827 = vector.shape_cast %mul3A_818 : vector<16xf32> to vector<1x16xf32>
        tpu.vector_store %swap3A_822[%swap3A_823, %swap3A_824], %swap3A_827 {strides = array<i32>} : memref<128x128xf32, #tpu.memory_space<vmem>>, vector<1x16xf32>,
        %get3A_828 = arith.constant 0 : i32
        %get3A_829 = arith.constant 0 : i32
        %get3A_830 = tpu.memref_slice %arg8[%scan3A_513, %get3A_828, %get3A_829] : memref<5x128x128xf32, #tpu.memory_space<vmem>> -> memref<1x128x128xf32, #tpu.memory_space<vmem>>
        %get3A_831 = tpu.memref_squeeze %get3A_830 : memref<1x128x128xf32, #tpu.memory_space<vmem>> -> memref<128x128xf32, #tpu.memory_space<vmem>>
        %get3A_832 = arith.index_cast %scan3A_738 : i32 to index
        %get3A_833 = arith.constant 80 : index
        %get3A_834 = tpu.vector_load %get3A_831[%get3A_832, %get3A_833] {strides = array<i32>} : memref<128x128xf32, #tpu.memory_space<vmem>>, vector<1x16xf32>,
        %get3A_835 = vector.shape_cast %get3A_834 : vector<1x16xf32> to vector<16xf32>
        %mul3A_836 = arith.mulf %get3A_835, %get3A_19 : vector<16xf32>
        %swap3A_837 = arith.constant 0 : i32
        %swap3A_838 = arith.constant 0 : i32
        %swap3A_839 = tpu.memref_slice %arg8[%scan3A_513, %swap3A_837, %swap3A_838] : memref<5x128x128xf32, #tpu.memory_space<vmem>> -> memref<1x128x128xf32, #tpu.memory_space<vmem>>
        %swap3A_840 = tpu.memref_squeeze %swap3A_839 : memref<1x128x128xf32, #tpu.memory_space<vmem>> -> memref<128x128xf32, #tpu.memory_space<vmem>>
        %swap3A_841 = arith.index_cast %scan3A_738 : i32 to index
        %swap3A_842 = arith.constant 80 : index
        %swap3A_843 = tpu.vector_load %swap3A_840[%swap3A_841, %swap3A_842] {strides = array<i32>} : memref<128x128xf32, #tpu.memory_space<vmem>>, vector<1x16xf32>,
        %swap3A_844 = vector.shape_cast %swap3A_843 : vector<1x16xf32> to vector<16xf32>
        %swap3A_845 = vector.shape_cast %mul3A_836 : vector<16xf32> to vector<1x16xf32>
        tpu.vector_store %swap3A_840[%swap3A_841, %swap3A_842], %swap3A_845 {strides = array<i32>} : memref<128x128xf32, #tpu.memory_space<vmem>>, vector<1x16xf32>,
        %get3A_846 = arith.constant 0 : i32
        %get3A_847 = arith.constant 0 : i32
        %get3A_848 = tpu.memref_slice %arg8[%scan3A_513, %get3A_846, %get3A_847] : memref<5x128x128xf32, #tpu.memory_space<vmem>> -> memref<1x128x128xf32, #tpu.memory_space<vmem>>
        %get3A_849 = tpu.memref_squeeze %get3A_848 : memref<1x128x128xf32, #tpu.memory_space<vmem>> -> memref<128x128xf32, #tpu.memory_space<vmem>>
        %get3A_850 = arith.index_cast %scan3A_738 : i32 to index
        %get3A_851 = arith.constant 96 : index
        %get3A_852 = tpu.vector_load %get3A_849[%get3A_850, %get3A_851] {strides = array<i32>} : memref<128x128xf32, #tpu.memory_space<vmem>>, vector<1x16xf32>,
        %get3A_853 = vector.shape_cast %get3A_852 : vector<1x16xf32> to vector<16xf32>
        %mul3A_854 = arith.mulf %get3A_853, %get3A_22 : vector<16xf32>
        %swap3A_855 = arith.constant 0 : i32
        %swap3A_856 = arith.constant 0 : i32
        %swap3A_857 = tpu.memref_slice %arg8[%scan3A_513, %swap3A_855, %swap3A_856] : memref<5x128x128xf32, #tpu.memory_space<vmem>> -> memref<1x128x128xf32, #tpu.memory_space<vmem>>
        %swap3A_858 = tpu.memref_squeeze %swap3A_857 : memref<1x128x128xf32, #tpu.memory_space<vmem>> -> memref<128x128xf32, #tpu.memory_space<vmem>>
        %swap3A_859 = arith.index_cast %scan3A_738 : i32 to index
        %swap3A_860 = arith.constant 96 : index
        %swap3A_861 = tpu.vector_load %swap3A_858[%swap3A_859, %swap3A_860] {strides = array<i32>} : memref<128x128xf32, #tpu.memory_space<vmem>>, vector<1x16xf32>,
        %swap3A_862 = vector.shape_cast %swap3A_861 : vector<1x16xf32> to vector<16xf32>
        %swap3A_863 = vector.shape_cast %mul3A_854 : vector<16xf32> to vector<1x16xf32>
        tpu.vector_store %swap3A_858[%swap3A_859, %swap3A_860], %swap3A_863 {strides = array<i32>} : memref<128x128xf32, #tpu.memory_space<vmem>>, vector<1x16xf32>,
        %get3A_864 = arith.constant 0 : i32
        %get3A_865 = arith.constant 0 : i32
        %get3A_866 = tpu.memref_slice %arg8[%scan3A_513, %get3A_864, %get3A_865] : memref<5x128x128xf32, #tpu.memory_space<vmem>> -> memref<1x128x128xf32, #tpu.memory_space<vmem>>
        %get3A_867 = tpu.memref_squeeze %get3A_866 : memref<1x128x128xf32, #tpu.memory_space<vmem>> -> memref<128x128xf32, #tpu.memory_space<vmem>>
        %get3A_868 = arith.index_cast %scan3A_738 : i32 to index
        %get3A_869 = arith.constant 112 : index
        %get3A_870 = tpu.vector_load %get3A_867[%get3A_868, %get3A_869] {strides = array<i32>} : memref<128x128xf32, #tpu.memory_space<vmem>>, vector<1x16xf32>,
        %get3A_871 = vector.shape_cast %get3A_870 : vector<1x16xf32> to vector<16xf32>
        %mul3A_872 = arith.mulf %get3A_871, %get3A_25 : vector<16xf32>
        %swap3A_873 = arith.constant 0 : i32
        %swap3A_874 = arith.constant 0 : i32
        %swap3A_875 = tpu.memref_slice %arg8[%scan3A_513, %swap3A_873, %swap3A_874] : memref<5x128x128xf32, #tpu.memory_space<vmem>> -> memref<1x128x128xf32, #tpu.memory_space<vmem>>
        %swap3A_876 = tpu.memref_squeeze %swap3A_875 : memref<1x128x128xf32, #tpu.memory_space<vmem>> -> memref<128x128xf32, #tpu.memory_space<vmem>>
        %swap3A_877 = arith.index_cast %scan3A_738 : i32 to index
        %swap3A_878 = arith.constant 112 : index
        %swap3A_879 = tpu.vector_load %swap3A_876[%swap3A_877, %swap3A_878] {strides = array<i32>} : memref<128x128xf32, #tpu.memory_space<vmem>>, vector<1x16xf32>,
        %swap3A_880 = vector.shape_cast %swap3A_879 : vector<1x16xf32> to vector<16xf32>
        %swap3A_881 = vector.shape_cast %mul3A_872 : vector<16xf32> to vector<1x16xf32>
        tpu.vector_store %swap3A_876[%swap3A_877, %swap3A_878], %swap3A_881 {strides = array<i32>} : memref<128x128xf32, #tpu.memory_space<vmem>>, vector<1x16xf32>,
      }
      %scan3A_518 = arith.constant 128 : i32
      %mul3A_519 = arith.constant 128 : i32
      %mul3A_520 = arith.muli %add3A_497, %mul3A_519 : i32
      %add3A_521 = arith.addi %mul3A_2, %mul3A_520 : i32
      %dma_start3A_522 = arith.constant 0 : i32
      %dma_start3A_523 = arith.constant 0 : i32
      %dma_start3A_524 = arith.constant 0 : i32
      %dma_start3A_525 = arith.constant 0 : i32
      %dma_start3A_526 = tpu.memref_slice %arg8[%dma_start3A_522, %dma_start3A_524, %dma_start3A_525] : memref<5x128x128xf32, #tpu.memory_space<vmem>> -> memref<1x128x128xf32, #tpu.memory_space<vmem>>
      %dma_start3A_527 = tpu.memref_squeeze %dma_start3A_526 : memref<1x128x128xf32, #tpu.memory_space<vmem>> -> memref<128x128xf32, #tpu.memory_space<vmem>>
      %dma_start3A_528 = arith.constant 0 : i32
      %dma_start3A_529 = tpu.memref_slice %arg5[%add3A_521, %dma_start3A_528] : memref<204800x128xf32, #tpu.memory_space<hbm>> -> memref<128x128xf32, #tpu.memory_space<hbm>>
      %dma_start3A_530 = tpu.memref_slice %arg10[%dma_start3A_523] : memref<5x!tpu.dma_semaphore, #tpu.memory_space<semaphore_mem>> -> memref<1x!tpu.dma_semaphore, #tpu.memory_space<semaphore_mem>>
      %dma_start3A_531 = tpu.memref_squeeze %dma_start3A_530 : memref<1x!tpu.dma_semaphore, #tpu.memory_space<semaphore_mem>> -> memref<!tpu.dma_semaphore, #tpu.memory_space<semaphore_mem>>
      %dma_start3A_532 = arith.constant 0 : i32
      %dma_start3A_533 = tpu.memref_slice %arg5[%add3A_521, %dma_start3A_532] : memref<204800x128xf32, #tpu.memory_space<hbm>> -> memref<128x128xf32, #tpu.memory_space<hbm>>
      %dma_start3A_534 = arith.constant 0 : i32
      %dma_start3A_535 = arith.constant 0 : i32
      %dma_start3A_536 = tpu.memref_slice %arg8[%dma_start3A_522, %dma_start3A_534, %dma_start3A_535] : memref<5x128x128xf32, #tpu.memory_space<vmem>> -> memref<1x128x128xf32, #tpu.memory_space<vmem>>
      %dma_start3A_537 = tpu.memref_squeeze %dma_start3A_536 : memref<1x128x128xf32, #tpu.memory_space<vmem>> -> memref<128x128xf32, #tpu.memory_space<vmem>>
      tpu.enqueue_dma source(%dma_start3A_537 : memref<128x128xf32, #tpu.memory_space<vmem>>) target(%dma_start3A_533 : memref<128x128xf32, #tpu.memory_space<hbm>>) target_semaphore(%dma_start3A_531 : memref<!tpu.dma_semaphore, #tpu.memory_space<semaphore_mem>>)
      %add3A_538 = arith.constant 3 : i32
      %add3A_539 = arith.addi %add3A_497, %add3A_538 : i32
      %lt3A = arith.constant 50 : i32
      %lt3A_540 = arith.cmpi slt, %add3A_539, %lt3A : i32
      %convert_element_type3A = arith.extui %lt3A_540 : i1 to i32
      %cond3A = arith.constant 0 : i32
      %cond3A_541 = arith.cmpi ne, %convert_element_type3A, %cond3A : i32
      scf.if %cond3A_541 {
        %sub3A = arith.constant 5 : i32
        %sub3A_738 = arith.subi %add3A_539, %sub3A : i32
        %mul3A_739 = arith.constant 128 : i32
        %mul3A_740 = arith.muli %sub3A_738, %mul3A_739 : i32
        %add3A_741 = arith.addi %mul3A_2, %mul3A_740 : i32
        %dma_wait3A_742 = arith.constant 3 : i32
        %dma_wait3A_743 = arith.constant 3 : i32
        %dma_wait3A_744 = arith.constant 0 : i32
        %dma_wait3A_745 = arith.constant 0 : i32
        %dma_wait3A_746 = tpu.memref_slice %arg8[%dma_wait3A_742, %dma_wait3A_744, %dma_wait3A_745] : memref<5x128x128xf32, #tpu.memory_space<vmem>> -> memref<1x128x128xf32, #tpu.memory_space<vmem>>
        %dma_wait3A_747 = tpu.memref_squeeze %dma_wait3A_746 : memref<1x128x128xf32, #tpu.memory_space<vmem>> -> memref<128x128xf32, #tpu.memory_space<vmem>>
        %dma_wait3A_748 = arith.constant 0 : i32
        %dma_wait3A_749 = tpu.memref_slice %arg5[%add3A_741, %dma_wait3A_748] : memref<204800x128xf32, #tpu.memory_space<hbm>> -> memref<128x128xf32, #tpu.memory_space<hbm>>
        %dma_wait3A_750 = tpu.memref_slice %arg10[%dma_wait3A_743] : memref<5x!tpu.dma_semaphore, #tpu.memory_space<semaphore_mem>> -> memref<1x!tpu.dma_semaphore, #tpu.memory_space<semaphore_mem>>
        %dma_wait3A_751 = tpu.memref_squeeze %dma_wait3A_750 : memref<1x!tpu.dma_semaphore, #tpu.memory_space<semaphore_mem>> -> memref<!tpu.dma_semaphore, #tpu.memory_space<semaphore_mem>>
        %dma_wait3A_752 = arith.constant 0 : i32
        %dma_wait3A_753 = tpu.memref_slice %arg5[%add3A_741, %dma_wait3A_752] : memref<204800x128xf32, #tpu.memory_space<hbm>> -> memref<128x128xf32, #tpu.memory_space<hbm>>
        %dma_wait3A_754 = arith.constant 0 : i32
        %dma_wait3A_755 = arith.constant 0 : i32
        %dma_wait3A_756 = tpu.memref_slice %arg8[%dma_wait3A_742, %dma_wait3A_754, %dma_wait3A_755] : memref<5x128x128xf32, #tpu.memory_space<vmem>> -> memref<1x128x128xf32, #tpu.memory_space<vmem>>
        %dma_wait3A_757 = tpu.memref_squeeze %dma_wait3A_756 : memref<1x128x128xf32, #tpu.memory_space<vmem>> -> memref<128x128xf32, #tpu.memory_space<vmem>>
        tpu.wait_dma2 semaphore(%dma_wait3A_751 : memref<!tpu.dma_semaphore, #tpu.memory_space<semaphore_mem>>) src(%dma_wait3A_757 : memref<128x128xf32, #tpu.memory_space<vmem>>) dst(%dma_wait3A_753 : memref<128x128xf32, #tpu.memory_space<hbm>>)
        %dma_start3A_758 = arith.constant 3 : i32
        %dma_start3A_759 = arith.constant 3 : i32
        %dma_start3A_760 = arith.constant 0 : i32
        %dma_start3A_761 = arith.constant 0 : i32
        %dma_start3A_762 = tpu.memref_slice %arg8[%dma_start3A_758, %dma_start3A_760, %dma_start3A_761] : memref<5x128x128xf32, #tpu.memory_space<vmem>> -> memref<1x128x128xf32, #tpu.memory_space<vmem>>
        %dma_start3A_763 = tpu.memref_squeeze %dma_start3A_762 : memref<1x128x128xf32, #tpu.memory_space<vmem>> -> memref<128x128xf32, #tpu.memory_space<vmem>>
        %dma_start3A_764 = arith.constant 0 : i32
        %dma_start3A_765 = tpu.memref_slice %arg6[%add3A_539, %dma_start3A_764] : memref<50x128xi32, #tpu.memory_space<vmem>> -> memref<1x128xi32, #tpu.memory_space<vmem>>
        %dma_start3A_766 = tpu.memref_squeeze %dma_start3A_765 : memref<1x128xi32, #tpu.memory_space<vmem>> -> memref<128xi32, #tpu.memory_space<vmem>>
        %dma_start3A_767 = arith.constant 0 : i32
        %dma_start3A_768 = arith.constant 0 : i32
        %dma_start3A_769 = tpu.memref_slice %arg3[%dma_start3A_767, %dma_start3A_768] : memref<100000x128xf32, #tpu.memory_space<hbm>> -> memref<100000x128xf32, #tpu.memory_space<hbm>>
        %dma_start3A_770 = tpu.memref_slice %arg9[%dma_start3A_759] : memref<5x!tpu.dma_semaphore, #tpu.memory_space<semaphore_mem>> -> memref<1x!tpu.dma_semaphore, #tpu.memory_space<semaphore_mem>>
        %dma_start3A_771 = tpu.memref_squeeze %dma_start3A_770 : memref<1x!tpu.dma_semaphore, #tpu.memory_space<semaphore_mem>> -> memref<!tpu.dma_semaphore, #tpu.memory_space<semaphore_mem>>
        tpu.enqueue_indirect_dma source(%dma_start3A_769 : memref<100000x128xf32, #tpu.memory_space<hbm>>) target(%dma_start3A_763 : memref<128x128xf32, #tpu.memory_space<vmem>>) offsets(%dma_start3A_766 : memref<128xi32, #tpu.memory_space<vmem>>) semaphore(%dma_start3A_771 : memref<!tpu.dma_semaphore, #tpu.memory_space<semaphore_mem>>)
      } else {
      }
      %add3A_542 = arith.constant 1 : i32
      %add3A_543 = arith.addi %mul3A_495, %add3A_542 : i32
      %dma_wait3A_544 = arith.constant 1 : i32
      %dma_wait3A_545 = arith.constant 1 : i32
      %dma_wait3A_546 = arith.constant 0 : i32
      %dma_wait3A_547 = arith.constant 0 : i32
      %dma_wait3A_548 = tpu.memref_slice %arg8[%dma_wait3A_544, %dma_wait3A_546, %dma_wait3A_547] : memref<5x128x128xf32, #tpu.memory_space<vmem>> -> memref<1x128x128xf32, #tpu.memory_space<vmem>>
      %dma_wait3A_549 = tpu.memref_squeeze %dma_wait3A_548 : memref<1x128x128xf32, #tpu.memory_space<vmem>> -> memref<128x128xf32, #tpu.memory_space<vmem>>
      %dma_wait3A_550 = arith.constant 0 : i32
      %dma_wait3A_551 = tpu.memref_slice %arg6[%add3A_543, %dma_wait3A_550] : memref<50x128xi32, #tpu.memory_space<vmem>> -> memref<1x128xi32, #tpu.memory_space<vmem>>
      %dma_wait3A_552 = tpu.memref_squeeze %dma_wait3A_551 : memref<1x128xi32, #tpu.memory_space<vmem>> -> memref<128xi32, #tpu.memory_space<vmem>>
      %dma_wait3A_553 = arith.constant 0 : i32
      %dma_wait3A_554 = arith.constant 0 : i32
      %dma_wait3A_555 = tpu.memref_slice %arg3[%dma_wait3A_553, %dma_wait3A_554] : memref<100000x128xf32, #tpu.memory_space<hbm>> -> memref<100000x128xf32, #tpu.memory_space<hbm>>
      %dma_wait3A_556 = tpu.memref_slice %arg9[%dma_wait3A_545] : memref<5x!tpu.dma_semaphore, #tpu.memory_space<semaphore_mem>> -> memref<1x!tpu.dma_semaphore, #tpu.memory_space<semaphore_mem>>
      %dma_wait3A_557 = tpu.memref_squeeze %dma_wait3A_556 : memref<1x!tpu.dma_semaphore, #tpu.memory_space<semaphore_mem>> -> memref<!tpu.dma_semaphore, #tpu.memory_space<semaphore_mem>>
      tpu.wait_indirect_dma semaphore(%dma_wait3A_557 : memref<!tpu.dma_semaphore, #tpu.memory_space<semaphore_mem>>) src(%dma_wait3A_555 : memref<100000x128xf32, #tpu.memory_space<hbm>>) dst(%dma_wait3A_549 : memref<128x128xf32, #tpu.memory_space<vmem>>)
      %scan3A_558 = arith.constant 0 : i32
      %scan3A_559 = arith.constant 1 : i32
      %scan3A_560 = arith.constant 0 : i32
      %scan3A_561 = arith.constant 128 : i32
      %scan3A_562 = arith.addi %scan3A_560, %scan3A_561 : i32
      %scan3A_563 = arith.constant 1 : i32
      scf.for %scan3A_738 = %scan3A_560 to %scan3A_562 step %scan3A_563  : i32 {
        %get3A_739 = arith.constant 0 : i32
        %get3A_740 = arith.constant 0 : i32
        %get3A_741 = tpu.memref_slice %arg8[%scan3A_559, %get3A_739, %get3A_740] : memref<5x128x128xf32, #tpu.memory_space<vmem>> -> memref<1x128x128xf32, #tpu.memory_space<vmem>>
        %get3A_742 = tpu.memref_squeeze %get3A_741 : memref<1x128x128xf32, #tpu.memory_space<vmem>> -> memref<128x128xf32, #tpu.memory_space<vmem>>
        %get3A_743 = arith.index_cast %scan3A_738 : i32 to index
        %get3A_744 = arith.constant 0 : index
        %get3A_745 = tpu.vector_load %get3A_742[%get3A_743, %get3A_744] {strides = array<i32>} : memref<128x128xf32, #tpu.memory_space<vmem>>, vector<1x16xf32>,
        %get3A_746 = vector.shape_cast %get3A_745 : vector<1x16xf32> to vector<16xf32>
        %mul3A_747 = arith.mulf %get3A_746, %get3A_4 : vector<16xf32>
        %swap3A = arith.constant 0 : i32
        %swap3A_748 = arith.constant 0 : i32
        %swap3A_749 = tpu.memref_slice %arg8[%scan3A_559, %swap3A, %swap3A_748] : memref<5x128x128xf32, #tpu.memory_space<vmem>> -> memref<1x128x128xf32, #tpu.memory_space<vmem>>
        %swap3A_750 = tpu.memref_squeeze %swap3A_749 : memref<1x128x128xf32, #tpu.memory_space<vmem>> -> memref<128x128xf32, #tpu.memory_space<vmem>>
        %swap3A_751 = arith.index_cast %scan3A_738 : i32 to index
        %swap3A_752 = arith.constant 0 : index
        %swap3A_753 = tpu.vector_load %swap3A_750[%swap3A_751, %swap3A_752] {strides = array<i32>} : memref<128x128xf32, #tpu.memory_space<vmem>>, vector<1x16xf32>,
        %swap3A_754 = vector.shape_cast %swap3A_753 : vector<1x16xf32> to vector<16xf32>
        %swap3A_755 = vector.shape_cast %mul3A_747 : vector<16xf32> to vector<1x16xf32>
        tpu.vector_store %swap3A_750[%swap3A_751, %swap3A_752], %swap3A_755 {strides = array<i32>} : memref<128x128xf32, #tpu.memory_space<vmem>>, vector<1x16xf32>,
        %get3A_756 = arith.constant 0 : i32
        %get3A_757 = arith.constant 0 : i32
        %get3A_758 = tpu.memref_slice %arg8[%scan3A_559, %get3A_756, %get3A_757] : memref<5x128x128xf32, #tpu.memory_space<vmem>> -> memref<1x128x128xf32, #tpu.memory_space<vmem>>
        %get3A_759 = tpu.memref_squeeze %get3A_758 : memref<1x128x128xf32, #tpu.memory_space<vmem>> -> memref<128x128xf32, #tpu.memory_space<vmem>>
        %get3A_760 = arith.index_cast %scan3A_738 : i32 to index
        %get3A_761 = arith.constant 16 : index
        %get3A_762 = tpu.vector_load %get3A_759[%get3A_760, %get3A_761] {strides = array<i32>} : memref<128x128xf32, #tpu.memory_space<vmem>>, vector<1x16xf32>,
        %get3A_763 = vector.shape_cast %get3A_762 : vector<1x16xf32> to vector<16xf32>
        %mul3A_764 = arith.mulf %get3A_763, %get3A_7 : vector<16xf32>
        %swap3A_765 = arith.constant 0 : i32
        %swap3A_766 = arith.constant 0 : i32
        %swap3A_767 = tpu.memref_slice %arg8[%scan3A_559, %swap3A_765, %swap3A_766] : memref<5x128x128xf32, #tpu.memory_space<vmem>> -> memref<1x128x128xf32, #tpu.memory_space<vmem>>
        %swap3A_768 = tpu.memref_squeeze %swap3A_767 : memref<1x128x128xf32, #tpu.memory_space<vmem>> -> memref<128x128xf32, #tpu.memory_space<vmem>>
        %swap3A_769 = arith.index_cast %scan3A_738 : i32 to index
        %swap3A_770 = arith.constant 16 : index
        %swap3A_771 = tpu.vector_load %swap3A_768[%swap3A_769, %swap3A_770] {strides = array<i32>} : memref<128x128xf32, #tpu.memory_space<vmem>>, vector<1x16xf32>,
        %swap3A_772 = vector.shape_cast %swap3A_771 : vector<1x16xf32> to vector<16xf32>
        %swap3A_773 = vector.shape_cast %mul3A_764 : vector<16xf32> to vector<1x16xf32>
        tpu.vector_store %swap3A_768[%swap3A_769, %swap3A_770], %swap3A_773 {strides = array<i32>} : memref<128x128xf32, #tpu.memory_space<vmem>>, vector<1x16xf32>,
        %get3A_774 = arith.constant 0 : i32
        %get3A_775 = arith.constant 0 : i32
        %get3A_776 = tpu.memref_slice %arg8[%scan3A_559, %get3A_774, %get3A_775] : memref<5x128x128xf32, #tpu.memory_space<vmem>> -> memref<1x128x128xf32, #tpu.memory_space<vmem>>
        %get3A_777 = tpu.memref_squeeze %get3A_776 : memref<1x128x128xf32, #tpu.memory_space<vmem>> -> memref<128x128xf32, #tpu.memory_space<vmem>>
        %get3A_778 = arith.index_cast %scan3A_738 : i32 to index
        %get3A_779 = arith.constant 32 : index
        %get3A_780 = tpu.vector_load %get3A_777[%get3A_778, %get3A_779] {strides = array<i32>} : memref<128x128xf32, #tpu.memory_space<vmem>>, vector<1x16xf32>,
        %get3A_781 = vector.shape_cast %get3A_780 : vector<1x16xf32> to vector<16xf32>
        %mul3A_782 = arith.mulf %get3A_781, %get3A_10 : vector<16xf32>
        %swap3A_783 = arith.constant 0 : i32
        %swap3A_784 = arith.constant 0 : i32
        %swap3A_785 = tpu.memref_slice %arg8[%scan3A_559, %swap3A_783, %swap3A_784] : memref<5x128x128xf32, #tpu.memory_space<vmem>> -> memref<1x128x128xf32, #tpu.memory_space<vmem>>
        %swap3A_786 = tpu.memref_squeeze %swap3A_785 : memref<1x128x128xf32, #tpu.memory_space<vmem>> -> memref<128x128xf32, #tpu.memory_space<vmem>>
        %swap3A_787 = arith.index_cast %scan3A_738 : i32 to index
        %swap3A_788 = arith.constant 32 : index
        %swap3A_789 = tpu.vector_load %swap3A_786[%swap3A_787, %swap3A_788] {strides = array<i32>} : memref<128x128xf32, #tpu.memory_space<vmem>>, vector<1x16xf32>,
        %swap3A_790 = vector.shape_cast %swap3A_789 : vector<1x16xf32> to vector<16xf32>
        %swap3A_791 = vector.shape_cast %mul3A_782 : vector<16xf32> to vector<1x16xf32>
        tpu.vector_store %swap3A_786[%swap3A_787, %swap3A_788], %swap3A_791 {strides = array<i32>} : memref<128x128xf32, #tpu.memory_space<vmem>>, vector<1x16xf32>,
        %get3A_792 = arith.constant 0 : i32
        %get3A_793 = arith.constant 0 : i32
        %get3A_794 = tpu.memref_slice %arg8[%scan3A_559, %get3A_792, %get3A_793] : memref<5x128x128xf32, #tpu.memory_space<vmem>> -> memref<1x128x128xf32, #tpu.memory_space<vmem>>
        %get3A_795 = tpu.memref_squeeze %get3A_794 : memref<1x128x128xf32, #tpu.memory_space<vmem>> -> memref<128x128xf32, #tpu.memory_space<vmem>>
        %get3A_796 = arith.index_cast %scan3A_738 : i32 to index
        %get3A_797 = arith.constant 48 : index
        %get3A_798 = tpu.vector_load %get3A_795[%get3A_796, %get3A_797] {strides = array<i32>} : memref<128x128xf32, #tpu.memory_space<vmem>>, vector<1x16xf32>,
        %get3A_799 = vector.shape_cast %get3A_798 : vector<1x16xf32> to vector<16xf32>
        %mul3A_800 = arith.mulf %get3A_799, %get3A_13 : vector<16xf32>
        %swap3A_801 = arith.constant 0 : i32
        %swap3A_802 = arith.constant 0 : i32
        %swap3A_803 = tpu.memref_slice %arg8[%scan3A_559, %swap3A_801, %swap3A_802] : memref<5x128x128xf32, #tpu.memory_space<vmem>> -> memref<1x128x128xf32, #tpu.memory_space<vmem>>
        %swap3A_804 = tpu.memref_squeeze %swap3A_803 : memref<1x128x128xf32, #tpu.memory_space<vmem>> -> memref<128x128xf32, #tpu.memory_space<vmem>>
        %swap3A_805 = arith.index_cast %scan3A_738 : i32 to index
        %swap3A_806 = arith.constant 48 : index
        %swap3A_807 = tpu.vector_load %swap3A_804[%swap3A_805, %swap3A_806] {strides = array<i32>} : memref<128x128xf32, #tpu.memory_space<vmem>>, vector<1x16xf32>,
        %swap3A_808 = vector.shape_cast %swap3A_807 : vector<1x16xf32> to vector<16xf32>
        %swap3A_809 = vector.shape_cast %mul3A_800 : vector<16xf32> to vector<1x16xf32>
        tpu.vector_store %swap3A_804[%swap3A_805, %swap3A_806], %swap3A_809 {strides = array<i32>} : memref<128x128xf32, #tpu.memory_space<vmem>>, vector<1x16xf32>,
        %get3A_810 = arith.constant 0 : i32
        %get3A_811 = arith.constant 0 : i32
        %get3A_812 = tpu.memref_slice %arg8[%scan3A_559, %get3A_810, %get3A_811] : memref<5x128x128xf32, #tpu.memory_space<vmem>> -> memref<1x128x128xf32, #tpu.memory_space<vmem>>
        %get3A_813 = tpu.memref_squeeze %get3A_812 : memref<1x128x128xf32, #tpu.memory_space<vmem>> -> memref<128x128xf32, #tpu.memory_space<vmem>>
        %get3A_814 = arith.index_cast %scan3A_738 : i32 to index
        %get3A_815 = arith.constant 64 : index
        %get3A_816 = tpu.vector_load %get3A_813[%get3A_814, %get3A_815] {strides = array<i32>} : memref<128x128xf32, #tpu.memory_space<vmem>>, vector<1x16xf32>,
        %get3A_817 = vector.shape_cast %get3A_816 : vector<1x16xf32> to vector<16xf32>
        %mul3A_818 = arith.mulf %get3A_817, %get3A_16 : vector<16xf32>
        %swap3A_819 = arith.constant 0 : i32
        %swap3A_820 = arith.constant 0 : i32
        %swap3A_821 = tpu.memref_slice %arg8[%scan3A_559, %swap3A_819, %swap3A_820] : memref<5x128x128xf32, #tpu.memory_space<vmem>> -> memref<1x128x128xf32, #tpu.memory_space<vmem>>
        %swap3A_822 = tpu.memref_squeeze %swap3A_821 : memref<1x128x128xf32, #tpu.memory_space<vmem>> -> memref<128x128xf32, #tpu.memory_space<vmem>>
        %swap3A_823 = arith.index_cast %scan3A_738 : i32 to index
        %swap3A_824 = arith.constant 64 : index
        %swap3A_825 = tpu.vector_load %swap3A_822[%swap3A_823, %swap3A_824] {strides = array<i32>} : memref<128x128xf32, #tpu.memory_space<vmem>>, vector<1x16xf32>,
        %swap3A_826 = vector.shape_cast %swap3A_825 : vector<1x16xf32> to vector<16xf32>
        %swap3A_827 = vector.shape_cast %mul3A_818 : vector<16xf32> to vector<1x16xf32>
        tpu.vector_store %swap3A_822[%swap3A_823, %swap3A_824], %swap3A_827 {strides = array<i32>} : memref<128x128xf32, #tpu.memory_space<vmem>>, vector<1x16xf32>,
        %get3A_828 = arith.constant 0 : i32
        %get3A_829 = arith.constant 0 : i32
        %get3A_830 = tpu.memref_slice %arg8[%scan3A_559, %get3A_828, %get3A_829] : memref<5x128x128xf32, #tpu.memory_space<vmem>> -> memref<1x128x128xf32, #tpu.memory_space<vmem>>
        %get3A_831 = tpu.memref_squeeze %get3A_830 : memref<1x128x128xf32, #tpu.memory_space<vmem>> -> memref<128x128xf32, #tpu.memory_space<vmem>>
        %get3A_832 = arith.index_cast %scan3A_738 : i32 to index
        %get3A_833 = arith.constant 80 : index
        %get3A_834 = tpu.vector_load %get3A_831[%get3A_832, %get3A_833] {strides = array<i32>} : memref<128x128xf32, #tpu.memory_space<vmem>>, vector<1x16xf32>,
        %get3A_835 = vector.shape_cast %get3A_834 : vector<1x16xf32> to vector<16xf32>
        %mul3A_836 = arith.mulf %get3A_835, %get3A_19 : vector<16xf32>
        %swap3A_837 = arith.constant 0 : i32
        %swap3A_838 = arith.constant 0 : i32
        %swap3A_839 = tpu.memref_slice %arg8[%scan3A_559, %swap3A_837, %swap3A_838] : memref<5x128x128xf32, #tpu.memory_space<vmem>> -> memref<1x128x128xf32, #tpu.memory_space<vmem>>
        %swap3A_840 = tpu.memref_squeeze %swap3A_839 : memref<1x128x128xf32, #tpu.memory_space<vmem>> -> memref<128x128xf32, #tpu.memory_space<vmem>>
        %swap3A_841 = arith.index_cast %scan3A_738 : i32 to index
        %swap3A_842 = arith.constant 80 : index
        %swap3A_843 = tpu.vector_load %swap3A_840[%swap3A_841, %swap3A_842] {strides = array<i32>} : memref<128x128xf32, #tpu.memory_space<vmem>>, vector<1x16xf32>,
        %swap3A_844 = vector.shape_cast %swap3A_843 : vector<1x16xf32> to vector<16xf32>
        %swap3A_845 = vector.shape_cast %mul3A_836 : vector<16xf32> to vector<1x16xf32>
        tpu.vector_store %swap3A_840[%swap3A_841, %swap3A_842], %swap3A_845 {strides = array<i32>} : memref<128x128xf32, #tpu.memory_space<vmem>>, vector<1x16xf32>,
        %get3A_846 = arith.constant 0 : i32
        %get3A_847 = arith.constant 0 : i32
        %get3A_848 = tpu.memref_slice %arg8[%scan3A_559, %get3A_846, %get3A_847] : memref<5x128x128xf32, #tpu.memory_space<vmem>> -> memref<1x128x128xf32, #tpu.memory_space<vmem>>
        %get3A_849 = tpu.memref_squeeze %get3A_848 : memref<1x128x128xf32, #tpu.memory_space<vmem>> -> memref<128x128xf32, #tpu.memory_space<vmem>>
        %get3A_850 = arith.index_cast %scan3A_738 : i32 to index
        %get3A_851 = arith.constant 96 : index
        %get3A_852 = tpu.vector_load %get3A_849[%get3A_850, %get3A_851] {strides = array<i32>} : memref<128x128xf32, #tpu.memory_space<vmem>>, vector<1x16xf32>,
        %get3A_853 = vector.shape_cast %get3A_852 : vector<1x16xf32> to vector<16xf32>
        %mul3A_854 = arith.mulf %get3A_853, %get3A_22 : vector<16xf32>
        %swap3A_855 = arith.constant 0 : i32
        %swap3A_856 = arith.constant 0 : i32
        %swap3A_857 = tpu.memref_slice %arg8[%scan3A_559, %swap3A_855, %swap3A_856] : memref<5x128x128xf32, #tpu.memory_space<vmem>> -> memref<1x128x128xf32, #tpu.memory_space<vmem>>
        %swap3A_858 = tpu.memref_squeeze %swap3A_857 : memref<1x128x128xf32, #tpu.memory_space<vmem>> -> memref<128x128xf32, #tpu.memory_space<vmem>>
        %swap3A_859 = arith.index_cast %scan3A_738 : i32 to index
        %swap3A_860 = arith.constant 96 : index
        %swap3A_861 = tpu.vector_load %swap3A_858[%swap3A_859, %swap3A_860] {strides = array<i32>} : memref<128x128xf32, #tpu.memory_space<vmem>>, vector<1x16xf32>,
        %swap3A_862 = vector.shape_cast %swap3A_861 : vector<1x16xf32> to vector<16xf32>
        %swap3A_863 = vector.shape_cast %mul3A_854 : vector<16xf32> to vector<1x16xf32>
        tpu.vector_store %swap3A_858[%swap3A_859, %swap3A_860], %swap3A_863 {strides = array<i32>} : memref<128x128xf32, #tpu.memory_space<vmem>>, vector<1x16xf32>,
        %get3A_864 = arith.constant 0 : i32
        %get3A_865 = arith.constant 0 : i32
        %get3A_866 = tpu.memref_slice %arg8[%scan3A_559, %get3A_864, %get3A_865] : memref<5x128x128xf32, #tpu.memory_space<vmem>> -> memref<1x128x128xf32, #tpu.memory_space<vmem>>
        %get3A_867 = tpu.memref_squeeze %get3A_866 : memref<1x128x128xf32, #tpu.memory_space<vmem>> -> memref<128x128xf32, #tpu.memory_space<vmem>>
        %get3A_868 = arith.index_cast %scan3A_738 : i32 to index
        %get3A_869 = arith.constant 112 : index
        %get3A_870 = tpu.vector_load %get3A_867[%get3A_868, %get3A_869] {strides = array<i32>} : memref<128x128xf32, #tpu.memory_space<vmem>>, vector<1x16xf32>,
        %get3A_871 = vector.shape_cast %get3A_870 : vector<1x16xf32> to vector<16xf32>
        %mul3A_872 = arith.mulf %get3A_871, %get3A_25 : vector<16xf32>
        %swap3A_873 = arith.constant 0 : i32
        %swap3A_874 = arith.constant 0 : i32
        %swap3A_875 = tpu.memref_slice %arg8[%scan3A_559, %swap3A_873, %swap3A_874] : memref<5x128x128xf32, #tpu.memory_space<vmem>> -> memref<1x128x128xf32, #tpu.memory_space<vmem>>
        %swap3A_876 = tpu.memref_squeeze %swap3A_875 : memref<1x128x128xf32, #tpu.memory_space<vmem>> -> memref<128x128xf32, #tpu.memory_space<vmem>>
        %swap3A_877 = arith.index_cast %scan3A_738 : i32 to index
        %swap3A_878 = arith.constant 112 : index
        %swap3A_879 = tpu.vector_load %swap3A_876[%swap3A_877, %swap3A_878] {strides = array<i32>} : memref<128x128xf32, #tpu.memory_space<vmem>>, vector<1x16xf32>,
        %swap3A_880 = vector.shape_cast %swap3A_879 : vector<1x16xf32> to vector<16xf32>
        %swap3A_881 = vector.shape_cast %mul3A_872 : vector<16xf32> to vector<1x16xf32>
        tpu.vector_store %swap3A_876[%swap3A_877, %swap3A_878], %swap3A_881 {strides = array<i32>} : memref<128x128xf32, #tpu.memory_space<vmem>>, vector<1x16xf32>,
      }
      %scan3A_564 = arith.constant 128 : i32
      %mul3A_565 = arith.constant 128 : i32
      %mul3A_566 = arith.muli %add3A_543, %mul3A_565 : i32
      %add3A_567 = arith.addi %mul3A_2, %mul3A_566 : i32
      %dma_start3A_568 = arith.constant 1 : i32
      %dma_start3A_569 = arith.constant 1 : i32
      %dma_start3A_570 = arith.constant 0 : i32
      %dma_start3A_571 = arith.constant 0 : i32
      %dma_start3A_572 = tpu.memref_slice %arg8[%dma_start3A_568, %dma_start3A_570, %dma_start3A_571] : memref<5x128x128xf32, #tpu.memory_space<vmem>> -> memref<1x128x128xf32, #tpu.memory_space<vmem>>
      %dma_start3A_573 = tpu.memref_squeeze %dma_start3A_572 : memref<1x128x128xf32, #tpu.memory_space<vmem>> -> memref<128x128xf32, #tpu.memory_space<vmem>>
      %dma_start3A_574 = arith.constant 0 : i32
      %dma_start3A_575 = tpu.memref_slice %arg5[%add3A_567, %dma_start3A_574] : memref<204800x128xf32, #tpu.memory_space<hbm>> -> memref<128x128xf32, #tpu.memory_space<hbm>>
      %dma_start3A_576 = tpu.memref_slice %arg10[%dma_start3A_569] : memref<5x!tpu.dma_semaphore, #tpu.memory_space<semaphore_mem>> -> memref<1x!tpu.dma_semaphore, #tpu.memory_space<semaphore_mem>>
      %dma_start3A_577 = tpu.memref_squeeze %dma_start3A_576 : memref<1x!tpu.dma_semaphore, #tpu.memory_space<semaphore_mem>> -> memref<!tpu.dma_semaphore, #tpu.memory_space<semaphore_mem>>
      %dma_start3A_578 = arith.constant 0 : i32
      %dma_start3A_579 = tpu.memref_slice %arg5[%add3A_567, %dma_start3A_578] : memref<204800x128xf32, #tpu.memory_space<hbm>> -> memref<128x128xf32, #tpu.memory_space<hbm>>
      %dma_start3A_580 = arith.constant 0 : i32
      %dma_start3A_581 = arith.constant 0 : i32
      %dma_start3A_582 = tpu.memref_slice %arg8[%dma_start3A_568, %dma_start3A_580, %dma_start3A_581] : memref<5x128x128xf32, #tpu.memory_space<vmem>> -> memref<1x128x128xf32, #tpu.memory_space<vmem>>
      %dma_start3A_583 = tpu.memref_squeeze %dma_start3A_582 : memref<1x128x128xf32, #tpu.memory_space<vmem>> -> memref<128x128xf32, #tpu.memory_space<vmem>>
      tpu.enqueue_dma source(%dma_start3A_583 : memref<128x128xf32, #tpu.memory_space<vmem>>) target(%dma_start3A_579 : memref<128x128xf32, #tpu.memory_space<hbm>>) target_semaphore(%dma_start3A_577 : memref<!tpu.dma_semaphore, #tpu.memory_space<semaphore_mem>>)
      %add3A_584 = arith.constant 3 : i32
      %add3A_585 = arith.addi %add3A_543, %add3A_584 : i32
      %lt3A_586 = arith.constant 50 : i32
      %lt3A_587 = arith.cmpi slt, %add3A_585, %lt3A_586 : i32
      %convert_element_type3A_588 = arith.extui %lt3A_587 : i1 to i32
      %cond3A_589 = arith.constant 0 : i32
      %cond3A_590 = arith.cmpi ne, %convert_element_type3A_588, %cond3A_589 : i32
      scf.if %cond3A_590 {
        %sub3A = arith.constant 5 : i32
        %sub3A_738 = arith.subi %add3A_585, %sub3A : i32
        %mul3A_739 = arith.constant 128 : i32
        %mul3A_740 = arith.muli %sub3A_738, %mul3A_739 : i32
        %add3A_741 = arith.addi %mul3A_2, %mul3A_740 : i32
        %dma_wait3A_742 = arith.constant 4 : i32
        %dma_wait3A_743 = arith.constant 4 : i32
        %dma_wait3A_744 = arith.constant 0 : i32
        %dma_wait3A_745 = arith.constant 0 : i32
        %dma_wait3A_746 = tpu.memref_slice %arg8[%dma_wait3A_742, %dma_wait3A_744, %dma_wait3A_745] : memref<5x128x128xf32, #tpu.memory_space<vmem>> -> memref<1x128x128xf32, #tpu.memory_space<vmem>>
        %dma_wait3A_747 = tpu.memref_squeeze %dma_wait3A_746 : memref<1x128x128xf32, #tpu.memory_space<vmem>> -> memref<128x128xf32, #tpu.memory_space<vmem>>
        %dma_wait3A_748 = arith.constant 0 : i32
        %dma_wait3A_749 = tpu.memref_slice %arg5[%add3A_741, %dma_wait3A_748] : memref<204800x128xf32, #tpu.memory_space<hbm>> -> memref<128x128xf32, #tpu.memory_space<hbm>>
        %dma_wait3A_750 = tpu.memref_slice %arg10[%dma_wait3A_743] : memref<5x!tpu.dma_semaphore, #tpu.memory_space<semaphore_mem>> -> memref<1x!tpu.dma_semaphore, #tpu.memory_space<semaphore_mem>>
        %dma_wait3A_751 = tpu.memref_squeeze %dma_wait3A_750 : memref<1x!tpu.dma_semaphore, #tpu.memory_space<semaphore_mem>> -> memref<!tpu.dma_semaphore, #tpu.memory_space<semaphore_mem>>
        %dma_wait3A_752 = arith.constant 0 : i32
        %dma_wait3A_753 = tpu.memref_slice %arg5[%add3A_741, %dma_wait3A_752] : memref<204800x128xf32, #tpu.memory_space<hbm>> -> memref<128x128xf32, #tpu.memory_space<hbm>>
        %dma_wait3A_754 = arith.constant 0 : i32
        %dma_wait3A_755 = arith.constant 0 : i32
        %dma_wait3A_756 = tpu.memref_slice %arg8[%dma_wait3A_742, %dma_wait3A_754, %dma_wait3A_755] : memref<5x128x128xf32, #tpu.memory_space<vmem>> -> memref<1x128x128xf32, #tpu.memory_space<vmem>>
        %dma_wait3A_757 = tpu.memref_squeeze %dma_wait3A_756 : memref<1x128x128xf32, #tpu.memory_space<vmem>> -> memref<128x128xf32, #tpu.memory_space<vmem>>
        tpu.wait_dma2 semaphore(%dma_wait3A_751 : memref<!tpu.dma_semaphore, #tpu.memory_space<semaphore_mem>>) src(%dma_wait3A_757 : memref<128x128xf32, #tpu.memory_space<vmem>>) dst(%dma_wait3A_753 : memref<128x128xf32, #tpu.memory_space<hbm>>)
        %dma_start3A_758 = arith.constant 4 : i32
        %dma_start3A_759 = arith.constant 4 : i32
        %dma_start3A_760 = arith.constant 0 : i32
        %dma_start3A_761 = arith.constant 0 : i32
        %dma_start3A_762 = tpu.memref_slice %arg8[%dma_start3A_758, %dma_start3A_760, %dma_start3A_761] : memref<5x128x128xf32, #tpu.memory_space<vmem>> -> memref<1x128x128xf32, #tpu.memory_space<vmem>>
        %dma_start3A_763 = tpu.memref_squeeze %dma_start3A_762 : memref<1x128x128xf32, #tpu.memory_space<vmem>> -> memref<128x128xf32, #tpu.memory_space<vmem>>
        %dma_start3A_764 = arith.constant 0 : i32
        %dma_start3A_765 = tpu.memref_slice %arg6[%add3A_585, %dma_start3A_764] : memref<50x128xi32, #tpu.memory_space<vmem>> -> memref<1x128xi32, #tpu.memory_space<vmem>>
        %dma_start3A_766 = tpu.memref_squeeze %dma_start3A_765 : memref<1x128xi32, #tpu.memory_space<vmem>> -> memref<128xi32, #tpu.memory_space<vmem>>
        %dma_start3A_767 = arith.constant 0 : i32
        %dma_start3A_768 = arith.constant 0 : i32
        %dma_start3A_769 = tpu.memref_slice %arg3[%dma_start3A_767, %dma_start3A_768] : memref<100000x128xf32, #tpu.memory_space<hbm>> -> memref<100000x128xf32, #tpu.memory_space<hbm>>
        %dma_start3A_770 = tpu.memref_slice %arg9[%dma_start3A_759] : memref<5x!tpu.dma_semaphore, #tpu.memory_space<semaphore_mem>> -> memref<1x!tpu.dma_semaphore, #tpu.memory_space<semaphore_mem>>
        %dma_start3A_771 = tpu.memref_squeeze %dma_start3A_770 : memref<1x!tpu.dma_semaphore, #tpu.memory_space<semaphore_mem>> -> memref<!tpu.dma_semaphore, #tpu.memory_space<semaphore_mem>>
        tpu.enqueue_indirect_dma source(%dma_start3A_769 : memref<100000x128xf32, #tpu.memory_space<hbm>>) target(%dma_start3A_763 : memref<128x128xf32, #tpu.memory_space<vmem>>) offsets(%dma_start3A_766 : memref<128xi32, #tpu.memory_space<vmem>>) semaphore(%dma_start3A_771 : memref<!tpu.dma_semaphore, #tpu.memory_space<semaphore_mem>>)
      } else {
      }
      %add3A_591 = arith.constant 2 : i32
      %add3A_592 = arith.addi %mul3A_495, %add3A_591 : i32
      %dma_wait3A_593 = arith.constant 2 : i32
      %dma_wait3A_594 = arith.constant 2 : i32
      %dma_wait3A_595 = arith.constant 0 : i32
      %dma_wait3A_596 = arith.constant 0 : i32
      %dma_wait3A_597 = tpu.memref_slice %arg8[%dma_wait3A_593, %dma_wait3A_595, %dma_wait3A_596] : memref<5x128x128xf32, #tpu.memory_space<vmem>> -> memref<1x128x128xf32, #tpu.memory_space<vmem>>
      %dma_wait3A_598 = tpu.memref_squeeze %dma_wait3A_597 : memref<1x128x128xf32, #tpu.memory_space<vmem>> -> memref<128x128xf32, #tpu.memory_space<vmem>>
      %dma_wait3A_599 = arith.constant 0 : i32
      %dma_wait3A_600 = tpu.memref_slice %arg6[%add3A_592, %dma_wait3A_599] : memref<50x128xi32, #tpu.memory_space<vmem>> -> memref<1x128xi32, #tpu.memory_space<vmem>>
      %dma_wait3A_601 = tpu.memref_squeeze %dma_wait3A_600 : memref<1x128xi32, #tpu.memory_space<vmem>> -> memref<128xi32, #tpu.memory_space<vmem>>
      %dma_wait3A_602 = arith.constant 0 : i32
      %dma_wait3A_603 = arith.constant 0 : i32
      %dma_wait3A_604 = tpu.memref_slice %arg3[%dma_wait3A_602, %dma_wait3A_603] : memref<100000x128xf32, #tpu.memory_space<hbm>> -> memref<100000x128xf32, #tpu.memory_space<hbm>>
      %dma_wait3A_605 = tpu.memref_slice %arg9[%dma_wait3A_594] : memref<5x!tpu.dma_semaphore, #tpu.memory_space<semaphore_mem>> -> memref<1x!tpu.dma_semaphore, #tpu.memory_space<semaphore_mem>>
      %dma_wait3A_606 = tpu.memref_squeeze %dma_wait3A_605 : memref<1x!tpu.dma_semaphore, #tpu.memory_space<semaphore_mem>> -> memref<!tpu.dma_semaphore, #tpu.memory_space<semaphore_mem>>
      tpu.wait_indirect_dma semaphore(%dma_wait3A_606 : memref<!tpu.dma_semaphore, #tpu.memory_space<semaphore_mem>>) src(%dma_wait3A_604 : memref<100000x128xf32, #tpu.memory_space<hbm>>) dst(%dma_wait3A_598 : memref<128x128xf32, #tpu.memory_space<vmem>>)
      %scan3A_607 = arith.constant 0 : i32
      %scan3A_608 = arith.constant 2 : i32
      %scan3A_609 = arith.constant 0 : i32
      %scan3A_610 = arith.constant 128 : i32
      %scan3A_611 = arith.addi %scan3A_609, %scan3A_610 : i32
      %scan3A_612 = arith.constant 1 : i32
      scf.for %scan3A_738 = %scan3A_609 to %scan3A_611 step %scan3A_612  : i32 {
        %get3A_739 = arith.constant 0 : i32
        %get3A_740 = arith.constant 0 : i32
        %get3A_741 = tpu.memref_slice %arg8[%scan3A_608, %get3A_739, %get3A_740] : memref<5x128x128xf32, #tpu.memory_space<vmem>> -> memref<1x128x128xf32, #tpu.memory_space<vmem>>
        %get3A_742 = tpu.memref_squeeze %get3A_741 : memref<1x128x128xf32, #tpu.memory_space<vmem>> -> memref<128x128xf32, #tpu.memory_space<vmem>>
        %get3A_743 = arith.index_cast %scan3A_738 : i32 to index
        %get3A_744 = arith.constant 0 : index
        %get3A_745 = tpu.vector_load %get3A_742[%get3A_743, %get3A_744] {strides = array<i32>} : memref<128x128xf32, #tpu.memory_space<vmem>>, vector<1x16xf32>,
        %get3A_746 = vector.shape_cast %get3A_745 : vector<1x16xf32> to vector<16xf32>
        %mul3A_747 = arith.mulf %get3A_746, %get3A_4 : vector<16xf32>
        %swap3A = arith.constant 0 : i32
        %swap3A_748 = arith.constant 0 : i32
        %swap3A_749 = tpu.memref_slice %arg8[%scan3A_608, %swap3A, %swap3A_748] : memref<5x128x128xf32, #tpu.memory_space<vmem>> -> memref<1x128x128xf32, #tpu.memory_space<vmem>>
        %swap3A_750 = tpu.memref_squeeze %swap3A_749 : memref<1x128x128xf32, #tpu.memory_space<vmem>> -> memref<128x128xf32, #tpu.memory_space<vmem>>
        %swap3A_751 = arith.index_cast %scan3A_738 : i32 to index
        %swap3A_752 = arith.constant 0 : index
        %swap3A_753 = tpu.vector_load %swap3A_750[%swap3A_751, %swap3A_752] {strides = array<i32>} : memref<128x128xf32, #tpu.memory_space<vmem>>, vector<1x16xf32>,
        %swap3A_754 = vector.shape_cast %swap3A_753 : vector<1x16xf32> to vector<16xf32>
        %swap3A_755 = vector.shape_cast %mul3A_747 : vector<16xf32> to vector<1x16xf32>
        tpu.vector_store %swap3A_750[%swap3A_751, %swap3A_752], %swap3A_755 {strides = array<i32>} : memref<128x128xf32, #tpu.memory_space<vmem>>, vector<1x16xf32>,
        %get3A_756 = arith.constant 0 : i32
        %get3A_757 = arith.constant 0 : i32
        %get3A_758 = tpu.memref_slice %arg8[%scan3A_608, %get3A_756, %get3A_757] : memref<5x128x128xf32, #tpu.memory_space<vmem>> -> memref<1x128x128xf32, #tpu.memory_space<vmem>>
        %get3A_759 = tpu.memref_squeeze %get3A_758 : memref<1x128x128xf32, #tpu.memory_space<vmem>> -> memref<128x128xf32, #tpu.memory_space<vmem>>
        %get3A_760 = arith.index_cast %scan3A_738 : i32 to index
        %get3A_761 = arith.constant 16 : index
        %get3A_762 = tpu.vector_load %get3A_759[%get3A_760, %get3A_761] {strides = array<i32>} : memref<128x128xf32, #tpu.memory_space<vmem>>, vector<1x16xf32>,
        %get3A_763 = vector.shape_cast %get3A_762 : vector<1x16xf32> to vector<16xf32>
        %mul3A_764 = arith.mulf %get3A_763, %get3A_7 : vector<16xf32>
        %swap3A_765 = arith.constant 0 : i32
        %swap3A_766 = arith.constant 0 : i32
        %swap3A_767 = tpu.memref_slice %arg8[%scan3A_608, %swap3A_765, %swap3A_766] : memref<5x128x128xf32, #tpu.memory_space<vmem>> -> memref<1x128x128xf32, #tpu.memory_space<vmem>>
        %swap3A_768 = tpu.memref_squeeze %swap3A_767 : memref<1x128x128xf32, #tpu.memory_space<vmem>> -> memref<128x128xf32, #tpu.memory_space<vmem>>
        %swap3A_769 = arith.index_cast %scan3A_738 : i32 to index
        %swap3A_770 = arith.constant 16 : index
        %swap3A_771 = tpu.vector_load %swap3A_768[%swap3A_769, %swap3A_770] {strides = array<i32>} : memref<128x128xf32, #tpu.memory_space<vmem>>, vector<1x16xf32>,
        %swap3A_772 = vector.shape_cast %swap3A_771 : vector<1x16xf32> to vector<16xf32>
        %swap3A_773 = vector.shape_cast %mul3A_764 : vector<16xf32> to vector<1x16xf32>
        tpu.vector_store %swap3A_768[%swap3A_769, %swap3A_770], %swap3A_773 {strides = array<i32>} : memref<128x128xf32, #tpu.memory_space<vmem>>, vector<1x16xf32>,
        %get3A_774 = arith.constant 0 : i32
        %get3A_775 = arith.constant 0 : i32
        %get3A_776 = tpu.memref_slice %arg8[%scan3A_608, %get3A_774, %get3A_775] : memref<5x128x128xf32, #tpu.memory_space<vmem>> -> memref<1x128x128xf32, #tpu.memory_space<vmem>>
        %get3A_777 = tpu.memref_squeeze %get3A_776 : memref<1x128x128xf32, #tpu.memory_space<vmem>> -> memref<128x128xf32, #tpu.memory_space<vmem>>
        %get3A_778 = arith.index_cast %scan3A_738 : i32 to index
        %get3A_779 = arith.constant 32 : index
        %get3A_780 = tpu.vector_load %get3A_777[%get3A_778, %get3A_779] {strides = array<i32>} : memref<128x128xf32, #tpu.memory_space<vmem>>, vector<1x16xf32>,
        %get3A_781 = vector.shape_cast %get3A_780 : vector<1x16xf32> to vector<16xf32>
        %mul3A_782 = arith.mulf %get3A_781, %get3A_10 : vector<16xf32>
        %swap3A_783 = arith.constant 0 : i32
        %swap3A_784 = arith.constant 0 : i32
        %swap3A_785 = tpu.memref_slice %arg8[%scan3A_608, %swap3A_783, %swap3A_784] : memref<5x128x128xf32, #tpu.memory_space<vmem>> -> memref<1x128x128xf32, #tpu.memory_space<vmem>>
        %swap3A_786 = tpu.memref_squeeze %swap3A_785 : memref<1x128x128xf32, #tpu.memory_space<vmem>> -> memref<128x128xf32, #tpu.memory_space<vmem>>
        %swap3A_787 = arith.index_cast %scan3A_738 : i32 to index
        %swap3A_788 = arith.constant 32 : index
        %swap3A_789 = tpu.vector_load %swap3A_786[%swap3A_787, %swap3A_788] {strides = array<i32>} : memref<128x128xf32, #tpu.memory_space<vmem>>, vector<1x16xf32>,
        %swap3A_790 = vector.shape_cast %swap3A_789 : vector<1x16xf32> to vector<16xf32>
        %swap3A_791 = vector.shape_cast %mul3A_782 : vector<16xf32> to vector<1x16xf32>
        tpu.vector_store %swap3A_786[%swap3A_787, %swap3A_788], %swap3A_791 {strides = array<i32>} : memref<128x128xf32, #tpu.memory_space<vmem>>, vector<1x16xf32>,
        %get3A_792 = arith.constant 0 : i32
        %get3A_793 = arith.constant 0 : i32
        %get3A_794 = tpu.memref_slice %arg8[%scan3A_608, %get3A_792, %get3A_793] : memref<5x128x128xf32, #tpu.memory_space<vmem>> -> memref<1x128x128xf32, #tpu.memory_space<vmem>>
        %get3A_795 = tpu.memref_squeeze %get3A_794 : memref<1x128x128xf32, #tpu.memory_space<vmem>> -> memref<128x128xf32, #tpu.memory_space<vmem>>
        %get3A_796 = arith.index_cast %scan3A_738 : i32 to index
        %get3A_797 = arith.constant 48 : index
        %get3A_798 = tpu.vector_load %get3A_795[%get3A_796, %get3A_797] {strides = array<i32>} : memref<128x128xf32, #tpu.memory_space<vmem>>, vector<1x16xf32>,
        %get3A_799 = vector.shape_cast %get3A_798 : vector<1x16xf32> to vector<16xf32>
        %mul3A_800 = arith.mulf %get3A_799, %get3A_13 : vector<16xf32>
        %swap3A_801 = arith.constant 0 : i32
        %swap3A_802 = arith.constant 0 : i32
        %swap3A_803 = tpu.memref_slice %arg8[%scan3A_608, %swap3A_801, %swap3A_802] : memref<5x128x128xf32, #tpu.memory_space<vmem>> -> memref<1x128x128xf32, #tpu.memory_space<vmem>>
        %swap3A_804 = tpu.memref_squeeze %swap3A_803 : memref<1x128x128xf32, #tpu.memory_space<vmem>> -> memref<128x128xf32, #tpu.memory_space<vmem>>
        %swap3A_805 = arith.index_cast %scan3A_738 : i32 to index
        %swap3A_806 = arith.constant 48 : index
        %swap3A_807 = tpu.vector_load %swap3A_804[%swap3A_805, %swap3A_806] {strides = array<i32>} : memref<128x128xf32, #tpu.memory_space<vmem>>, vector<1x16xf32>,
        %swap3A_808 = vector.shape_cast %swap3A_807 : vector<1x16xf32> to vector<16xf32>
        %swap3A_809 = vector.shape_cast %mul3A_800 : vector<16xf32> to vector<1x16xf32>
        tpu.vector_store %swap3A_804[%swap3A_805, %swap3A_806], %swap3A_809 {strides = array<i32>} : memref<128x128xf32, #tpu.memory_space<vmem>>, vector<1x16xf32>,
        %get3A_810 = arith.constant 0 : i32
        %get3A_811 = arith.constant 0 : i32
        %get3A_812 = tpu.memref_slice %arg8[%scan3A_608, %get3A_810, %get3A_811] : memref<5x128x128xf32, #tpu.memory_space<vmem>> -> memref<1x128x128xf32, #tpu.memory_space<vmem>>
        %get3A_813 = tpu.memref_squeeze %get3A_812 : memref<1x128x128xf32, #tpu.memory_space<vmem>> -> memref<128x128xf32, #tpu.memory_space<vmem>>
        %get3A_814 = arith.index_cast %scan3A_738 : i32 to index
        %get3A_815 = arith.constant 64 : index
        %get3A_816 = tpu.vector_load %get3A_813[%get3A_814, %get3A_815] {strides = array<i32>} : memref<128x128xf32, #tpu.memory_space<vmem>>, vector<1x16xf32>,
        %get3A_817 = vector.shape_cast %get3A_816 : vector<1x16xf32> to vector<16xf32>
        %mul3A_818 = arith.mulf %get3A_817, %get3A_16 : vector<16xf32>
        %swap3A_819 = arith.constant 0 : i32
        %swap3A_820 = arith.constant 0 : i32
        %swap3A_821 = tpu.memref_slice %arg8[%scan3A_608, %swap3A_819, %swap3A_820] : memref<5x128x128xf32, #tpu.memory_space<vmem>> -> memref<1x128x128xf32, #tpu.memory_space<vmem>>
        %swap3A_822 = tpu.memref_squeeze %swap3A_821 : memref<1x128x128xf32, #tpu.memory_space<vmem>> -> memref<128x128xf32, #tpu.memory_space<vmem>>
        %swap3A_823 = arith.index_cast %scan3A_738 : i32 to index
        %swap3A_824 = arith.constant 64 : index
        %swap3A_825 = tpu.vector_load %swap3A_822[%swap3A_823, %swap3A_824] {strides = array<i32>} : memref<128x128xf32, #tpu.memory_space<vmem>>, vector<1x16xf32>,
        %swap3A_826 = vector.shape_cast %swap3A_825 : vector<1x16xf32> to vector<16xf32>
        %swap3A_827 = vector.shape_cast %mul3A_818 : vector<16xf32> to vector<1x16xf32>
        tpu.vector_store %swap3A_822[%swap3A_823, %swap3A_824], %swap3A_827 {strides = array<i32>} : memref<128x128xf32, #tpu.memory_space<vmem>>, vector<1x16xf32>,
        %get3A_828 = arith.constant 0 : i32
        %get3A_829 = arith.constant 0 : i32
        %get3A_830 = tpu.memref_slice %arg8[%scan3A_608, %get3A_828, %get3A_829] : memref<5x128x128xf32, #tpu.memory_space<vmem>> -> memref<1x128x128xf32, #tpu.memory_space<vmem>>
        %get3A_831 = tpu.memref_squeeze %get3A_830 : memref<1x128x128xf32, #tpu.memory_space<vmem>> -> memref<128x128xf32, #tpu.memory_space<vmem>>
        %get3A_832 = arith.index_cast %scan3A_738 : i32 to index
        %get3A_833 = arith.constant 80 : index
        %get3A_834 = tpu.vector_load %get3A_831[%get3A_832, %get3A_833] {strides = array<i32>} : memref<128x128xf32, #tpu.memory_space<vmem>>, vector<1x16xf32>,
        %get3A_835 = vector.shape_cast %get3A_834 : vector<1x16xf32> to vector<16xf32>
        %mul3A_836 = arith.mulf %get3A_835, %get3A_19 : vector<16xf32>
        %swap3A_837 = arith.constant 0 : i32
        %swap3A_838 = arith.constant 0 : i32
        %swap3A_839 = tpu.memref_slice %arg8[%scan3A_608, %swap3A_837, %swap3A_838] : memref<5x128x128xf32, #tpu.memory_space<vmem>> -> memref<1x128x128xf32, #tpu.memory_space<vmem>>
        %swap3A_840 = tpu.memref_squeeze %swap3A_839 : memref<1x128x128xf32, #tpu.memory_space<vmem>> -> memref<128x128xf32, #tpu.memory_space<vmem>>
        %swap3A_841 = arith.index_cast %scan3A_738 : i32 to index
        %swap3A_842 = arith.constant 80 : index
        %swap3A_843 = tpu.vector_load %swap3A_840[%swap3A_841, %swap3A_842] {strides = array<i32>} : memref<128x128xf32, #tpu.memory_space<vmem>>, vector<1x16xf32>,
        %swap3A_844 = vector.shape_cast %swap3A_843 : vector<1x16xf32> to vector<16xf32>
        %swap3A_845 = vector.shape_cast %mul3A_836 : vector<16xf32> to vector<1x16xf32>
        tpu.vector_store %swap3A_840[%swap3A_841, %swap3A_842], %swap3A_845 {strides = array<i32>} : memref<128x128xf32, #tpu.memory_space<vmem>>, vector<1x16xf32>,
        %get3A_846 = arith.constant 0 : i32
        %get3A_847 = arith.constant 0 : i32
        %get3A_848 = tpu.memref_slice %arg8[%scan3A_608, %get3A_846, %get3A_847] : memref<5x128x128xf32, #tpu.memory_space<vmem>> -> memref<1x128x128xf32, #tpu.memory_space<vmem>>
        %get3A_849 = tpu.memref_squeeze %get3A_848 : memref<1x128x128xf32, #tpu.memory_space<vmem>> -> memref<128x128xf32, #tpu.memory_space<vmem>>
        %get3A_850 = arith.index_cast %scan3A_738 : i32 to index
        %get3A_851 = arith.constant 96 : index
        %get3A_852 = tpu.vector_load %get3A_849[%get3A_850, %get3A_851] {strides = array<i32>} : memref<128x128xf32, #tpu.memory_space<vmem>>, vector<1x16xf32>,
        %get3A_853 = vector.shape_cast %get3A_852 : vector<1x16xf32> to vector<16xf32>
        %mul3A_854 = arith.mulf %get3A_853, %get3A_22 : vector<16xf32>
        %swap3A_855 = arith.constant 0 : i32
        %swap3A_856 = arith.constant 0 : i32
        %swap3A_857 = tpu.memref_slice %arg8[%scan3A_608, %swap3A_855, %swap3A_856] : memref<5x128x128xf32, #tpu.memory_space<vmem>> -> memref<1x128x128xf32, #tpu.memory_space<vmem>>
        %swap3A_858 = tpu.memref_squeeze %swap3A_857 : memref<1x128x128xf32, #tpu.memory_space<vmem>> -> memref<128x128xf32, #tpu.memory_space<vmem>>
        %swap3A_859 = arith.index_cast %scan3A_738 : i32 to index
        %swap3A_860 = arith.constant 96 : index
        %swap3A_861 = tpu.vector_load %swap3A_858[%swap3A_859, %swap3A_860] {strides = array<i32>} : memref<128x128xf32, #tpu.memory_space<vmem>>, vector<1x16xf32>,
        %swap3A_862 = vector.shape_cast %swap3A_861 : vector<1x16xf32> to vector<16xf32>
        %swap3A_863 = vector.shape_cast %mul3A_854 : vector<16xf32> to vector<1x16xf32>
        tpu.vector_store %swap3A_858[%swap3A_859, %swap3A_860], %swap3A_863 {strides = array<i32>} : memref<128x128xf32, #tpu.memory_space<vmem>>, vector<1x16xf32>,
        %get3A_864 = arith.constant 0 : i32
        %get3A_865 = arith.constant 0 : i32
        %get3A_866 = tpu.memref_slice %arg8[%scan3A_608, %get3A_864, %get3A_865] : memref<5x128x128xf32, #tpu.memory_space<vmem>> -> memref<1x128x128xf32, #tpu.memory_space<vmem>>
        %get3A_867 = tpu.memref_squeeze %get3A_866 : memref<1x128x128xf32, #tpu.memory_space<vmem>> -> memref<128x128xf32, #tpu.memory_space<vmem>>
        %get3A_868 = arith.index_cast %scan3A_738 : i32 to index
        %get3A_869 = arith.constant 112 : index
        %get3A_870 = tpu.vector_load %get3A_867[%get3A_868, %get3A_869] {strides = array<i32>} : memref<128x128xf32, #tpu.memory_space<vmem>>, vector<1x16xf32>,
        %get3A_871 = vector.shape_cast %get3A_870 : vector<1x16xf32> to vector<16xf32>
        %mul3A_872 = arith.mulf %get3A_871, %get3A_25 : vector<16xf32>
        %swap3A_873 = arith.constant 0 : i32
        %swap3A_874 = arith.constant 0 : i32
        %swap3A_875 = tpu.memref_slice %arg8[%scan3A_608, %swap3A_873, %swap3A_874] : memref<5x128x128xf32, #tpu.memory_space<vmem>> -> memref<1x128x128xf32, #tpu.memory_space<vmem>>
        %swap3A_876 = tpu.memref_squeeze %swap3A_875 : memref<1x128x128xf32, #tpu.memory_space<vmem>> -> memref<128x128xf32, #tpu.memory_space<vmem>>
        %swap3A_877 = arith.index_cast %scan3A_738 : i32 to index
        %swap3A_878 = arith.constant 112 : index
        %swap3A_879 = tpu.vector_load %swap3A_876[%swap3A_877, %swap3A_878] {strides = array<i32>} : memref<128x128xf32, #tpu.memory_space<vmem>>, vector<1x16xf32>,
        %swap3A_880 = vector.shape_cast %swap3A_879 : vector<1x16xf32> to vector<16xf32>
        %swap3A_881 = vector.shape_cast %mul3A_872 : vector<16xf32> to vector<1x16xf32>
        tpu.vector_store %swap3A_876[%swap3A_877, %swap3A_878], %swap3A_881 {strides = array<i32>} : memref<128x128xf32, #tpu.memory_space<vmem>>, vector<1x16xf32>,
      }
      %scan3A_613 = arith.constant 128 : i32
      %mul3A_614 = arith.constant 128 : i32
      %mul3A_615 = arith.muli %add3A_592, %mul3A_614 : i32
      %add3A_616 = arith.addi %mul3A_2, %mul3A_615 : i32
      %dma_start3A_617 = arith.constant 2 : i32
      %dma_start3A_618 = arith.constant 2 : i32
      %dma_start3A_619 = arith.constant 0 : i32
      %dma_start3A_620 = arith.constant 0 : i32
      %dma_start3A_621 = tpu.memref_slice %arg8[%dma_start3A_617, %dma_start3A_619, %dma_start3A_620] : memref<5x128x128xf32, #tpu.memory_space<vmem>> -> memref<1x128x128xf32, #tpu.memory_space<vmem>>
      %dma_start3A_622 = tpu.memref_squeeze %dma_start3A_621 : memref<1x128x128xf32, #tpu.memory_space<vmem>> -> memref<128x128xf32, #tpu.memory_space<vmem>>
      %dma_start3A_623 = arith.constant 0 : i32
      %dma_start3A_624 = tpu.memref_slice %arg5[%add3A_616, %dma_start3A_623] : memref<204800x128xf32, #tpu.memory_space<hbm>> -> memref<128x128xf32, #tpu.memory_space<hbm>>
      %dma_start3A_625 = tpu.memref_slice %arg10[%dma_start3A_618] : memref<5x!tpu.dma_semaphore, #tpu.memory_space<semaphore_mem>> -> memref<1x!tpu.dma_semaphore, #tpu.memory_space<semaphore_mem>>
      %dma_start3A_626 = tpu.memref_squeeze %dma_start3A_625 : memref<1x!tpu.dma_semaphore, #tpu.memory_space<semaphore_mem>> -> memref<!tpu.dma_semaphore, #tpu.memory_space<semaphore_mem>>
      %dma_start3A_627 = arith.constant 0 : i32
      %dma_start3A_628 = tpu.memref_slice %arg5[%add3A_616, %dma_start3A_627] : memref<204800x128xf32, #tpu.memory_space<hbm>> -> memref<128x128xf32, #tpu.memory_space<hbm>>
      %dma_start3A_629 = arith.constant 0 : i32
      %dma_start3A_630 = arith.constant 0 : i32
      %dma_start3A_631 = tpu.memref_slice %arg8[%dma_start3A_617, %dma_start3A_629, %dma_start3A_630] : memref<5x128x128xf32, #tpu.memory_space<vmem>> -> memref<1x128x128xf32, #tpu.memory_space<vmem>>
      %dma_start3A_632 = tpu.memref_squeeze %dma_start3A_631 : memref<1x128x128xf32, #tpu.memory_space<vmem>> -> memref<128x128xf32, #tpu.memory_space<vmem>>
      tpu.enqueue_dma source(%dma_start3A_632 : memref<128x128xf32, #tpu.memory_space<vmem>>) target(%dma_start3A_628 : memref<128x128xf32, #tpu.memory_space<hbm>>) target_semaphore(%dma_start3A_626 : memref<!tpu.dma_semaphore, #tpu.memory_space<semaphore_mem>>)
      %add3A_633 = arith.constant 3 : i32
      %add3A_634 = arith.addi %add3A_592, %add3A_633 : i32
      %lt3A_635 = arith.constant 50 : i32
      %lt3A_636 = arith.cmpi slt, %add3A_634, %lt3A_635 : i32
      %convert_element_type3A_637 = arith.extui %lt3A_636 : i1 to i32
      %cond3A_638 = arith.constant 0 : i32
      %cond3A_639 = arith.cmpi ne, %convert_element_type3A_637, %cond3A_638 : i32
      scf.if %cond3A_639 {
        %sub3A = arith.constant 5 : i32
        %sub3A_738 = arith.subi %add3A_634, %sub3A : i32
        %mul3A_739 = arith.constant 128 : i32
        %mul3A_740 = arith.muli %sub3A_738, %mul3A_739 : i32
        %add3A_741 = arith.addi %mul3A_2, %mul3A_740 : i32
        %dma_wait3A_742 = arith.constant 0 : i32
        %dma_wait3A_743 = arith.constant 0 : i32
        %dma_wait3A_744 = arith.constant 0 : i32
        %dma_wait3A_745 = arith.constant 0 : i32
        %dma_wait3A_746 = tpu.memref_slice %arg8[%dma_wait3A_742, %dma_wait3A_744, %dma_wait3A_745] : memref<5x128x128xf32, #tpu.memory_space<vmem>> -> memref<1x128x128xf32, #tpu.memory_space<vmem>>
        %dma_wait3A_747 = tpu.memref_squeeze %dma_wait3A_746 : memref<1x128x128xf32, #tpu.memory_space<vmem>> -> memref<128x128xf32, #tpu.memory_space<vmem>>
        %dma_wait3A_748 = arith.constant 0 : i32
        %dma_wait3A_749 = tpu.memref_slice %arg5[%add3A_741, %dma_wait3A_748] : memref<204800x128xf32, #tpu.memory_space<hbm>> -> memref<128x128xf32, #tpu.memory_space<hbm>>
        %dma_wait3A_750 = tpu.memref_slice %arg10[%dma_wait3A_743] : memref<5x!tpu.dma_semaphore, #tpu.memory_space<semaphore_mem>> -> memref<1x!tpu.dma_semaphore, #tpu.memory_space<semaphore_mem>>
        %dma_wait3A_751 = tpu.memref_squeeze %dma_wait3A_750 : memref<1x!tpu.dma_semaphore, #tpu.memory_space<semaphore_mem>> -> memref<!tpu.dma_semaphore, #tpu.memory_space<semaphore_mem>>
        %dma_wait3A_752 = arith.constant 0 : i32
        %dma_wait3A_753 = tpu.memref_slice %arg5[%add3A_741, %dma_wait3A_752] : memref<204800x128xf32, #tpu.memory_space<hbm>> -> memref<128x128xf32, #tpu.memory_space<hbm>>
        %dma_wait3A_754 = arith.constant 0 : i32
        %dma_wait3A_755 = arith.constant 0 : i32
        %dma_wait3A_756 = tpu.memref_slice %arg8[%dma_wait3A_742, %dma_wait3A_754, %dma_wait3A_755] : memref<5x128x128xf32, #tpu.memory_space<vmem>> -> memref<1x128x128xf32, #tpu.memory_space<vmem>>
        %dma_wait3A_757 = tpu.memref_squeeze %dma_wait3A_756 : memref<1x128x128xf32, #tpu.memory_space<vmem>> -> memref<128x128xf32, #tpu.memory_space<vmem>>
        tpu.wait_dma2 semaphore(%dma_wait3A_751 : memref<!tpu.dma_semaphore, #tpu.memory_space<semaphore_mem>>) src(%dma_wait3A_757 : memref<128x128xf32, #tpu.memory_space<vmem>>) dst(%dma_wait3A_753 : memref<128x128xf32, #tpu.memory_space<hbm>>)
        %dma_start3A_758 = arith.constant 0 : i32
        %dma_start3A_759 = arith.constant 0 : i32
        %dma_start3A_760 = arith.constant 0 : i32
        %dma_start3A_761 = arith.constant 0 : i32
        %dma_start3A_762 = tpu.memref_slice %arg8[%dma_start3A_758, %dma_start3A_760, %dma_start3A_761] : memref<5x128x128xf32, #tpu.memory_space<vmem>> -> memref<1x128x128xf32, #tpu.memory_space<vmem>>
        %dma_start3A_763 = tpu.memref_squeeze %dma_start3A_762 : memref<1x128x128xf32, #tpu.memory_space<vmem>> -> memref<128x128xf32, #tpu.memory_space<vmem>>
        %dma_start3A_764 = arith.constant 0 : i32
        %dma_start3A_765 = tpu.memref_slice %arg6[%add3A_634, %dma_start3A_764] : memref<50x128xi32, #tpu.memory_space<vmem>> -> memref<1x128xi32, #tpu.memory_space<vmem>>
        %dma_start3A_766 = tpu.memref_squeeze %dma_start3A_765 : memref<1x128xi32, #tpu.memory_space<vmem>> -> memref<128xi32, #tpu.memory_space<vmem>>
        %dma_start3A_767 = arith.constant 0 : i32
        %dma_start3A_768 = arith.constant 0 : i32
        %dma_start3A_769 = tpu.memref_slice %arg3[%dma_start3A_767, %dma_start3A_768] : memref<100000x128xf32, #tpu.memory_space<hbm>> -> memref<100000x128xf32, #tpu.memory_space<hbm>>
        %dma_start3A_770 = tpu.memref_slice %arg9[%dma_start3A_759] : memref<5x!tpu.dma_semaphore, #tpu.memory_space<semaphore_mem>> -> memref<1x!tpu.dma_semaphore, #tpu.memory_space<semaphore_mem>>
        %dma_start3A_771 = tpu.memref_squeeze %dma_start3A_770 : memref<1x!tpu.dma_semaphore, #tpu.memory_space<semaphore_mem>> -> memref<!tpu.dma_semaphore, #tpu.memory_space<semaphore_mem>>
        tpu.enqueue_indirect_dma source(%dma_start3A_769 : memref<100000x128xf32, #tpu.memory_space<hbm>>) target(%dma_start3A_763 : memref<128x128xf32, #tpu.memory_space<vmem>>) offsets(%dma_start3A_766 : memref<128xi32, #tpu.memory_space<vmem>>) semaphore(%dma_start3A_771 : memref<!tpu.dma_semaphore, #tpu.memory_space<semaphore_mem>>)
      } else {
      }
      %add3A_640 = arith.constant 3 : i32
      %add3A_641 = arith.addi %mul3A_495, %add3A_640 : i32
      %dma_wait3A_642 = arith.constant 3 : i32
      %dma_wait3A_643 = arith.constant 3 : i32
      %dma_wait3A_644 = arith.constant 0 : i32
      %dma_wait3A_645 = arith.constant 0 : i32
      %dma_wait3A_646 = tpu.memref_slice %arg8[%dma_wait3A_642, %dma_wait3A_644, %dma_wait3A_645] : memref<5x128x128xf32, #tpu.memory_space<vmem>> -> memref<1x128x128xf32, #tpu.memory_space<vmem>>
      %dma_wait3A_647 = tpu.memref_squeeze %dma_wait3A_646 : memref<1x128x128xf32, #tpu.memory_space<vmem>> -> memref<128x128xf32, #tpu.memory_space<vmem>>
      %dma_wait3A_648 = arith.constant 0 : i32
      %dma_wait3A_649 = tpu.memref_slice %arg6[%add3A_641, %dma_wait3A_648] : memref<50x128xi32, #tpu.memory_space<vmem>> -> memref<1x128xi32, #tpu.memory_space<vmem>>
      %dma_wait3A_650 = tpu.memref_squeeze %dma_wait3A_649 : memref<1x128xi32, #tpu.memory_space<vmem>> -> memref<128xi32, #tpu.memory_space<vmem>>
      %dma_wait3A_651 = arith.constant 0 : i32
      %dma_wait3A_652 = arith.constant 0 : i32
      %dma_wait3A_653 = tpu.memref_slice %arg3[%dma_wait3A_651, %dma_wait3A_652] : memref<100000x128xf32, #tpu.memory_space<hbm>> -> memref<100000x128xf32, #tpu.memory_space<hbm>>
      %dma_wait3A_654 = tpu.memref_slice %arg9[%dma_wait3A_643] : memref<5x!tpu.dma_semaphore, #tpu.memory_space<semaphore_mem>> -> memref<1x!tpu.dma_semaphore, #tpu.memory_space<semaphore_mem>>
      %dma_wait3A_655 = tpu.memref_squeeze %dma_wait3A_654 : memref<1x!tpu.dma_semaphore, #tpu.memory_space<semaphore_mem>> -> memref<!tpu.dma_semaphore, #tpu.memory_space<semaphore_mem>>
      tpu.wait_indirect_dma semaphore(%dma_wait3A_655 : memref<!tpu.dma_semaphore, #tpu.memory_space<semaphore_mem>>) src(%dma_wait3A_653 : memref<100000x128xf32, #tpu.memory_space<hbm>>) dst(%dma_wait3A_647 : memref<128x128xf32, #tpu.memory_space<vmem>>)
      %scan3A_656 = arith.constant 0 : i32
      %scan3A_657 = arith.constant 3 : i32
      %scan3A_658 = arith.constant 0 : i32
      %scan3A_659 = arith.constant 128 : i32
      %scan3A_660 = arith.addi %scan3A_658, %scan3A_659 : i32
      %scan3A_661 = arith.constant 1 : i32
      scf.for %scan3A_738 = %scan3A_658 to %scan3A_660 step %scan3A_661  : i32 {
        %get3A_739 = arith.constant 0 : i32
        %get3A_740 = arith.constant 0 : i32
        %get3A_741 = tpu.memref_slice %arg8[%scan3A_657, %get3A_739, %get3A_740] : memref<5x128x128xf32, #tpu.memory_space<vmem>> -> memref<1x128x128xf32, #tpu.memory_space<vmem>>
        %get3A_742 = tpu.memref_squeeze %get3A_741 : memref<1x128x128xf32, #tpu.memory_space<vmem>> -> memref<128x128xf32, #tpu.memory_space<vmem>>
        %get3A_743 = arith.index_cast %scan3A_738 : i32 to index
        %get3A_744 = arith.constant 0 : index
        %get3A_745 = tpu.vector_load %get3A_742[%get3A_743, %get3A_744] {strides = array<i32>} : memref<128x128xf32, #tpu.memory_space<vmem>>, vector<1x16xf32>,
        %get3A_746 = vector.shape_cast %get3A_745 : vector<1x16xf32> to vector<16xf32>
        %mul3A_747 = arith.mulf %get3A_746, %get3A_4 : vector<16xf32>
        %swap3A = arith.constant 0 : i32
        %swap3A_748 = arith.constant 0 : i32
        %swap3A_749 = tpu.memref_slice %arg8[%scan3A_657, %swap3A, %swap3A_748] : memref<5x128x128xf32, #tpu.memory_space<vmem>> -> memref<1x128x128xf32, #tpu.memory_space<vmem>>
        %swap3A_750 = tpu.memref_squeeze %swap3A_749 : memref<1x128x128xf32, #tpu.memory_space<vmem>> -> memref<128x128xf32, #tpu.memory_space<vmem>>
        %swap3A_751 = arith.index_cast %scan3A_738 : i32 to index
        %swap3A_752 = arith.constant 0 : index
        %swap3A_753 = tpu.vector_load %swap3A_750[%swap3A_751, %swap3A_752] {strides = array<i32>} : memref<128x128xf32, #tpu.memory_space<vmem>>, vector<1x16xf32>,
        %swap3A_754 = vector.shape_cast %swap3A_753 : vector<1x16xf32> to vector<16xf32>
        %swap3A_755 = vector.shape_cast %mul3A_747 : vector<16xf32> to vector<1x16xf32>
        tpu.vector_store %swap3A_750[%swap3A_751, %swap3A_752], %swap3A_755 {strides = array<i32>} : memref<128x128xf32, #tpu.memory_space<vmem>>, vector<1x16xf32>,
        %get3A_756 = arith.constant 0 : i32
        %get3A_757 = arith.constant 0 : i32
        %get3A_758 = tpu.memref_slice %arg8[%scan3A_657, %get3A_756, %get3A_757] : memref<5x128x128xf32, #tpu.memory_space<vmem>> -> memref<1x128x128xf32, #tpu.memory_space<vmem>>
        %get3A_759 = tpu.memref_squeeze %get3A_758 : memref<1x128x128xf32, #tpu.memory_space<vmem>> -> memref<128x128xf32, #tpu.memory_space<vmem>>
        %get3A_760 = arith.index_cast %scan3A_738 : i32 to index
        %get3A_761 = arith.constant 16 : index
        %get3A_762 = tpu.vector_load %get3A_759[%get3A_760, %get3A_761] {strides = array<i32>} : memref<128x128xf32, #tpu.memory_space<vmem>>, vector<1x16xf32>,
        %get3A_763 = vector.shape_cast %get3A_762 : vector<1x16xf32> to vector<16xf32>
        %mul3A_764 = arith.mulf %get3A_763, %get3A_7 : vector<16xf32>
        %swap3A_765 = arith.constant 0 : i32
        %swap3A_766 = arith.constant 0 : i32
        %swap3A_767 = tpu.memref_slice %arg8[%scan3A_657, %swap3A_765, %swap3A_766] : memref<5x128x128xf32, #tpu.memory_space<vmem>> -> memref<1x128x128xf32, #tpu.memory_space<vmem>>
        %swap3A_768 = tpu.memref_squeeze %swap3A_767 : memref<1x128x128xf32, #tpu.memory_space<vmem>> -> memref<128x128xf32, #tpu.memory_space<vmem>>
        %swap3A_769 = arith.index_cast %scan3A_738 : i32 to index
        %swap3A_770 = arith.constant 16 : index
        %swap3A_771 = tpu.vector_load %swap3A_768[%swap3A_769, %swap3A_770] {strides = array<i32>} : memref<128x128xf32, #tpu.memory_space<vmem>>, vector<1x16xf32>,
        %swap3A_772 = vector.shape_cast %swap3A_771 : vector<1x16xf32> to vector<16xf32>
        %swap3A_773 = vector.shape_cast %mul3A_764 : vector<16xf32> to vector<1x16xf32>
        tpu.vector_store %swap3A_768[%swap3A_769, %swap3A_770], %swap3A_773 {strides = array<i32>} : memref<128x128xf32, #tpu.memory_space<vmem>>, vector<1x16xf32>,
        %get3A_774 = arith.constant 0 : i32
        %get3A_775 = arith.constant 0 : i32
        %get3A_776 = tpu.memref_slice %arg8[%scan3A_657, %get3A_774, %get3A_775] : memref<5x128x128xf32, #tpu.memory_space<vmem>> -> memref<1x128x128xf32, #tpu.memory_space<vmem>>
        %get3A_777 = tpu.memref_squeeze %get3A_776 : memref<1x128x128xf32, #tpu.memory_space<vmem>> -> memref<128x128xf32, #tpu.memory_space<vmem>>
        %get3A_778 = arith.index_cast %scan3A_738 : i32 to index
        %get3A_779 = arith.constant 32 : index
        %get3A_780 = tpu.vector_load %get3A_777[%get3A_778, %get3A_779] {strides = array<i32>} : memref<128x128xf32, #tpu.memory_space<vmem>>, vector<1x16xf32>,
        %get3A_781 = vector.shape_cast %get3A_780 : vector<1x16xf32> to vector<16xf32>
        %mul3A_782 = arith.mulf %get3A_781, %get3A_10 : vector<16xf32>
        %swap3A_783 = arith.constant 0 : i32
        %swap3A_784 = arith.constant 0 : i32
        %swap3A_785 = tpu.memref_slice %arg8[%scan3A_657, %swap3A_783, %swap3A_784] : memref<5x128x128xf32, #tpu.memory_space<vmem>> -> memref<1x128x128xf32, #tpu.memory_space<vmem>>
        %swap3A_786 = tpu.memref_squeeze %swap3A_785 : memref<1x128x128xf32, #tpu.memory_space<vmem>> -> memref<128x128xf32, #tpu.memory_space<vmem>>
        %swap3A_787 = arith.index_cast %scan3A_738 : i32 to index
        %swap3A_788 = arith.constant 32 : index
        %swap3A_789 = tpu.vector_load %swap3A_786[%swap3A_787, %swap3A_788] {strides = array<i32>} : memref<128x128xf32, #tpu.memory_space<vmem>>, vector<1x16xf32>,
        %swap3A_790 = vector.shape_cast %swap3A_789 : vector<1x16xf32> to vector<16xf32>
        %swap3A_791 = vector.shape_cast %mul3A_782 : vector<16xf32> to vector<1x16xf32>
        tpu.vector_store %swap3A_786[%swap3A_787, %swap3A_788], %swap3A_791 {strides = array<i32>} : memref<128x128xf32, #tpu.memory_space<vmem>>, vector<1x16xf32>,
        %get3A_792 = arith.constant 0 : i32
        %get3A_793 = arith.constant 0 : i32
        %get3A_794 = tpu.memref_slice %arg8[%scan3A_657, %get3A_792, %get3A_793] : memref<5x128x128xf32, #tpu.memory_space<vmem>> -> memref<1x128x128xf32, #tpu.memory_space<vmem>>
        %get3A_795 = tpu.memref_squeeze %get3A_794 : memref<1x128x128xf32, #tpu.memory_space<vmem>> -> memref<128x128xf32, #tpu.memory_space<vmem>>
        %get3A_796 = arith.index_cast %scan3A_738 : i32 to index
        %get3A_797 = arith.constant 48 : index
        %get3A_798 = tpu.vector_load %get3A_795[%get3A_796, %get3A_797] {strides = array<i32>} : memref<128x128xf32, #tpu.memory_space<vmem>>, vector<1x16xf32>,
        %get3A_799 = vector.shape_cast %get3A_798 : vector<1x16xf32> to vector<16xf32>
        %mul3A_800 = arith.mulf %get3A_799, %get3A_13 : vector<16xf32>
        %swap3A_801 = arith.constant 0 : i32
        %swap3A_802 = arith.constant 0 : i32
        %swap3A_803 = tpu.memref_slice %arg8[%scan3A_657, %swap3A_801, %swap3A_802] : memref<5x128x128xf32, #tpu.memory_space<vmem>> -> memref<1x128x128xf32, #tpu.memory_space<vmem>>
        %swap3A_804 = tpu.memref_squeeze %swap3A_803 : memref<1x128x128xf32, #tpu.memory_space<vmem>> -> memref<128x128xf32, #tpu.memory_space<vmem>>
        %swap3A_805 = arith.index_cast %scan3A_738 : i32 to index
        %swap3A_806 = arith.constant 48 : index
        %swap3A_807 = tpu.vector_load %swap3A_804[%swap3A_805, %swap3A_806] {strides = array<i32>} : memref<128x128xf32, #tpu.memory_space<vmem>>, vector<1x16xf32>,
        %swap3A_808 = vector.shape_cast %swap3A_807 : vector<1x16xf32> to vector<16xf32>
        %swap3A_809 = vector.shape_cast %mul3A_800 : vector<16xf32> to vector<1x16xf32>
        tpu.vector_store %swap3A_804[%swap3A_805, %swap3A_806], %swap3A_809 {strides = array<i32>} : memref<128x128xf32, #tpu.memory_space<vmem>>, vector<1x16xf32>,
        %get3A_810 = arith.constant 0 : i32
        %get3A_811 = arith.constant 0 : i32
        %get3A_812 = tpu.memref_slice %arg8[%scan3A_657, %get3A_810, %get3A_811] : memref<5x128x128xf32, #tpu.memory_space<vmem>> -> memref<1x128x128xf32, #tpu.memory_space<vmem>>
        %get3A_813 = tpu.memref_squeeze %get3A_812 : memref<1x128x128xf32, #tpu.memory_space<vmem>> -> memref<128x128xf32, #tpu.memory_space<vmem>>
        %get3A_814 = arith.index_cast %scan3A_738 : i32 to index
        %get3A_815 = arith.constant 64 : index
        %get3A_816 = tpu.vector_load %get3A_813[%get3A_814, %get3A_815] {strides = array<i32>} : memref<128x128xf32, #tpu.memory_space<vmem>>, vector<1x16xf32>,
        %get3A_817 = vector.shape_cast %get3A_816 : vector<1x16xf32> to vector<16xf32>
        %mul3A_818 = arith.mulf %get3A_817, %get3A_16 : vector<16xf32>
        %swap3A_819 = arith.constant 0 : i32
        %swap3A_820 = arith.constant 0 : i32
        %swap3A_821 = tpu.memref_slice %arg8[%scan3A_657, %swap3A_819, %swap3A_820] : memref<5x128x128xf32, #tpu.memory_space<vmem>> -> memref<1x128x128xf32, #tpu.memory_space<vmem>>
        %swap3A_822 = tpu.memref_squeeze %swap3A_821 : memref<1x128x128xf32, #tpu.memory_space<vmem>> -> memref<128x128xf32, #tpu.memory_space<vmem>>
        %swap3A_823 = arith.index_cast %scan3A_738 : i32 to index
        %swap3A_824 = arith.constant 64 : index
        %swap3A_825 = tpu.vector_load %swap3A_822[%swap3A_823, %swap3A_824] {strides = array<i32>} : memref<128x128xf32, #tpu.memory_space<vmem>>, vector<1x16xf32>,
        %swap3A_826 = vector.shape_cast %swap3A_825 : vector<1x16xf32> to vector<16xf32>
        %swap3A_827 = vector.shape_cast %mul3A_818 : vector<16xf32> to vector<1x16xf32>
        tpu.vector_store %swap3A_822[%swap3A_823, %swap3A_824], %swap3A_827 {strides = array<i32>} : memref<128x128xf32, #tpu.memory_space<vmem>>, vector<1x16xf32>,
        %get3A_828 = arith.constant 0 : i32
        %get3A_829 = arith.constant 0 : i32
        %get3A_830 = tpu.memref_slice %arg8[%scan3A_657, %get3A_828, %get3A_829] : memref<5x128x128xf32, #tpu.memory_space<vmem>> -> memref<1x128x128xf32, #tpu.memory_space<vmem>>
        %get3A_831 = tpu.memref_squeeze %get3A_830 : memref<1x128x128xf32, #tpu.memory_space<vmem>> -> memref<128x128xf32, #tpu.memory_space<vmem>>
        %get3A_832 = arith.index_cast %scan3A_738 : i32 to index
        %get3A_833 = arith.constant 80 : index
        %get3A_834 = tpu.vector_load %get3A_831[%get3A_832, %get3A_833] {strides = array<i32>} : memref<128x128xf32, #tpu.memory_space<vmem>>, vector<1x16xf32>,
        %get3A_835 = vector.shape_cast %get3A_834 : vector<1x16xf32> to vector<16xf32>
        %mul3A_836 = arith.mulf %get3A_835, %get3A_19 : vector<16xf32>
        %swap3A_837 = arith.constant 0 : i32
        %swap3A_838 = arith.constant 0 : i32
        %swap3A_839 = tpu.memref_slice %arg8[%scan3A_657, %swap3A_837, %swap3A_838] : memref<5x128x128xf32, #tpu.memory_space<vmem>> -> memref<1x128x128xf32, #tpu.memory_space<vmem>>
        %swap3A_840 = tpu.memref_squeeze %swap3A_839 : memref<1x128x128xf32, #tpu.memory_space<vmem>> -> memref<128x128xf32, #tpu.memory_space<vmem>>
        %swap3A_841 = arith.index_cast %scan3A_738 : i32 to index
        %swap3A_842 = arith.constant 80 : index
        %swap3A_843 = tpu.vector_load %swap3A_840[%swap3A_841, %swap3A_842] {strides = array<i32>} : memref<128x128xf32, #tpu.memory_space<vmem>>, vector<1x16xf32>,
        %swap3A_844 = vector.shape_cast %swap3A_843 : vector<1x16xf32> to vector<16xf32>
        %swap3A_845 = vector.shape_cast %mul3A_836 : vector<16xf32> to vector<1x16xf32>
        tpu.vector_store %swap3A_840[%swap3A_841, %swap3A_842], %swap3A_845 {strides = array<i32>} : memref<128x128xf32, #tpu.memory_space<vmem>>, vector<1x16xf32>,
        %get3A_846 = arith.constant 0 : i32
        %get3A_847 = arith.constant 0 : i32
        %get3A_848 = tpu.memref_slice %arg8[%scan3A_657, %get3A_846, %get3A_847] : memref<5x128x128xf32, #tpu.memory_space<vmem>> -> memref<1x128x128xf32, #tpu.memory_space<vmem>>
        %get3A_849 = tpu.memref_squeeze %get3A_848 : memref<1x128x128xf32, #tpu.memory_space<vmem>> -> memref<128x128xf32, #tpu.memory_space<vmem>>
        %get3A_850 = arith.index_cast %scan3A_738 : i32 to index
        %get3A_851 = arith.constant 96 : index
        %get3A_852 = tpu.vector_load %get3A_849[%get3A_850, %get3A_851] {strides = array<i32>} : memref<128x128xf32, #tpu.memory_space<vmem>>, vector<1x16xf32>,
        %get3A_853 = vector.shape_cast %get3A_852 : vector<1x16xf32> to vector<16xf32>
        %mul3A_854 = arith.mulf %get3A_853, %get3A_22 : vector<16xf32>
        %swap3A_855 = arith.constant 0 : i32
        %swap3A_856 = arith.constant 0 : i32
        %swap3A_857 = tpu.memref_slice %arg8[%scan3A_657, %swap3A_855, %swap3A_856] : memref<5x128x128xf32, #tpu.memory_space<vmem>> -> memref<1x128x128xf32, #tpu.memory_space<vmem>>
        %swap3A_858 = tpu.memref_squeeze %swap3A_857 : memref<1x128x128xf32, #tpu.memory_space<vmem>> -> memref<128x128xf32, #tpu.memory_space<vmem>>
        %swap3A_859 = arith.index_cast %scan3A_738 : i32 to index
        %swap3A_860 = arith.constant 96 : index
        %swap3A_861 = tpu.vector_load %swap3A_858[%swap3A_859, %swap3A_860] {strides = array<i32>} : memref<128x128xf32, #tpu.memory_space<vmem>>, vector<1x16xf32>,
        %swap3A_862 = vector.shape_cast %swap3A_861 : vector<1x16xf32> to vector<16xf32>
        %swap3A_863 = vector.shape_cast %mul3A_854 : vector<16xf32> to vector<1x16xf32>
        tpu.vector_store %swap3A_858[%swap3A_859, %swap3A_860], %swap3A_863 {strides = array<i32>} : memref<128x128xf32, #tpu.memory_space<vmem>>, vector<1x16xf32>,
        %get3A_864 = arith.constant 0 : i32
        %get3A_865 = arith.constant 0 : i32
        %get3A_866 = tpu.memref_slice %arg8[%scan3A_657, %get3A_864, %get3A_865] : memref<5x128x128xf32, #tpu.memory_space<vmem>> -> memref<1x128x128xf32, #tpu.memory_space<vmem>>
        %get3A_867 = tpu.memref_squeeze %get3A_866 : memref<1x128x128xf32, #tpu.memory_space<vmem>> -> memref<128x128xf32, #tpu.memory_space<vmem>>
        %get3A_868 = arith.index_cast %scan3A_738 : i32 to index
        %get3A_869 = arith.constant 112 : index
        %get3A_870 = tpu.vector_load %get3A_867[%get3A_868, %get3A_869] {strides = array<i32>} : memref<128x128xf32, #tpu.memory_space<vmem>>, vector<1x16xf32>,
        %get3A_871 = vector.shape_cast %get3A_870 : vector<1x16xf32> to vector<16xf32>
        %mul3A_872 = arith.mulf %get3A_871, %get3A_25 : vector<16xf32>
        %swap3A_873 = arith.constant 0 : i32
        %swap3A_874 = arith.constant 0 : i32
        %swap3A_875 = tpu.memref_slice %arg8[%scan3A_657, %swap3A_873, %swap3A_874] : memref<5x128x128xf32, #tpu.memory_space<vmem>> -> memref<1x128x128xf32, #tpu.memory_space<vmem>>
        %swap3A_876 = tpu.memref_squeeze %swap3A_875 : memref<1x128x128xf32, #tpu.memory_space<vmem>> -> memref<128x128xf32, #tpu.memory_space<vmem>>
        %swap3A_877 = arith.index_cast %scan3A_738 : i32 to index
        %swap3A_878 = arith.constant 112 : index
        %swap3A_879 = tpu.vector_load %swap3A_876[%swap3A_877, %swap3A_878] {strides = array<i32>} : memref<128x128xf32, #tpu.memory_space<vmem>>, vector<1x16xf32>,
        %swap3A_880 = vector.shape_cast %swap3A_879 : vector<1x16xf32> to vector<16xf32>
        %swap3A_881 = vector.shape_cast %mul3A_872 : vector<16xf32> to vector<1x16xf32>
        tpu.vector_store %swap3A_876[%swap3A_877, %swap3A_878], %swap3A_881 {strides = array<i32>} : memref<128x128xf32, #tpu.memory_space<vmem>>, vector<1x16xf32>,
      }
      %scan3A_662 = arith.constant 128 : i32
      %mul3A_663 = arith.constant 128 : i32
      %mul3A_664 = arith.muli %add3A_641, %mul3A_663 : i32
      %add3A_665 = arith.addi %mul3A_2, %mul3A_664 : i32
      %dma_start3A_666 = arith.constant 3 : i32
      %dma_start3A_667 = arith.constant 3 : i32
      %dma_start3A_668 = arith.constant 0 : i32
      %dma_start3A_669 = arith.constant 0 : i32
      %dma_start3A_670 = tpu.memref_slice %arg8[%dma_start3A_666, %dma_start3A_668, %dma_start3A_669] : memref<5x128x128xf32, #tpu.memory_space<vmem>> -> memref<1x128x128xf32, #tpu.memory_space<vmem>>
      %dma_start3A_671 = tpu.memref_squeeze %dma_start3A_670 : memref<1x128x128xf32, #tpu.memory_space<vmem>> -> memref<128x128xf32, #tpu.memory_space<vmem>>
      %dma_start3A_672 = arith.constant 0 : i32
      %dma_start3A_673 = tpu.memref_slice %arg5[%add3A_665, %dma_start3A_672] : memref<204800x128xf32, #tpu.memory_space<hbm>> -> memref<128x128xf32, #tpu.memory_space<hbm>>
      %dma_start3A_674 = tpu.memref_slice %arg10[%dma_start3A_667] : memref<5x!tpu.dma_semaphore, #tpu.memory_space<semaphore_mem>> -> memref<1x!tpu.dma_semaphore, #tpu.memory_space<semaphore_mem>>
      %dma_start3A_675 = tpu.memref_squeeze %dma_start3A_674 : memref<1x!tpu.dma_semaphore, #tpu.memory_space<semaphore_mem>> -> memref<!tpu.dma_semaphore, #tpu.memory_space<semaphore_mem>>
      %dma_start3A_676 = arith.constant 0 : i32
      %dma_start3A_677 = tpu.memref_slice %arg5[%add3A_665, %dma_start3A_676] : memref<204800x128xf32, #tpu.memory_space<hbm>> -> memref<128x128xf32, #tpu.memory_space<hbm>>
      %dma_start3A_678 = arith.constant 0 : i32
      %dma_start3A_679 = arith.constant 0 : i32
      %dma_start3A_680 = tpu.memref_slice %arg8[%dma_start3A_666, %dma_start3A_678, %dma_start3A_679] : memref<5x128x128xf32, #tpu.memory_space<vmem>> -> memref<1x128x128xf32, #tpu.memory_space<vmem>>
      %dma_start3A_681 = tpu.memref_squeeze %dma_start3A_680 : memref<1x128x128xf32, #tpu.memory_space<vmem>> -> memref<128x128xf32, #tpu.memory_space<vmem>>
      tpu.enqueue_dma source(%dma_start3A_681 : memref<128x128xf32, #tpu.memory_space<vmem>>) target(%dma_start3A_677 : memref<128x128xf32, #tpu.memory_space<hbm>>) target_semaphore(%dma_start3A_675 : memref<!tpu.dma_semaphore, #tpu.memory_space<semaphore_mem>>)
      %add3A_682 = arith.constant 3 : i32
      %add3A_683 = arith.addi %add3A_641, %add3A_682 : i32
      %lt3A_684 = arith.constant 50 : i32
      %lt3A_685 = arith.cmpi slt, %add3A_683, %lt3A_684 : i32
      %convert_element_type3A_686 = arith.extui %lt3A_685 : i1 to i32
      %cond3A_687 = arith.constant 0 : i32
      %cond3A_688 = arith.cmpi ne, %convert_element_type3A_686, %cond3A_687 : i32
      scf.if %cond3A_688 {
        %sub3A = arith.constant 5 : i32
        %sub3A_738 = arith.subi %add3A_683, %sub3A : i32
        %mul3A_739 = arith.constant 128 : i32
        %mul3A_740 = arith.muli %sub3A_738, %mul3A_739 : i32
        %add3A_741 = arith.addi %mul3A_2, %mul3A_740 : i32
        %dma_wait3A_742 = arith.constant 1 : i32
        %dma_wait3A_743 = arith.constant 1 : i32
        %dma_wait3A_744 = arith.constant 0 : i32
        %dma_wait3A_745 = arith.constant 0 : i32
        %dma_wait3A_746 = tpu.memref_slice %arg8[%dma_wait3A_742, %dma_wait3A_744, %dma_wait3A_745] : memref<5x128x128xf32, #tpu.memory_space<vmem>> -> memref<1x128x128xf32, #tpu.memory_space<vmem>>
        %dma_wait3A_747 = tpu.memref_squeeze %dma_wait3A_746 : memref<1x128x128xf32, #tpu.memory_space<vmem>> -> memref<128x128xf32, #tpu.memory_space<vmem>>
        %dma_wait3A_748 = arith.constant 0 : i32
        %dma_wait3A_749 = tpu.memref_slice %arg5[%add3A_741, %dma_wait3A_748] : memref<204800x128xf32, #tpu.memory_space<hbm>> -> memref<128x128xf32, #tpu.memory_space<hbm>>
        %dma_wait3A_750 = tpu.memref_slice %arg10[%dma_wait3A_743] : memref<5x!tpu.dma_semaphore, #tpu.memory_space<semaphore_mem>> -> memref<1x!tpu.dma_semaphore, #tpu.memory_space<semaphore_mem>>
        %dma_wait3A_751 = tpu.memref_squeeze %dma_wait3A_750 : memref<1x!tpu.dma_semaphore, #tpu.memory_space<semaphore_mem>> -> memref<!tpu.dma_semaphore, #tpu.memory_space<semaphore_mem>>
        %dma_wait3A_752 = arith.constant 0 : i32
        %dma_wait3A_753 = tpu.memref_slice %arg5[%add3A_741, %dma_wait3A_752] : memref<204800x128xf32, #tpu.memory_space<hbm>> -> memref<128x128xf32, #tpu.memory_space<hbm>>
        %dma_wait3A_754 = arith.constant 0 : i32
        %dma_wait3A_755 = arith.constant 0 : i32
        %dma_wait3A_756 = tpu.memref_slice %arg8[%dma_wait3A_742, %dma_wait3A_754, %dma_wait3A_755] : memref<5x128x128xf32, #tpu.memory_space<vmem>> -> memref<1x128x128xf32, #tpu.memory_space<vmem>>
        %dma_wait3A_757 = tpu.memref_squeeze %dma_wait3A_756 : memref<1x128x128xf32, #tpu.memory_space<vmem>> -> memref<128x128xf32, #tpu.memory_space<vmem>>
        tpu.wait_dma2 semaphore(%dma_wait3A_751 : memref<!tpu.dma_semaphore, #tpu.memory_space<semaphore_mem>>) src(%dma_wait3A_757 : memref<128x128xf32, #tpu.memory_space<vmem>>) dst(%dma_wait3A_753 : memref<128x128xf32, #tpu.memory_space<hbm>>)
        %dma_start3A_758 = arith.constant 1 : i32
        %dma_start3A_759 = arith.constant 1 : i32
        %dma_start3A_760 = arith.constant 0 : i32
        %dma_start3A_761 = arith.constant 0 : i32
        %dma_start3A_762 = tpu.memref_slice %arg8[%dma_start3A_758, %dma_start3A_760, %dma_start3A_761] : memref<5x128x128xf32, #tpu.memory_space<vmem>> -> memref<1x128x128xf32, #tpu.memory_space<vmem>>
        %dma_start3A_763 = tpu.memref_squeeze %dma_start3A_762 : memref<1x128x128xf32, #tpu.memory_space<vmem>> -> memref<128x128xf32, #tpu.memory_space<vmem>>
        %dma_start3A_764 = arith.constant 0 : i32
        %dma_start3A_765 = tpu.memref_slice %arg6[%add3A_683, %dma_start3A_764] : memref<50x128xi32, #tpu.memory_space<vmem>> -> memref<1x128xi32, #tpu.memory_space<vmem>>
        %dma_start3A_766 = tpu.memref_squeeze %dma_start3A_765 : memref<1x128xi32, #tpu.memory_space<vmem>> -> memref<128xi32, #tpu.memory_space<vmem>>
        %dma_start3A_767 = arith.constant 0 : i32
        %dma_start3A_768 = arith.constant 0 : i32
        %dma_start3A_769 = tpu.memref_slice %arg3[%dma_start3A_767, %dma_start3A_768] : memref<100000x128xf32, #tpu.memory_space<hbm>> -> memref<100000x128xf32, #tpu.memory_space<hbm>>
        %dma_start3A_770 = tpu.memref_slice %arg9[%dma_start3A_759] : memref<5x!tpu.dma_semaphore, #tpu.memory_space<semaphore_mem>> -> memref<1x!tpu.dma_semaphore, #tpu.memory_space<semaphore_mem>>
        %dma_start3A_771 = tpu.memref_squeeze %dma_start3A_770 : memref<1x!tpu.dma_semaphore, #tpu.memory_space<semaphore_mem>> -> memref<!tpu.dma_semaphore, #tpu.memory_space<semaphore_mem>>
        tpu.enqueue_indirect_dma source(%dma_start3A_769 : memref<100000x128xf32, #tpu.memory_space<hbm>>) target(%dma_start3A_763 : memref<128x128xf32, #tpu.memory_space<vmem>>) offsets(%dma_start3A_766 : memref<128xi32, #tpu.memory_space<vmem>>) semaphore(%dma_start3A_771 : memref<!tpu.dma_semaphore, #tpu.memory_space<semaphore_mem>>)
      } else {
      }
      %add3A_689 = arith.constant 4 : i32
      %add3A_690 = arith.addi %mul3A_495, %add3A_689 : i32
      %dma_wait3A_691 = arith.constant 4 : i32
      %dma_wait3A_692 = arith.constant 4 : i32
      %dma_wait3A_693 = arith.constant 0 : i32
      %dma_wait3A_694 = arith.constant 0 : i32
      %dma_wait3A_695 = tpu.memref_slice %arg8[%dma_wait3A_691, %dma_wait3A_693, %dma_wait3A_694] : memref<5x128x128xf32, #tpu.memory_space<vmem>> -> memref<1x128x128xf32, #tpu.memory_space<vmem>>
      %dma_wait3A_696 = tpu.memref_squeeze %dma_wait3A_695 : memref<1x128x128xf32, #tpu.memory_space<vmem>> -> memref<128x128xf32, #tpu.memory_space<vmem>>
      %dma_wait3A_697 = arith.constant 0 : i32
      %dma_wait3A_698 = tpu.memref_slice %arg6[%add3A_690, %dma_wait3A_697] : memref<50x128xi32, #tpu.memory_space<vmem>> -> memref<1x128xi32, #tpu.memory_space<vmem>>
      %dma_wait3A_699 = tpu.memref_squeeze %dma_wait3A_698 : memref<1x128xi32, #tpu.memory_space<vmem>> -> memref<128xi32, #tpu.memory_space<vmem>>
      %dma_wait3A_700 = arith.constant 0 : i32
      %dma_wait3A_701 = arith.constant 0 : i32
      %dma_wait3A_702 = tpu.memref_slice %arg3[%dma_wait3A_700, %dma_wait3A_701] : memref<100000x128xf32, #tpu.memory_space<hbm>> -> memref<100000x128xf32, #tpu.memory_space<hbm>>
      %dma_wait3A_703 = tpu.memref_slice %arg9[%dma_wait3A_692] : memref<5x!tpu.dma_semaphore, #tpu.memory_space<semaphore_mem>> -> memref<1x!tpu.dma_semaphore, #tpu.memory_space<semaphore_mem>>
      %dma_wait3A_704 = tpu.memref_squeeze %dma_wait3A_703 : memref<1x!tpu.dma_semaphore, #tpu.memory_space<semaphore_mem>> -> memref<!tpu.dma_semaphore, #tpu.memory_space<semaphore_mem>>
      tpu.wait_indirect_dma semaphore(%dma_wait3A_704 : memref<!tpu.dma_semaphore, #tpu.memory_space<semaphore_mem>>) src(%dma_wait3A_702 : memref<100000x128xf32, #tpu.memory_space<hbm>>) dst(%dma_wait3A_696 : memref<128x128xf32, #tpu.memory_space<vmem>>)
      %scan3A_705 = arith.constant 0 : i32
      %scan3A_706 = arith.constant 4 : i32
      %scan3A_707 = arith.constant 0 : i32
      %scan3A_708 = arith.constant 128 : i32
      %scan3A_709 = arith.addi %scan3A_707, %scan3A_708 : i32
      %scan3A_710 = arith.constant 1 : i32
      scf.for %scan3A_738 = %scan3A_707 to %scan3A_709 step %scan3A_710  : i32 {
        %get3A_739 = arith.constant 0 : i32
        %get3A_740 = arith.constant 0 : i32
        %get3A_741 = tpu.memref_slice %arg8[%scan3A_706, %get3A_739, %get3A_740] : memref<5x128x128xf32, #tpu.memory_space<vmem>> -> memref<1x128x128xf32, #tpu.memory_space<vmem>>
        %get3A_742 = tpu.memref_squeeze %get3A_741 : memref<1x128x128xf32, #tpu.memory_space<vmem>> -> memref<128x128xf32, #tpu.memory_space<vmem>>
        %get3A_743 = arith.index_cast %scan3A_738 : i32 to index
        %get3A_744 = arith.constant 0 : index
        %get3A_745 = tpu.vector_load %get3A_742[%get3A_743, %get3A_744] {strides = array<i32>} : memref<128x128xf32, #tpu.memory_space<vmem>>, vector<1x16xf32>,
        %get3A_746 = vector.shape_cast %get3A_745 : vector<1x16xf32> to vector<16xf32>
        %mul3A_747 = arith.mulf %get3A_746, %get3A_4 : vector<16xf32>
        %swap3A = arith.constant 0 : i32
        %swap3A_748 = arith.constant 0 : i32
        %swap3A_749 = tpu.memref_slice %arg8[%scan3A_706, %swap3A, %swap3A_748] : memref<5x128x128xf32, #tpu.memory_space<vmem>> -> memref<1x128x128xf32, #tpu.memory_space<vmem>>
        %swap3A_750 = tpu.memref_squeeze %swap3A_749 : memref<1x128x128xf32, #tpu.memory_space<vmem>> -> memref<128x128xf32, #tpu.memory_space<vmem>>
        %swap3A_751 = arith.index_cast %scan3A_738 : i32 to index
        %swap3A_752 = arith.constant 0 : index
        %swap3A_753 = tpu.vector_load %swap3A_750[%swap3A_751, %swap3A_752] {strides = array<i32>} : memref<128x128xf32, #tpu.memory_space<vmem>>, vector<1x16xf32>,
        %swap3A_754 = vector.shape_cast %swap3A_753 : vector<1x16xf32> to vector<16xf32>
        %swap3A_755 = vector.shape_cast %mul3A_747 : vector<16xf32> to vector<1x16xf32>
        tpu.vector_store %swap3A_750[%swap3A_751, %swap3A_752], %swap3A_755 {strides = array<i32>} : memref<128x128xf32, #tpu.memory_space<vmem>>, vector<1x16xf32>,
        %get3A_756 = arith.constant 0 : i32
        %get3A_757 = arith.constant 0 : i32
        %get3A_758 = tpu.memref_slice %arg8[%scan3A_706, %get3A_756, %get3A_757] : memref<5x128x128xf32, #tpu.memory_space<vmem>> -> memref<1x128x128xf32, #tpu.memory_space<vmem>>
        %get3A_759 = tpu.memref_squeeze %get3A_758 : memref<1x128x128xf32, #tpu.memory_space<vmem>> -> memref<128x128xf32, #tpu.memory_space<vmem>>
        %get3A_760 = arith.index_cast %scan3A_738 : i32 to index
        %get3A_761 = arith.constant 16 : index
        %get3A_762 = tpu.vector_load %get3A_759[%get3A_760, %get3A_761] {strides = array<i32>} : memref<128x128xf32, #tpu.memory_space<vmem>>, vector<1x16xf32>,
        %get3A_763 = vector.shape_cast %get3A_762 : vector<1x16xf32> to vector<16xf32>
        %mul3A_764 = arith.mulf %get3A_763, %get3A_7 : vector<16xf32>
        %swap3A_765 = arith.constant 0 : i32
        %swap3A_766 = arith.constant 0 : i32
        %swap3A_767 = tpu.memref_slice %arg8[%scan3A_706, %swap3A_765, %swap3A_766] : memref<5x128x128xf32, #tpu.memory_space<vmem>> -> memref<1x128x128xf32, #tpu.memory_space<vmem>>
        %swap3A_768 = tpu.memref_squeeze %swap3A_767 : memref<1x128x128xf32, #tpu.memory_space<vmem>> -> memref<128x128xf32, #tpu.memory_space<vmem>>
        %swap3A_769 = arith.index_cast %scan3A_738 : i32 to index
        %swap3A_770 = arith.constant 16 : index
        %swap3A_771 = tpu.vector_load %swap3A_768[%swap3A_769, %swap3A_770] {strides = array<i32>} : memref<128x128xf32, #tpu.memory_space<vmem>>, vector<1x16xf32>,
        %swap3A_772 = vector.shape_cast %swap3A_771 : vector<1x16xf32> to vector<16xf32>
        %swap3A_773 = vector.shape_cast %mul3A_764 : vector<16xf32> to vector<1x16xf32>
        tpu.vector_store %swap3A_768[%swap3A_769, %swap3A_770], %swap3A_773 {strides = array<i32>} : memref<128x128xf32, #tpu.memory_space<vmem>>, vector<1x16xf32>,
        %get3A_774 = arith.constant 0 : i32
        %get3A_775 = arith.constant 0 : i32
        %get3A_776 = tpu.memref_slice %arg8[%scan3A_706, %get3A_774, %get3A_775] : memref<5x128x128xf32, #tpu.memory_space<vmem>> -> memref<1x128x128xf32, #tpu.memory_space<vmem>>
        %get3A_777 = tpu.memref_squeeze %get3A_776 : memref<1x128x128xf32, #tpu.memory_space<vmem>> -> memref<128x128xf32, #tpu.memory_space<vmem>>
        %get3A_778 = arith.index_cast %scan3A_738 : i32 to index
        %get3A_779 = arith.constant 32 : index
        %get3A_780 = tpu.vector_load %get3A_777[%get3A_778, %get3A_779] {strides = array<i32>} : memref<128x128xf32, #tpu.memory_space<vmem>>, vector<1x16xf32>,
        %get3A_781 = vector.shape_cast %get3A_780 : vector<1x16xf32> to vector<16xf32>
        %mul3A_782 = arith.mulf %get3A_781, %get3A_10 : vector<16xf32>
        %swap3A_783 = arith.constant 0 : i32
        %swap3A_784 = arith.constant 0 : i32
        %swap3A_785 = tpu.memref_slice %arg8[%scan3A_706, %swap3A_783, %swap3A_784] : memref<5x128x128xf32, #tpu.memory_space<vmem>> -> memref<1x128x128xf32, #tpu.memory_space<vmem>>
        %swap3A_786 = tpu.memref_squeeze %swap3A_785 : memref<1x128x128xf32, #tpu.memory_space<vmem>> -> memref<128x128xf32, #tpu.memory_space<vmem>>
        %swap3A_787 = arith.index_cast %scan3A_738 : i32 to index
        %swap3A_788 = arith.constant 32 : index
        %swap3A_789 = tpu.vector_load %swap3A_786[%swap3A_787, %swap3A_788] {strides = array<i32>} : memref<128x128xf32, #tpu.memory_space<vmem>>, vector<1x16xf32>,
        %swap3A_790 = vector.shape_cast %swap3A_789 : vector<1x16xf32> to vector<16xf32>
        %swap3A_791 = vector.shape_cast %mul3A_782 : vector<16xf32> to vector<1x16xf32>
        tpu.vector_store %swap3A_786[%swap3A_787, %swap3A_788], %swap3A_791 {strides = array<i32>} : memref<128x128xf32, #tpu.memory_space<vmem>>, vector<1x16xf32>,
        %get3A_792 = arith.constant 0 : i32
        %get3A_793 = arith.constant 0 : i32
        %get3A_794 = tpu.memref_slice %arg8[%scan3A_706, %get3A_792, %get3A_793] : memref<5x128x128xf32, #tpu.memory_space<vmem>> -> memref<1x128x128xf32, #tpu.memory_space<vmem>>
        %get3A_795 = tpu.memref_squeeze %get3A_794 : memref<1x128x128xf32, #tpu.memory_space<vmem>> -> memref<128x128xf32, #tpu.memory_space<vmem>>
        %get3A_796 = arith.index_cast %scan3A_738 : i32 to index
        %get3A_797 = arith.constant 48 : index
        %get3A_798 = tpu.vector_load %get3A_795[%get3A_796, %get3A_797] {strides = array<i32>} : memref<128x128xf32, #tpu.memory_space<vmem>>, vector<1x16xf32>,
        %get3A_799 = vector.shape_cast %get3A_798 : vector<1x16xf32> to vector<16xf32>
        %mul3A_800 = arith.mulf %get3A_799, %get3A_13 : vector<16xf32>
        %swap3A_801 = arith.constant 0 : i32
        %swap3A_802 = arith.constant 0 : i32
        %swap3A_803 = tpu.memref_slice %arg8[%scan3A_706, %swap3A_801, %swap3A_802] : memref<5x128x128xf32, #tpu.memory_space<vmem>> -> memref<1x128x128xf32, #tpu.memory_space<vmem>>
        %swap3A_804 = tpu.memref_squeeze %swap3A_803 : memref<1x128x128xf32, #tpu.memory_space<vmem>> -> memref<128x128xf32, #tpu.memory_space<vmem>>
        %swap3A_805 = arith.index_cast %scan3A_738 : i32 to index
        %swap3A_806 = arith.constant 48 : index
        %swap3A_807 = tpu.vector_load %swap3A_804[%swap3A_805, %swap3A_806] {strides = array<i32>} : memref<128x128xf32, #tpu.memory_space<vmem>>, vector<1x16xf32>,
        %swap3A_808 = vector.shape_cast %swap3A_807 : vector<1x16xf32> to vector<16xf32>
        %swap3A_809 = vector.shape_cast %mul3A_800 : vector<16xf32> to vector<1x16xf32>
        tpu.vector_store %swap3A_804[%swap3A_805, %swap3A_806], %swap3A_809 {strides = array<i32>} : memref<128x128xf32, #tpu.memory_space<vmem>>, vector<1x16xf32>,
        %get3A_810 = arith.constant 0 : i32
        %get3A_811 = arith.constant 0 : i32
        %get3A_812 = tpu.memref_slice %arg8[%scan3A_706, %get3A_810, %get3A_811] : memref<5x128x128xf32, #tpu.memory_space<vmem>> -> memref<1x128x128xf32, #tpu.memory_space<vmem>>
        %get3A_813 = tpu.memref_squeeze %get3A_812 : memref<1x128x128xf32, #tpu.memory_space<vmem>> -> memref<128x128xf32, #tpu.memory_space<vmem>>
        %get3A_814 = arith.index_cast %scan3A_738 : i32 to index
        %get3A_815 = arith.constant 64 : index
        %get3A_816 = tpu.vector_load %get3A_813[%get3A_814, %get3A_815] {strides = array<i32>} : memref<128x128xf32, #tpu.memory_space<vmem>>, vector<1x16xf32>,
        %get3A_817 = vector.shape_cast %get3A_816 : vector<1x16xf32> to vector<16xf32>
        %mul3A_818 = arith.mulf %get3A_817, %get3A_16 : vector<16xf32>
        %swap3A_819 = arith.constant 0 : i32
        %swap3A_820 = arith.constant 0 : i32
        %swap3A_821 = tpu.memref_slice %arg8[%scan3A_706, %swap3A_819, %swap3A_820] : memref<5x128x128xf32, #tpu.memory_space<vmem>> -> memref<1x128x128xf32, #tpu.memory_space<vmem>>
        %swap3A_822 = tpu.memref_squeeze %swap3A_821 : memref<1x128x128xf32, #tpu.memory_space<vmem>> -> memref<128x128xf32, #tpu.memory_space<vmem>>
        %swap3A_823 = arith.index_cast %scan3A_738 : i32 to index
        %swap3A_824 = arith.constant 64 : index
        %swap3A_825 = tpu.vector_load %swap3A_822[%swap3A_823, %swap3A_824] {strides = array<i32>} : memref<128x128xf32, #tpu.memory_space<vmem>>, vector<1x16xf32>,
        %swap3A_826 = vector.shape_cast %swap3A_825 : vector<1x16xf32> to vector<16xf32>
        %swap3A_827 = vector.shape_cast %mul3A_818 : vector<16xf32> to vector<1x16xf32>
        tpu.vector_store %swap3A_822[%swap3A_823, %swap3A_824], %swap3A_827 {strides = array<i32>} : memref<128x128xf32, #tpu.memory_space<vmem>>, vector<1x16xf32>,
        %get3A_828 = arith.constant 0 : i32
        %get3A_829 = arith.constant 0 : i32
        %get3A_830 = tpu.memref_slice %arg8[%scan3A_706, %get3A_828, %get3A_829] : memref<5x128x128xf32, #tpu.memory_space<vmem>> -> memref<1x128x128xf32, #tpu.memory_space<vmem>>
        %get3A_831 = tpu.memref_squeeze %get3A_830 : memref<1x128x128xf32, #tpu.memory_space<vmem>> -> memref<128x128xf32, #tpu.memory_space<vmem>>
        %get3A_832 = arith.index_cast %scan3A_738 : i32 to index
        %get3A_833 = arith.constant 80 : index
        %get3A_834 = tpu.vector_load %get3A_831[%get3A_832, %get3A_833] {strides = array<i32>} : memref<128x128xf32, #tpu.memory_space<vmem>>, vector<1x16xf32>,
        %get3A_835 = vector.shape_cast %get3A_834 : vector<1x16xf32> to vector<16xf32>
        %mul3A_836 = arith.mulf %get3A_835, %get3A_19 : vector<16xf32>
        %swap3A_837 = arith.constant 0 : i32
        %swap3A_838 = arith.constant 0 : i32
        %swap3A_839 = tpu.memref_slice %arg8[%scan3A_706, %swap3A_837, %swap3A_838] : memref<5x128x128xf32, #tpu.memory_space<vmem>> -> memref<1x128x128xf32, #tpu.memory_space<vmem>>
        %swap3A_840 = tpu.memref_squeeze %swap3A_839 : memref<1x128x128xf32, #tpu.memory_space<vmem>> -> memref<128x128xf32, #tpu.memory_space<vmem>>
        %swap3A_841 = arith.index_cast %scan3A_738 : i32 to index
        %swap3A_842 = arith.constant 80 : index
        %swap3A_843 = tpu.vector_load %swap3A_840[%swap3A_841, %swap3A_842] {strides = array<i32>} : memref<128x128xf32, #tpu.memory_space<vmem>>, vector<1x16xf32>,
        %swap3A_844 = vector.shape_cast %swap3A_843 : vector<1x16xf32> to vector<16xf32>
        %swap3A_845 = vector.shape_cast %mul3A_836 : vector<16xf32> to vector<1x16xf32>
        tpu.vector_store %swap3A_840[%swap3A_841, %swap3A_842], %swap3A_845 {strides = array<i32>} : memref<128x128xf32, #tpu.memory_space<vmem>>, vector<1x16xf32>,
        %get3A_846 = arith.constant 0 : i32
        %get3A_847 = arith.constant 0 : i32
        %get3A_848 = tpu.memref_slice %arg8[%scan3A_706, %get3A_846, %get3A_847] : memref<5x128x128xf32, #tpu.memory_space<vmem>> -> memref<1x128x128xf32, #tpu.memory_space<vmem>>
        %get3A_849 = tpu.memref_squeeze %get3A_848 : memref<1x128x128xf32, #tpu.memory_space<vmem>> -> memref<128x128xf32, #tpu.memory_space<vmem>>
        %get3A_850 = arith.index_cast %scan3A_738 : i32 to index
        %get3A_851 = arith.constant 96 : index
        %get3A_852 = tpu.vector_load %get3A_849[%get3A_850, %get3A_851] {strides = array<i32>} : memref<128x128xf32, #tpu.memory_space<vmem>>, vector<1x16xf32>,
        %get3A_853 = vector.shape_cast %get3A_852 : vector<1x16xf32> to vector<16xf32>
        %mul3A_854 = arith.mulf %get3A_853, %get3A_22 : vector<16xf32>
        %swap3A_855 = arith.constant 0 : i32
        %swap3A_856 = arith.constant 0 : i32
        %swap3A_857 = tpu.memref_slice %arg8[%scan3A_706, %swap3A_855, %swap3A_856] : memref<5x128x128xf32, #tpu.memory_space<vmem>> -> memref<1x128x128xf32, #tpu.memory_space<vmem>>
        %swap3A_858 = tpu.memref_squeeze %swap3A_857 : memref<1x128x128xf32, #tpu.memory_space<vmem>> -> memref<128x128xf32, #tpu.memory_space<vmem>>
        %swap3A_859 = arith.index_cast %scan3A_738 : i32 to index
        %swap3A_860 = arith.constant 96 : index
        %swap3A_861 = tpu.vector_load %swap3A_858[%swap3A_859, %swap3A_860] {strides = array<i32>} : memref<128x128xf32, #tpu.memory_space<vmem>>, vector<1x16xf32>,
        %swap3A_862 = vector.shape_cast %swap3A_861 : vector<1x16xf32> to vector<16xf32>
        %swap3A_863 = vector.shape_cast %mul3A_854 : vector<16xf32> to vector<1x16xf32>
        tpu.vector_store %swap3A_858[%swap3A_859, %swap3A_860], %swap3A_863 {strides = array<i32>} : memref<128x128xf32, #tpu.memory_space<vmem>>, vector<1x16xf32>,
        %get3A_864 = arith.constant 0 : i32
        %get3A_865 = arith.constant 0 : i32
        %get3A_866 = tpu.memref_slice %arg8[%scan3A_706, %get3A_864, %get3A_865] : memref<5x128x128xf32, #tpu.memory_space<vmem>> -> memref<1x128x128xf32, #tpu.memory_space<vmem>>
        %get3A_867 = tpu.memref_squeeze %get3A_866 : memref<1x128x128xf32, #tpu.memory_space<vmem>> -> memref<128x128xf32, #tpu.memory_space<vmem>>
        %get3A_868 = arith.index_cast %scan3A_738 : i32 to index
        %get3A_869 = arith.constant 112 : index
        %get3A_870 = tpu.vector_load %get3A_867[%get3A_868, %get3A_869] {strides = array<i32>} : memref<128x128xf32, #tpu.memory_space<vmem>>, vector<1x16xf32>,
        %get3A_871 = vector.shape_cast %get3A_870 : vector<1x16xf32> to vector<16xf32>
        %mul3A_872 = arith.mulf %get3A_871, %get3A_25 : vector<16xf32>
        %swap3A_873 = arith.constant 0 : i32
        %swap3A_874 = arith.constant 0 : i32
        %swap3A_875 = tpu.memref_slice %arg8[%scan3A_706, %swap3A_873, %swap3A_874] : memref<5x128x128xf32, #tpu.memory_space<vmem>> -> memref<1x128x128xf32, #tpu.memory_space<vmem>>
        %swap3A_876 = tpu.memref_squeeze %swap3A_875 : memref<1x128x128xf32, #tpu.memory_space<vmem>> -> memref<128x128xf32, #tpu.memory_space<vmem>>
        %swap3A_877 = arith.index_cast %scan3A_738 : i32 to index
        %swap3A_878 = arith.constant 112 : index
        %swap3A_879 = tpu.vector_load %swap3A_876[%swap3A_877, %swap3A_878] {strides = array<i32>} : memref<128x128xf32, #tpu.memory_space<vmem>>, vector<1x16xf32>,
        %swap3A_880 = vector.shape_cast %swap3A_879 : vector<1x16xf32> to vector<16xf32>
        %swap3A_881 = vector.shape_cast %mul3A_872 : vector<16xf32> to vector<1x16xf32>
        tpu.vector_store %swap3A_876[%swap3A_877, %swap3A_878], %swap3A_881 {strides = array<i32>} : memref<128x128xf32, #tpu.memory_space<vmem>>, vector<1x16xf32>,
      }
      %scan3A_711 = arith.constant 128 : i32
      %mul3A_712 = arith.constant 128 : i32
      %mul3A_713 = arith.muli %add3A_690, %mul3A_712 : i32
      %add3A_714 = arith.addi %mul3A_2, %mul3A_713 : i32
      %dma_start3A_715 = arith.constant 4 : i32
      %dma_start3A_716 = arith.constant 4 : i32
      %dma_start3A_717 = arith.constant 0 : i32
      %dma_start3A_718 = arith.constant 0 : i32
      %dma_start3A_719 = tpu.memref_slice %arg8[%dma_start3A_715, %dma_start3A_717, %dma_start3A_718] : memref<5x128x128xf32, #tpu.memory_space<vmem>> -> memref<1x128x128xf32, #tpu.memory_space<vmem>>
      %dma_start3A_720 = tpu.memref_squeeze %dma_start3A_719 : memref<1x128x128xf32, #tpu.memory_space<vmem>> -> memref<128x128xf32, #tpu.memory_space<vmem>>
      %dma_start3A_721 = arith.constant 0 : i32
      %dma_start3A_722 = tpu.memref_slice %arg5[%add3A_714, %dma_start3A_721] : memref<204800x128xf32, #tpu.memory_space<hbm>> -> memref<128x128xf32, #tpu.memory_space<hbm>>
      %dma_start3A_723 = tpu.memref_slice %arg10[%dma_start3A_716] : memref<5x!tpu.dma_semaphore, #tpu.memory_space<semaphore_mem>> -> memref<1x!tpu.dma_semaphore, #tpu.memory_space<semaphore_mem>>
      %dma_start3A_724 = tpu.memref_squeeze %dma_start3A_723 : memref<1x!tpu.dma_semaphore, #tpu.memory_space<semaphore_mem>> -> memref<!tpu.dma_semaphore, #tpu.memory_space<semaphore_mem>>
      %dma_start3A_725 = arith.constant 0 : i32
      %dma_start3A_726 = tpu.memref_slice %arg5[%add3A_714, %dma_start3A_725] : memref<204800x128xf32, #tpu.memory_space<hbm>> -> memref<128x128xf32, #tpu.memory_space<hbm>>
      %dma_start3A_727 = arith.constant 0 : i32
      %dma_start3A_728 = arith.constant 0 : i32
      %dma_start3A_729 = tpu.memref_slice %arg8[%dma_start3A_715, %dma_start3A_727, %dma_start3A_728] : memref<5x128x128xf32, #tpu.memory_space<vmem>> -> memref<1x128x128xf32, #tpu.memory_space<vmem>>
      %dma_start3A_730 = tpu.memref_squeeze %dma_start3A_729 : memref<1x128x128xf32, #tpu.memory_space<vmem>> -> memref<128x128xf32, #tpu.memory_space<vmem>>
      tpu.enqueue_dma source(%dma_start3A_730 : memref<128x128xf32, #tpu.memory_space<vmem>>) target(%dma_start3A_726 : memref<128x128xf32, #tpu.memory_space<hbm>>) target_semaphore(%dma_start3A_724 : memref<!tpu.dma_semaphore, #tpu.memory_space<semaphore_mem>>)
      %add3A_731 = arith.constant 3 : i32
      %add3A_732 = arith.addi %add3A_690, %add3A_731 : i32
      %lt3A_733 = arith.constant 50 : i32
      %lt3A_734 = arith.cmpi slt, %add3A_732, %lt3A_733 : i32
      %convert_element_type3A_735 = arith.extui %lt3A_734 : i1 to i32
      %cond3A_736 = arith.constant 0 : i32
      %cond3A_737 = arith.cmpi ne, %convert_element_type3A_735, %cond3A_736 : i32
      scf.if %cond3A_737 {
        %sub3A = arith.constant 5 : i32
        %sub3A_738 = arith.subi %add3A_732, %sub3A : i32
        %mul3A_739 = arith.constant 128 : i32
        %mul3A_740 = arith.muli %sub3A_738, %mul3A_739 : i32
        %add3A_741 = arith.addi %mul3A_2, %mul3A_740 : i32
        %dma_wait3A_742 = arith.constant 2 : i32
        %dma_wait3A_743 = arith.constant 2 : i32
        %dma_wait3A_744 = arith.constant 0 : i32
        %dma_wait3A_745 = arith.constant 0 : i32
        %dma_wait3A_746 = tpu.memref_slice %arg8[%dma_wait3A_742, %dma_wait3A_744, %dma_wait3A_745] : memref<5x128x128xf32, #tpu.memory_space<vmem>> -> memref<1x128x128xf32, #tpu.memory_space<vmem>>
        %dma_wait3A_747 = tpu.memref_squeeze %dma_wait3A_746 : memref<1x128x128xf32, #tpu.memory_space<vmem>> -> memref<128x128xf32, #tpu.memory_space<vmem>>
        %dma_wait3A_748 = arith.constant 0 : i32
        %dma_wait3A_749 = tpu.memref_slice %arg5[%add3A_741, %dma_wait3A_748] : memref<204800x128xf32, #tpu.memory_space<hbm>> -> memref<128x128xf32, #tpu.memory_space<hbm>>
        %dma_wait3A_750 = tpu.memref_slice %arg10[%dma_wait3A_743] : memref<5x!tpu.dma_semaphore, #tpu.memory_space<semaphore_mem>> -> memref<1x!tpu.dma_semaphore, #tpu.memory_space<semaphore_mem>>
        %dma_wait3A_751 = tpu.memref_squeeze %dma_wait3A_750 : memref<1x!tpu.dma_semaphore, #tpu.memory_space<semaphore_mem>> -> memref<!tpu.dma_semaphore, #tpu.memory_space<semaphore_mem>>
        %dma_wait3A_752 = arith.constant 0 : i32
        %dma_wait3A_753 = tpu.memref_slice %arg5[%add3A_741, %dma_wait3A_752] : memref<204800x128xf32, #tpu.memory_space<hbm>> -> memref<128x128xf32, #tpu.memory_space<hbm>>
        %dma_wait3A_754 = arith.constant 0 : i32
        %dma_wait3A_755 = arith.constant 0 : i32
        %dma_wait3A_756 = tpu.memref_slice %arg8[%dma_wait3A_742, %dma_wait3A_754, %dma_wait3A_755] : memref<5x128x128xf32, #tpu.memory_space<vmem>> -> memref<1x128x128xf32, #tpu.memory_space<vmem>>
        %dma_wait3A_757 = tpu.memref_squeeze %dma_wait3A_756 : memref<1x128x128xf32, #tpu.memory_space<vmem>> -> memref<128x128xf32, #tpu.memory_space<vmem>>
        tpu.wait_dma2 semaphore(%dma_wait3A_751 : memref<!tpu.dma_semaphore, #tpu.memory_space<semaphore_mem>>) src(%dma_wait3A_757 : memref<128x128xf32, #tpu.memory_space<vmem>>) dst(%dma_wait3A_753 : memref<128x128xf32, #tpu.memory_space<hbm>>)
        %dma_start3A_758 = arith.constant 2 : i32
        %dma_start3A_759 = arith.constant 2 : i32
        %dma_start3A_760 = arith.constant 0 : i32
        %dma_start3A_761 = arith.constant 0 : i32
        %dma_start3A_762 = tpu.memref_slice %arg8[%dma_start3A_758, %dma_start3A_760, %dma_start3A_761] : memref<5x128x128xf32, #tpu.memory_space<vmem>> -> memref<1x128x128xf32, #tpu.memory_space<vmem>>
        %dma_start3A_763 = tpu.memref_squeeze %dma_start3A_762 : memref<1x128x128xf32, #tpu.memory_space<vmem>> -> memref<128x128xf32, #tpu.memory_space<vmem>>
        %dma_start3A_764 = arith.constant 0 : i32
        %dma_start3A_765 = tpu.memref_slice %arg6[%add3A_732, %dma_start3A_764] : memref<50x128xi32, #tpu.memory_space<vmem>> -> memref<1x128xi32, #tpu.memory_space<vmem>>
        %dma_start3A_766 = tpu.memref_squeeze %dma_start3A_765 : memref<1x128xi32, #tpu.memory_space<vmem>> -> memref<128xi32, #tpu.memory_space<vmem>>
        %dma_start3A_767 = arith.constant 0 : i32
        %dma_start3A_768 = arith.constant 0 : i32
        %dma_start3A_769 = tpu.memref_slice %arg3[%dma_start3A_767, %dma_start3A_768] : memref<100000x128xf32, #tpu.memory_space<hbm>> -> memref<100000x128xf32, #tpu.memory_space<hbm>>
        %dma_start3A_770 = tpu.memref_slice %arg9[%dma_start3A_759] : memref<5x!tpu.dma_semaphore, #tpu.memory_space<semaphore_mem>> -> memref<1x!tpu.dma_semaphore, #tpu.memory_space<semaphore_mem>>
        %dma_start3A_771 = tpu.memref_squeeze %dma_start3A_770 : memref<1x!tpu.dma_semaphore, #tpu.memory_space<semaphore_mem>> -> memref<!tpu.dma_semaphore, #tpu.memory_space<semaphore_mem>>
        tpu.enqueue_indirect_dma source(%dma_start3A_769 : memref<100000x128xf32, #tpu.memory_space<hbm>>) target(%dma_start3A_763 : memref<128x128xf32, #tpu.memory_space<vmem>>) offsets(%dma_start3A_766 : memref<128xi32, #tpu.memory_space<vmem>>) semaphore(%dma_start3A_771 : memref<!tpu.dma_semaphore, #tpu.memory_space<semaphore_mem>>)
      } else {
      }
    }
    %scan3A_402 = arith.constant 9 : i32
    %add3A_403 = arith.constant 5760 : i32
    %add3A_404 = arith.addi %mul3A_2, %add3A_403 : i32
    %dma_wait3A_405 = arith.constant 0 : i32
    %dma_wait3A_406 = arith.constant 0 : i32
    %dma_wait3A_407 = arith.constant 0 : i32
    %dma_wait3A_408 = arith.constant 0 : i32
    %dma_wait3A_409 = tpu.memref_slice %arg8[%dma_wait3A_405, %dma_wait3A_407, %dma_wait3A_408] : memref<5x128x128xf32, #tpu.memory_space<vmem>> -> memref<1x128x128xf32, #tpu.memory_space<vmem>>
    %dma_wait3A_410 = tpu.memref_squeeze %dma_wait3A_409 : memref<1x128x128xf32, #tpu.memory_space<vmem>> -> memref<128x128xf32, #tpu.memory_space<vmem>>
    %dma_wait3A_411 = arith.constant 0 : i32
    %dma_wait3A_412 = tpu.memref_slice %arg5[%add3A_404, %dma_wait3A_411] : memref<204800x128xf32, #tpu.memory_space<hbm>> -> memref<128x128xf32, #tpu.memory_space<hbm>>
    %dma_wait3A_413 = tpu.memref_slice %arg10[%dma_wait3A_406] : memref<5x!tpu.dma_semaphore, #tpu.memory_space<semaphore_mem>> -> memref<1x!tpu.dma_semaphore, #tpu.memory_space<semaphore_mem>>
    %dma_wait3A_414 = tpu.memref_squeeze %dma_wait3A_413 : memref<1x!tpu.dma_semaphore, #tpu.memory_space<semaphore_mem>> -> memref<!tpu.dma_semaphore, #tpu.memory_space<semaphore_mem>>
    %dma_wait3A_415 = arith.constant 0 : i32
    %dma_wait3A_416 = tpu.memref_slice %arg5[%add3A_404, %dma_wait3A_415] : memref<204800x128xf32, #tpu.memory_space<hbm>> -> memref<128x128xf32, #tpu.memory_space<hbm>>
    %dma_wait3A_417 = arith.constant 0 : i32
    %dma_wait3A_418 = arith.constant 0 : i32
    %dma_wait3A_419 = tpu.memref_slice %arg8[%dma_wait3A_405, %dma_wait3A_417, %dma_wait3A_418] : memref<5x128x128xf32, #tpu.memory_space<vmem>> -> memref<1x128x128xf32, #tpu.memory_space<vmem>>
    %dma_wait3A_420 = tpu.memref_squeeze %dma_wait3A_419 : memref<1x128x128xf32, #tpu.memory_space<vmem>> -> memref<128x128xf32, #tpu.memory_space<vmem>>
    tpu.wait_dma2 semaphore(%dma_wait3A_414 : memref<!tpu.dma_semaphore, #tpu.memory_space<semaphore_mem>>) src(%dma_wait3A_420 : memref<128x128xf32, #tpu.memory_space<vmem>>) dst(%dma_wait3A_416 : memref<128x128xf32, #tpu.memory_space<hbm>>)
    %add3A_421 = arith.constant 5888 : i32
    %add3A_422 = arith.addi %mul3A_2, %add3A_421 : i32
    %dma_wait3A_423 = arith.constant 1 : i32
    %dma_wait3A_424 = arith.constant 1 : i32
    %dma_wait3A_425 = arith.constant 0 : i32
    %dma_wait3A_426 = arith.constant 0 : i32
    %dma_wait3A_427 = tpu.memref_slice %arg8[%dma_wait3A_423, %dma_wait3A_425, %dma_wait3A_426] : memref<5x128x128xf32, #tpu.memory_space<vmem>> -> memref<1x128x128xf32, #tpu.memory_space<vmem>>
    %dma_wait3A_428 = tpu.memref_squeeze %dma_wait3A_427 : memref<1x128x128xf32, #tpu.memory_space<vmem>> -> memref<128x128xf32, #tpu.memory_space<vmem>>
    %dma_wait3A_429 = arith.constant 0 : i32
    %dma_wait3A_430 = tpu.memref_slice %arg5[%add3A_422, %dma_wait3A_429] : memref<204800x128xf32, #tpu.memory_space<hbm>> -> memref<128x128xf32, #tpu.memory_space<hbm>>
    %dma_wait3A_431 = tpu.memref_slice %arg10[%dma_wait3A_424] : memref<5x!tpu.dma_semaphore, #tpu.memory_space<semaphore_mem>> -> memref<1x!tpu.dma_semaphore, #tpu.memory_space<semaphore_mem>>
    %dma_wait3A_432 = tpu.memref_squeeze %dma_wait3A_431 : memref<1x!tpu.dma_semaphore, #tpu.memory_space<semaphore_mem>> -> memref<!tpu.dma_semaphore, #tpu.memory_space<semaphore_mem>>
    %dma_wait3A_433 = arith.constant 0 : i32
    %dma_wait3A_434 = tpu.memref_slice %arg5[%add3A_422, %dma_wait3A_433] : memref<204800x128xf32, #tpu.memory_space<hbm>> -> memref<128x128xf32, #tpu.memory_space<hbm>>
    %dma_wait3A_435 = arith.constant 0 : i32
    %dma_wait3A_436 = arith.constant 0 : i32
    %dma_wait3A_437 = tpu.memref_slice %arg8[%dma_wait3A_423, %dma_wait3A_435, %dma_wait3A_436] : memref<5x128x128xf32, #tpu.memory_space<vmem>> -> memref<1x128x128xf32, #tpu.memory_space<vmem>>
    %dma_wait3A_438 = tpu.memref_squeeze %dma_wait3A_437 : memref<1x128x128xf32, #tpu.memory_space<vmem>> -> memref<128x128xf32, #tpu.memory_space<vmem>>
    tpu.wait_dma2 semaphore(%dma_wait3A_432 : memref<!tpu.dma_semaphore, #tpu.memory_space<semaphore_mem>>) src(%dma_wait3A_438 : memref<128x128xf32, #tpu.memory_space<vmem>>) dst(%dma_wait3A_434 : memref<128x128xf32, #tpu.memory_space<hbm>>)
    %add3A_439 = arith.constant 6016 : i32
    %add3A_440 = arith.addi %mul3A_2, %add3A_439 : i32
    %dma_wait3A_441 = arith.constant 2 : i32
    %dma_wait3A_442 = arith.constant 2 : i32
    %dma_wait3A_443 = arith.constant 0 : i32
    %dma_wait3A_444 = arith.constant 0 : i32
    %dma_wait3A_445 = tpu.memref_slice %arg8[%dma_wait3A_441, %dma_wait3A_443, %dma_wait3A_444] : memref<5x128x128xf32, #tpu.memory_space<vmem>> -> memref<1x128x128xf32, #tpu.memory_space<vmem>>
    %dma_wait3A_446 = tpu.memref_squeeze %dma_wait3A_445 : memref<1x128x128xf32, #tpu.memory_space<vmem>> -> memref<128x128xf32, #tpu.memory_space<vmem>>
    %dma_wait3A_447 = arith.constant 0 : i32
    %dma_wait3A_448 = tpu.memref_slice %arg5[%add3A_440, %dma_wait3A_447] : memref<204800x128xf32, #tpu.memory_space<hbm>> -> memref<128x128xf32, #tpu.memory_space<hbm>>
    %dma_wait3A_449 = tpu.memref_slice %arg10[%dma_wait3A_442] : memref<5x!tpu.dma_semaphore, #tpu.memory_space<semaphore_mem>> -> memref<1x!tpu.dma_semaphore, #tpu.memory_space<semaphore_mem>>
    %dma_wait3A_450 = tpu.memref_squeeze %dma_wait3A_449 : memref<1x!tpu.dma_semaphore, #tpu.memory_space<semaphore_mem>> -> memref<!tpu.dma_semaphore, #tpu.memory_space<semaphore_mem>>
    %dma_wait3A_451 = arith.constant 0 : i32
    %dma_wait3A_452 = tpu.memref_slice %arg5[%add3A_440, %dma_wait3A_451] : memref<204800x128xf32, #tpu.memory_space<hbm>> -> memref<128x128xf32, #tpu.memory_space<hbm>>
    %dma_wait3A_453 = arith.constant 0 : i32
    %dma_wait3A_454 = arith.constant 0 : i32
    %dma_wait3A_455 = tpu.memref_slice %arg8[%dma_wait3A_441, %dma_wait3A_453, %dma_wait3A_454] : memref<5x128x128xf32, #tpu.memory_space<vmem>> -> memref<1x128x128xf32, #tpu.memory_space<vmem>>
    %dma_wait3A_456 = tpu.memref_squeeze %dma_wait3A_455 : memref<1x128x128xf32, #tpu.memory_space<vmem>> -> memref<128x128xf32, #tpu.memory_space<vmem>>
    tpu.wait_dma2 semaphore(%dma_wait3A_450 : memref<!tpu.dma_semaphore, #tpu.memory_space<semaphore_mem>>) src(%dma_wait3A_456 : memref<128x128xf32, #tpu.memory_space<vmem>>) dst(%dma_wait3A_452 : memref<128x128xf32, #tpu.memory_space<hbm>>)
    %add3A_457 = arith.constant 6144 : i32
    %add3A_458 = arith.addi %mul3A_2, %add3A_457 : i32
    %dma_wait3A_459 = arith.constant 3 : i32
    %dma_wait3A_460 = arith.constant 3 : i32
    %dma_wait3A_461 = arith.constant 0 : i32
    %dma_wait3A_462 = arith.constant 0 : i32
    %dma_wait3A_463 = tpu.memref_slice %arg8[%dma_wait3A_459, %dma_wait3A_461, %dma_wait3A_462] : memref<5x128x128xf32, #tpu.memory_space<vmem>> -> memref<1x128x128xf32, #tpu.memory_space<vmem>>
    %dma_wait3A_464 = tpu.memref_squeeze %dma_wait3A_463 : memref<1x128x128xf32, #tpu.memory_space<vmem>> -> memref<128x128xf32, #tpu.memory_space<vmem>>
    %dma_wait3A_465 = arith.constant 0 : i32
    %dma_wait3A_466 = tpu.memref_slice %arg5[%add3A_458, %dma_wait3A_465] : memref<204800x128xf32, #tpu.memory_space<hbm>> -> memref<128x128xf32, #tpu.memory_space<hbm>>
    %dma_wait3A_467 = tpu.memref_slice %arg10[%dma_wait3A_460] : memref<5x!tpu.dma_semaphore, #tpu.memory_space<semaphore_mem>> -> memref<1x!tpu.dma_semaphore, #tpu.memory_space<semaphore_mem>>
    %dma_wait3A_468 = tpu.memref_squeeze %dma_wait3A_467 : memref<1x!tpu.dma_semaphore, #tpu.memory_space<semaphore_mem>> -> memref<!tpu.dma_semaphore, #tpu.memory_space<semaphore_mem>>
    %dma_wait3A_469 = arith.constant 0 : i32
    %dma_wait3A_470 = tpu.memref_slice %arg5[%add3A_458, %dma_wait3A_469] : memref<204800x128xf32, #tpu.memory_space<hbm>> -> memref<128x128xf32, #tpu.memory_space<hbm>>
    %dma_wait3A_471 = arith.constant 0 : i32
    %dma_wait3A_472 = arith.constant 0 : i32
    %dma_wait3A_473 = tpu.memref_slice %arg8[%dma_wait3A_459, %dma_wait3A_471, %dma_wait3A_472] : memref<5x128x128xf32, #tpu.memory_space<vmem>> -> memref<1x128x128xf32, #tpu.memory_space<vmem>>
    %dma_wait3A_474 = tpu.memref_squeeze %dma_wait3A_473 : memref<1x128x128xf32, #tpu.memory_space<vmem>> -> memref<128x128xf32, #tpu.memory_space<vmem>>
    tpu.wait_dma2 semaphore(%dma_wait3A_468 : memref<!tpu.dma_semaphore, #tpu.memory_space<semaphore_mem>>) src(%dma_wait3A_474 : memref<128x128xf32, #tpu.memory_space<vmem>>) dst(%dma_wait3A_470 : memref<128x128xf32, #tpu.memory_space<hbm>>)
    %add3A_475 = arith.constant 6272 : i32
    %add3A_476 = arith.addi %mul3A_2, %add3A_475 : i32
    %dma_wait3A_477 = arith.constant 4 : i32
    %dma_wait3A_478 = arith.constant 4 : i32
    %dma_wait3A_479 = arith.constant 0 : i32
    %dma_wait3A_480 = arith.constant 0 : i32
    %dma_wait3A_481 = tpu.memref_slice %arg8[%dma_wait3A_477, %dma_wait3A_479, %dma_wait3A_480] : memref<5x128x128xf32, #tpu.memory_space<vmem>> -> memref<1x128x128xf32, #tpu.memory_space<vmem>>
    %dma_wait3A_482 = tpu.memref_squeeze %dma_wait3A_481 : memref<1x128x128xf32, #tpu.memory_space<vmem>> -> memref<128x128xf32, #tpu.memory_space<vmem>>
    %dma_wait3A_483 = arith.constant 0 : i32
    %dma_wait3A_484 = tpu.memref_slice %arg5[%add3A_476, %dma_wait3A_483] : memref<204800x128xf32, #tpu.memory_space<hbm>> -> memref<128x128xf32, #tpu.memory_space<hbm>>
    %dma_wait3A_485 = tpu.memref_slice %arg10[%dma_wait3A_478] : memref<5x!tpu.dma_semaphore, #tpu.memory_space<semaphore_mem>> -> memref<1x!tpu.dma_semaphore, #tpu.memory_space<semaphore_mem>>
    %dma_wait3A_486 = tpu.memref_squeeze %dma_wait3A_485 : memref<1x!tpu.dma_semaphore, #tpu.memory_space<semaphore_mem>> -> memref<!tpu.dma_semaphore, #tpu.memory_space<semaphore_mem>>
    %dma_wait3A_487 = arith.constant 0 : i32
    %dma_wait3A_488 = tpu.memref_slice %arg5[%add3A_476, %dma_wait3A_487] : memref<204800x128xf32, #tpu.memory_space<hbm>> -> memref<128x128xf32, #tpu.memory_space<hbm>>
    %dma_wait3A_489 = arith.constant 0 : i32
    %dma_wait3A_490 = arith.constant 0 : i32
    %dma_wait3A_491 = tpu.memref_slice %arg8[%dma_wait3A_477, %dma_wait3A_489, %dma_wait3A_490] : memref<5x128x128xf32, #tpu.memory_space<vmem>> -> memref<1x128x128xf32, #tpu.memory_space<vmem>>
    %dma_wait3A_492 = tpu.memref_squeeze %dma_wait3A_491 : memref<1x128x128xf32, #tpu.memory_space<vmem>> -> memref<128x128xf32, #tpu.memory_space<vmem>>
    tpu.wait_dma2 semaphore(%dma_wait3A_486 : memref<!tpu.dma_semaphore, #tpu.memory_space<semaphore_mem>>) src(%dma_wait3A_492 : memref<128x128xf32, #tpu.memory_space<vmem>>) dst(%dma_wait3A_488 : memref<128x128xf32, #tpu.memory_space<hbm>>)
    return
  }
}

</mosaic_0001>

<sc_bundles>
// kernel: kernel.3.cloned.1.call-start
scs
__scs_entry_jumppad:
0x0: {  	(pc) =	sbr.rel $0x88, $3  }
0x1: {  	(tag) =	ssettag $0x0;
	lr =	simm.s32 $0x1  }
0x2: {  	[smem:$0x3F9E] =	sst lr;
	_ =	strace $0xD0000000  }
0x3: {  	_ = 	snop  }
0x4: {  	_ = 	snop  }
0x5: {  	_ = 	snop  }
0x6: {  	_ = 	snop  }
0x7: {  	_ = 	snop  }
__scs_overlays_trampoline_lowered:
0x8: {  	[smem:$0x3FAD] =	sst s0  }
0x9: {  	[smem:$0x3FAE] =	sst s1  }
0xa: {  	[smem:$0x3FAF] =	sst s2  }
0xb: {  	[smem:$0x3FB0] =	sst s3  }
0xc: {  	[smem:$0x3FB1] =	sst s4  }
0xd: {  	[smem:$0x3FB2] =	sst s5  }
0xe: {  	[smem:$0x3FB3] =	sst s6  }
0xf: {  	[smem:$0x3FB4] =	sst s7  }
0x10: {  	[smem:$0x3FB5] =	sst s8  }
0x11: {  	[smem:$0x3FB6] =	sst s9;
	s0 =	simm.s32 @!p0 $0x0  }
0x12: {  	s1 =	sld [smem:$0x3F9C];
	s0 =	simm.s32 @p0 $0x1  }
0x13: {  	[smem:$0x3FB7] =	sst s0;
	s0 =	simm.s32 @!p1 $0x0  }
0x14: {  	s2 =	sld [smem:$0x3F9B];
	s0 =	simm.s32 @p1 $0x1  }
0x15: {  	[smem:$0x3FB8] =	sst s0;
	s0 =	simm.s32 @!p2 $0x0  }
0x16: {  	s3 =	sld [smem:$0x3FDB];
	s0 =	simm.s32 @p2 $0x1  }
0x17: {  	s4 =	simm.s32 $0x1BF5;
	[smem:$0x3FBA] =	sst s0  }
0x18: {  	s0 =	sld [smem:$0x3F9D];
	_ =	swait.ge [sflag:s4], $0x0  }
0x19: {  	s7 =	sld [smem:$0x3F9E]  }
0x1a: {  	s8 =	sadd.s32 $0xFFFFE003, lr  }
0x1b: {  	s9 =	sadd.s32 $0xFFFFFEF7, lr;
	s5 =	simm.s32 $0xFFFFFFFF;
	p2 =	slt.u32 s8, $0xFFFFF086  }
0x1c: {  	p1 =	slt.u32 s9, $0xF7A;
	s5 =	simm.s32 @!p2 $0x0  }
0x1d: {  	s5 =	simm.s32 @p1 $0x1;
	p0 =	seq.s32 s7, s2  }
0x1e: {  	s7 =	smul.u32 @!p0 $0xF7A, s2;
	p2 =	seq.s32 @!p0 s5, $0x0  }
0x1f: {  	s9 =	smul.u32 $0xF7A, s1;
	s8 =	simm.s32 @!p0 $0x1BF5;
	p2 =	por !p2, p0  }
0x20: {  	[sflag:s8] =	ssyncset.s32 @!p0 $0xFFFFF086;
	s6 =	sadd.s32 @!p0 s3, s7;
	s7 =	simm.s32 @!p0 $0x108  }
0x21: {  	s3 =	sadd.s32 s3, s9;
	s6 =	sadd.s32 @!p0 $0x88, s6;
	s7 =	simm.s32 @p2 $0x1082  }
0x22: {  	[simem:s7], [sflag:s8] =	dma.local @!p0 [hbm:s6], $0xF7A  }
0x23: {  	s9 =	sor.u32 $0xD0000000, s2;
	s6 =	simm.s32 $0x108;
	_ =	swait.ge @!p0 [sflag:s8], $0x0  }
0x24: {  	s3 =	sadd.s32 $0x88, s3;
	s6 =	simm.s32 @!p1 $0x1082;
	[sflag:s4] =	ssyncset.s32 $0xFFFFF086  }
0x25: {  	[simem:s6], [sflag:s4] =	dma.local [hbm:s3], $0xF7A  }
0x26: {  	[smem:$0x3F9E] =	sst s1;
	(tag) =	ssettag s2;
	_ =	strace s9  }
0x27: {  	s1 =	sld [smem:$0x3FAE]  }
0x28: {  	s2 =	sld [smem:$0x3FAF]  }
0x29: {  	s4 =	sld [smem:$0x3FB1]  }
0x2a: {  	p0 =	seq.s32 s5, $0x0;
	s5 =	sld [smem:$0x3FB2]  }
0x2b: {  	s6 =	sld [smem:$0x3FB3]  }
0x2c: {  	s7 =	sld [smem:$0x3FB4]  }
0x2d: {  	s3 =	simm.s32 $0x108;
	s8 =	sld [smem:$0x3FB5]  }
0x2e: {  	s3 =	simm.s32 @!p0 $0x1082;
	s9 =	sld [smem:$0x3FB6]  }
0x2f: {  	lr =	sadd.s32 s0, s3;
	s0 =	sld [smem:$0x3FAD]  }
0x30: {  	s3 =	sld [smem:$0x3FB0]  }
0x31: {  	[smem:$0x3FB9] =	sst s10  }
0x32: {  	s10 =	sld [smem:$0x3FB7];
	_ =	sdelay $0x3  }
0x33: {  	p0 =	seq.s32 s10, $0x1;
	s10 =	sld [smem:$0x3FB9];
	_ =	sdelay $0x3  }
0x34: {  	[smem:$0x3FB9] =	sst s10  }
0x35: {  	s10 =	sld [smem:$0x3FB8];
	_ =	sdelay $0x3  }
0x36: {  	p1 =	seq.s32 s10, $0x1;
	s10 =	sld [smem:$0x3FB9];
	_ =	sdelay $0x3  }
0x37: {  	[smem:$0x3FB9] =	sst s10  }
0x38: {  	s10 =	sld [smem:$0x3FBA]  }
0x39: {  	_ = 	snop;
	(pc) =	sbr.ind lr, $3  }
0x3a: {  	_ = 	snop  }
0x3b: {  	_ = 	snop  }
0x3c: {  	p2 =	seq.s32 s10, $0x1;
	s10 =	sld [smem:$0x3FB9]  }
0x3d: {  	_ =	shalt  }
0x3e: {  	_ =	shalt  }
0x3f: {  	_ =	shalt  }
0x40: {  	_ =	shalt  }
0x41: {  	_ =	shalt  }
0x42: {  	_ =	shalt  }
0x43: {  	_ =	shalt  }
0x44: {  	_ =	shalt  }
0x45: {  	_ =	shalt  }
0x46: {  	_ =	shalt  }
0x47: {  	_ =	shalt  }
0x48: {  	_ =	shalt  }
0x49: {  	_ =	shalt  }
0x4a: {  	_ =	shalt  }
0x4b: {  	_ =	shalt  }
0x4c: {  	_ =	shalt  }
0x4d: {  	_ =	shalt  }
0x4e: {  	_ =	shalt  }
0x4f: {  	_ =	shalt  }
0x50: {  	_ =	shalt  }
0x51: {  	_ =	shalt  }
0x52: {  	_ =	shalt  }
0x53: {  	_ =	shalt  }
0x54: {  	_ =	shalt  }
0x55: {  	_ =	shalt  }
0x56: {  	_ =	shalt  }
0x57: {  	_ =	shalt  }
0x58: {  	_ =	shalt  }
0x59: {  	_ =	shalt  }
0x5a: {  	_ =	shalt  }
0x5b: {  	_ =	shalt  }
0x5c: {  	_ =	shalt  }
0x5d: {  	_ =	shalt  }
0x5e: {  	_ =	shalt  }
0x5f: {  	_ =	shalt  }
0x60: {  	_ =	shalt  }
0x61: {  	_ =	shalt  }
0x62: {  	_ =	shalt  }
0x63: {  	_ =	shalt  }
0x64: {  	_ =	shalt  }
0x65: {  	_ =	shalt  }
0x66: {  	_ =	shalt  }
0x67: {  	_ =	shalt  }
0x68: {  	_ =	shalt  }
0x69: {  	_ =	shalt  }
0x6a: {  	_ =	shalt  }
0x6b: {  	_ =	shalt  }
0x6c: {  	_ =	shalt  }
0x6d: {  	_ =	shalt  }
0x6e: {  	_ =	shalt  }
0x6f: {  	_ =	shalt  }
0x70: {  	_ =	shalt  }
0x71: {  	_ =	shalt  }
0x72: {  	_ =	shalt  }
0x73: {  	_ =	shalt  }
0x74: {  	_ =	shalt  }
0x75: {  	_ =	shalt  }
0x76: {  	_ =	shalt  }
0x77: {  	_ =	shalt  }
0x78: {  	_ =	shalt  }
0x79: {  	_ =	shalt  }
0x7a: {  	_ =	shalt  }
0x7b: {  	_ =	shalt  }
0x7c: {  	_ =	shalt  }
0x7d: {  	_ =	shalt  }
0x7e: {  	_ =	shalt  }
0x7f: {  	_ =	shalt  }
0x80: {  	_ =	shalt  }
0x81: {  	_ =	shalt  }
0x82: {  	_ =	shalt  }
0x83: {  	_ =	shalt  }
0x84: {  	_ =	shalt  }
0x85: {  	_ =	shalt  }
0x86: {  	_ =	shalt  }
0x87: {  	_ =	shalt  }
.Lfunc_end0:
.L_simem_size_0:
called_computation.1_lowered:
.L_overlay_start_0:
0x88: {  	s2 =	sld [smem:$0x3FD9]  }
0x89: {  	s3 =	sld [smem:$0x3FFE];
	_ =	sdelay $0x1  }
0x8a: {  	s1 =	srdreg.scid  }
0x8b: {  	s0 =	sand.u32 $0x1, s1  }
0x8c: {  	s17 =	sshll.u32 s0, $0xA;
	s2 =	sadd.s32 s3, s2  }
0x8d: {  	s2 =	sadd.s32 s2, s17  }
0x8e: {  	[smem:$0x3FC5] =	sst s2  }
0x8f: {  	_ = 	snop  }
0x90: {  	s2 =	sld [smem:$0x3FC8]  }
0x91: {  	s18 =	sld [smem:$0x3FC7]  }
0x92: {  	s4 =	sld [smem:$0x3FD0];
	(tm) =	ssettm $0x1  }
0x93: {  	s5 =	sld [smem:$0x3FFB];
	_ =	sdelay $0x3  }
0x94: {  	_ =	strace s5  }
0x95: {  	s5 =	sld [smem:$0x3FFC];
	_ =	sdelay $0x3  }
0x96: {  	_ =	strace s5  }
0x97: {  	s5 =	sld [smem:$0x3FFD];
	_ =	sdelay $0x3  }
0x98: {  	_ =	strace s5  }
0x99: {  	_ =	strace $0x8FFFFFFF  }
0x9a: {  	s19 =	sld [smem:$0x3FDB];
	_ =	sdelay $0x1  }
0x9b: {  	s6 =	simm.s32 $_scs_section_size  }
0x9c: {  	s7 =	simm.s32 $_size__tile_overlayer_lowered;
	s8 =	simm.s32 $_tile_overlayer_lowered  }
0x9d: {  	s22 =	simm.s32 $0x1BFF;
	s21 =	sshll.u32 s8, $0x1;
	s5 =	sadd.s32 s6, s19  }
0x9e: {  	s9 =	simm.s32 $0x0;
	s20 =	sshll.u32 s7, $0x1;
	s7 =	sadd.s32 s21, s5  }
0x9f: {  	[timem:s9], [sflag:s22] =	dma.local [hbm:s7], s20  }
0xa0: {  	_ =	swait.ge [sflag:s22], s20  }
0xa1: {  	s6 =	ssub.s32 $0x0, s20;
	[sflag:s22] =	ssyncset.done $0x0  }
0xa2: {  	[sflag:s22] =	ssyncadd.s32 s6;
	_ =	sdelay $0x1  }
0xa3: {  	s23 =	simm.s32 $0x1B8B  }
0xa4: {  	_ =	swait.ge [sflag:s23], $0x1  }
0xa5: {  	[sflag:s23] =	ssyncset.done $0x0  }
0xa6: {  	s25 =	simm.s32 $0x1B8E;
	s24 =	sld [smem:$0x3FFE];
	[sflag:s23] =	ssyncadd.s32 $0xFFFFFFFF  }
0xa7: {  	s26 =	simm.s32 $execute0_lowered;
	[smem:$0x3FD2] =	sst s25  }
0xa8: {  	s7 =	sshll.u32 s26, $0x1;
	_ =	strace $0x80000046;
	[dreg:$0x1] =	wrdreg $0xFFFFFFFF  }
0xa9: {  	s28 =	simm.s32 $_size_execute0_lowered;
	s5 =	sadd.s32 s5, s7;
	[dreg:$0x0] =	wrdreg $0x0  }
0xaa: {  	s7 =	sshll.u32 s28, $0x1;
	[dreg:$0x2] =	wrdreg s5  }
0xab: {  	[dreg:$0x3] =	wrdreg s7  }
0xac: {  	[dreg:$0x4] =	wrdreg $0xC0  }
0xad: {  	_ =	task [dreg:s9], $0x5FFFF  }
0xae: {  	[dreg:$0x1] =	wrdreg $0xFFFFFFFF  }
0xaf: {  	[dreg:$0x0] =	wrdreg $0x60  }
0xb0: {  	[dreg:$0x2] =	wrdreg s24  }
0xb1: {  	[dreg:$0x3] =	wrdreg s2  }
0xb2: {  	[dreg:$0x4] =	wrdreg s18  }
0xb3: {  	[dreg:$0x5] =	wrdreg s4  }
0xb4: {  	[dreg:$0x6] =	wrdreg $0x9  }
0xb5: {  	_ =	task.clear_ibuf [dreg:s9], $0x7FFFF;
	_ =	strace $0x90000046  }
0xb6: {  	s29 =	simm.s32 $0x9;
	_ =	strace $0x80000048  }
0xb7: {  	_ =	swait.ge [sflag:s29], $0x1  }
0xb8: {  	[sflag:s29] =	ssyncadd.s32 $0xFFFFFFFF  }
0xb9: {  	_ =	strace $0x90000048  }
0xba: {  	_ =	sfence  }
0xbb: {  	s30 =	sld [smem:$0x0];
	_ =	sdelay $0x2  }
0xbc: {  	s31 =	sshll.u32 s1, $0xD;
	s1 =	sshrl.u32 s1, $0x2  }
0xbd: {  	s3 =	sand.u32 $0x4000, s31;
	s1 =	sadd.s32 s1, s30  }
0xbe: {  	s0 =	sor.u32 s3, s0;
	s1 =	sshll.u32 s1, $0x11  }
0xbf: {  	s0 =	sor.u32 s1, s0  }
0xc0: {  	s0 =	sadd.s32 $0x8F2B, s0  }
0xc1: {  	[sflag:s0] =	ssyncadd.remote.s32 $0x1  }
0xc2: {  	_ =	sfence.sel $0xFFFF  }
0xc3: {  	[dreg:$0x0] =	wrdreg $0xFFFFFFFF;
	(pc) =	sbr.abs _section_cstart, $3  }
0xc4: {  	[dreg:$0x1] =	wrdreg $0xFFFFFFFF  }
0xc5: {  	_ =	task.clear_ibuf [dreg:s9], $0x2FFFF;
	_ =	strace $0x9FFFFFFF  }
0xc6: {  	(tm) =	ssettm $0x7FFFFFFF  }
0xc7: {  	_ =	shalt  }
tec
execute0_lowered:
.L_overlay_start_1:
0x0: {  	(tag) =	ssettag $0x1  }
0x1: {  	s0 =	rddreg [dreg:$0x0]  }
0x2: {  	s1 =	rddreg [dreg:$0x1]  }
0x3: {  	s2 =	srdreg.scid;
	s3 =	stileid.u32  }
0x4: {  	s4 =	rddreg [dreg:$0x3];
	s5 =	simm.s32 $0x0;
	s19 =	simm.s32 $0x80  }
0x5: {  	s28 =	simm.s32 $0x2;
	s2 =	sand.u32 $0x1, s2;
	s3 =	sshll.u32 s3, $0x1  }
0x6: {  	s30 =	simm.s32 $0x11C80;
	s31 =	simm.s32 $0x3;
	s3 =	sor.u32 s2, s3  }
0x7: {  	s18 =	simm.s32 $0x7;
	s29 =	simm.s32 $0x8;
	s7 =	smul.u32 $0x380, s3  }
0x8: {  	[smem:$0x7FF] =	sst s5;
	s2 =	ssub.s32 $0x2, s2;
	s6 =	smul.u32 $0xC8000, s3  }
0x9: {  	_ =	strace $0x80000047;
	s8 =	sshrl.u32 s2, $0x1;
	s9 =	smul.u32 $0x19000, s3  }
0xa: {  	s2 =	ssub.s32 s2, s8;
	s0 =	sadd.s32 s7, s0;
	s20 =	sshrl.u32 s6, $0x3  }
0xb: {  	s7 =	smul.u32 $0x1900, s3;
	s9 =	sadd.s32 s4, s9;
	s26 =	smax.u32 s2, $0x1  }
0xc: {  	s2 =	simm.s32 $0x6;
	s3 =	simm.s32 $0x4;
	[dreg:$0x5] =	wrdreg s9  }
0xd: {  	s21 =	sadd.s32 s4, s20;
	s0 =	sadd.s32 $0x800, s0;
	[dreg:$0xb] =	wrdreg s26  }
0xe: {  	s22 =	sadd.s32 $0x800, s9;
	s20 =	simm.s32 $0x1C80;
	[dreg:$0x6] =	wrdreg s0  }
0xf: {  	s26 =	simm.s32 $0xDC80;
	s9 =	simm.s32 $0x0;
	[dreg:$0x7] =	wrdreg s22  }
.Ltmp0:
0x10: {  	s23 =	sadd.s32 $0x1000, s21;
	s24 =	sadd.s32 $0x1800, s21;
	(pc) =	sbr.rel .LBB2_1-.Ltmp0, $4  }
0x11: {  	s25 =	sadd.s32 $0x2000, s21;
	s14 =	sor.u32 $0x80, s7;
	[dreg:$0x8] =	wrdreg s23  }
0x12: {  	s15 =	sadd.s32 $0x100, s7;
	s21 =	simm.s32 $0x5C80;
	[dreg:$0x9] =	wrdreg s24  }
0x13: {  	s22 =	simm.s32 $0x9;
	s0 =	simm.s32 $0xA;
	[dreg:$0xa] =	wrdreg s25  }
0x14: {  	s23 =	simm.s32 $0x9C80;
	s24 =	simm.s32 $0x1;
	s25 =	simm.s32 $0x5  }
.LBB2_24:
0x15: {  	_ =	swait.ge [sflag:s2], $0x4000  }
0x16: {  	[sflag:s2] =	ssyncset.done $0x0  }
0x17: {  	[sflag:s2] =	ssyncadd.s32 $0xFFFFC000  }
0x18: {  	_ =	swait.ge [sflag:s18], $0x4000  }
0x19: {  	[sflag:s18] =	ssyncset.done $0x0  }
0x1a: {  	[sflag:s18] =	ssyncadd.s32 $0xFFFFC000  }
0x1b: {  	_ =	swait.ge [sflag:s29], $0x4000  }
0x1c: {  	[sflag:s29] =	ssyncset.done $0x0  }
0x1d: {  	[sflag:s29] =	ssyncadd.s32 $0xFFFFC000  }
0x1e: {  	_ =	swait.ge [sflag:s22], $0x4000  }
0x1f: {  	[sflag:s22] =	ssyncset.done $0x0  }
0x20: {  	[sflag:s22] =	ssyncadd.s32 $0xFFFFC000  }
0x21: {  	_ =	swait.ge [sflag:s0], $0x4000  }
0x22: {  	s9 =	sadd.s32 $0x1, s9;
	s8 =	rddreg [dreg:$0xb]  }
0x23: {  	p0 =	sne.s32 s9, s8  }
.Ltmp1:
0x24: {  	_ = 	snop;
	(pc) =	sbr.rel @!p0 .LBB2_25-.Ltmp1, $3  }
0x25: {  	_ =	sdelay $0x1  }
0x26: {  	[sflag:s0] =	ssyncset.done $0x0  }
0x27: {  	[sflag:s0] =	ssyncadd.s32 $0xFFFFC000  }
.LBB2_1:
0x28: {  	s8 =	rddreg [dreg:$0x6];
	s10 =	simm.s32 $0xB  }
0x29: {  	[tilespmem:s5], [sflag:$0xB] =	stream.linear.gather [hbm4b:s8+s5], $0x1900, $0x38;
	[tilespmem:$0x15C80] =	vst v63  }
0x2a: {  	_ =	swait.ge [sflag:s10], $0x1900  }
0x2b: {  	[sflag:s10] =	ssyncset.done $0x0  }
0x2c: {  	[sflag:s10] =	ssyncadd.s32 $0xFFFFE700  }
0x2d: {  	s11 =	simm.s32 $0x1C00;
	s16 =	rddreg [dreg:$0x2]  }
0x2e: {  	[tilespmem:s11], [sflag:$0xB] =	stream.linear.gather [hbm4b:s16+s5], $0x80, $0x38;
	[tilespmem:$0x15C80] =	vst v63  }
0x2f: {  	_ =	swait.ge [sflag:s10], $0x80  }
0x30: {  	[sflag:s10] =	ssyncset.done $0x0  }
0x31: {  	[sflag:s10] =	ssyncadd.s32 $0xFFFFFF80  }
0x32: {  	v0 =	vld [tilespmem:$0x1C00]  }
0x33: {  	v1 =	vld [tilespmem:$0x1C10]  }
0x34: {  	v2 =	vld [tilespmem:$0x1C20]  }
0x35: {  	v3 =	vld [tilespmem:$0x1C30]  }
0x36: {  	v4 =	vld [tilespmem:$0x1C40]  }
0x37: {  	v5 =	vld [tilespmem:$0x1C50]  }
0x38: {  	v6 =	vld [tilespmem:$0x1C60]  }
0x39: {  	v7 =	vld [tilespmem:$0x1C70];
	[tilespmem:s20], [sflag:$0x1] =	stream.indirect.gather [hbm4b:s1+s19], $0x80, s5, s19, $0xb8  }
0x3a: {  	_ = 	snop  }
0x3b: {  	[tilespmem:s21], [sflag:$0x2] =	stream.indirect.gather [hbm4b:s1+s19], $0x80, s19, s19, $0xb8;
	[tilespmem:$0x15C80] =	vst v63  }
0x3c: {  	s17 =	simm.s32 $0x100  }
0x3d: {  	[tilespmem:s23], [sflag:$0x3] =	stream.indirect.gather [hbm4b:s1+s19], $0x80, s17, s19, $0xb8;
	[tilespmem:$0x15C80] =	vst v63  }
0x3e: {  	_ =	swait.ge [sflag:s24], $0x4000  }
0x3f: {  	[sflag:s24] =	ssyncset.done $0x0  }
0x40: {  	s10 =	simm.s32 $0x0;
	[sflag:s24] =	ssyncadd.s32 $0xFFFFC000  }
0x41: {  	v11 =	vld [tilespmem:s10+$0x1C80]  }
0x42: {  	v13 =	vld [tilespmem:s10+$0x1C90]  }
0x43: {  	v12 =	vld [tilespmem:s10+$0x1CA0]  }
0x44: {  	v10 =	vld [tilespmem:s10+$0x1CB0]  }
0x45: {  	v8 =	vld [tilespmem:s10+$0x1CC0]  }
0x46: {  	v9 =	vld [tilespmem:s10+$0x1CD0];
	v14 =	vmul.f32 v11, v0  }
0x47: {  	s11 =	simm.s32 $0x200;
	v13 =	vmul.f32 v13, v1;
	v11 =	vld [tilespmem:s10+$0x1CE0]  }
.LBB2_2:
0x48: {  	s8 =	sshra.s32 s11, $0x2;
	p0 =	sne.s32 s11, $0xFE00;
	[tilespmem:s10+$0x1C80] =	vst v14;
	v12 =	vmul.f32 v12, v2;
	v14 =	vld [tilespmem:s10+$0x1CF0]  }
0x49: {  	v15 =	vld [tilespmem:s8+$0x1C80];
	[tilespmem:s10+$0x1C90] =	vst v13;
	v10 =	vmul.f32 v10, v3  }
0x4a: {  	v13 =	vld [tilespmem:s8+$0x1C90];
	[tilespmem:s10+$0x1CA0] =	vst v12;
	v8 =	vmul.f32 v8, v4  }
.Ltmp2:
0x4b: {  	v12 =	vld [tilespmem:s8+$0x1CA0];
	[tilespmem:s10+$0x1CB0] =	vst v10;
	v9 =	vmul.f32 v9, v5;
	(pc) =	sbr.rel @p0 .LBB2_2-.Ltmp2, $4  }
0x4c: {  	v10 =	vld [tilespmem:s8+$0x1CB0];
	[tilespmem:s10+$0x1CC0] =	vst v8;
	v11 =	vmul.f32 v11, v6  }
0x4d: {  	v8 =	vld [tilespmem:s8+$0x1CC0];
	[tilespmem:s10+$0x1CD0] =	vst v9;
	v16 =	vmul.f32 v14, v7  }
0x4e: {  	v14 =	vmul.f32 v15, v0;
	v9 =	vld [tilespmem:s8+$0x1CD0];
	[tilespmem:s10+$0x1CE0] =	vst v11  }
0x4f: {  	s11 =	sadd.s32 $0x200, s11;
	v13 =	vmul.f32 v13, v1;
	v11 =	vld [tilespmem:s8+$0x1CE0];
	[tilespmem:s10+$0x1CF0] =	vst v16;
	s10 =	smov.u32 s8  }
0x50: {  	[tilespmem:s10+$0x1C80] =	vst v14;
	v12 =	vmul.f32 v12, v2;
	v14 =	vld [tilespmem:s10+$0x1CF0]  }
0x51: {  	[tilespmem:s10+$0x1C90] =	vst v13;
	v10 =	vmul.f32 v10, v3  }
0x52: {  	[tilespmem:s10+$0x1CA0] =	vst v12;
	v8 =	vmul.f32 v8, v4  }
0x53: {  	[tilespmem:s10+$0x1CB0] =	vst v10;
	v9 =	vmul.f32 v9, v5  }
0x54: {  	[tilespmem:s10+$0x1CC0] =	vst v8;
	v8 =	vmul.f32 v11, v6  }
0x55: {  	[tilespmem:s10+$0x1CD0] =	vst v9;
	v9 =	vmul.f32 v14, v7  }
0x56: {  	[tilespmem:s10+$0x1CE0] =	vst v8  }
0x57: {  	s8 =	simm.s32 $0x0;
	s16 =	rddreg [dreg:$0x5];
	[tilespmem:s10+$0x1CF0] =	vst v9  }
0x58: {  	[hbm4b:s16+s8] =	stream.linear.scatter [tilespmem:s20], [sflag:$0x6], $0x4000, $0x38;
	[tilespmem:$0x15C80] =	vst v63  }
0x59: {  	s17 =	simm.s32 $0x180  }
0x5a: {  	[tilespmem:s26], [sflag:$0x4] =	stream.indirect.gather [hbm4b:s1+s19], $0x80, s17, s19, $0xb8;
	[tilespmem:$0x15C80] =	vst v63  }
0x5b: {  	_ =	swait.ge [sflag:s28], $0x4000  }
0x5c: {  	[sflag:s28] =	ssyncset.done $0x0  }
0x5d: {  	s10 =	simm.s32 $0x0;
	[sflag:s28] =	ssyncadd.s32 $0xFFFFC000  }
0x5e: {  	v11 =	vld [tilespmem:s10+$0x5C80]  }
0x5f: {  	v13 =	vld [tilespmem:s10+$0x5C90]  }
0x60: {  	v12 =	vld [tilespmem:s10+$0x5CA0]  }
0x61: {  	v10 =	vld [tilespmem:s10+$0x5CB0]  }
0x62: {  	v8 =	vld [tilespmem:s10+$0x5CC0]  }
0x63: {  	v9 =	vld [tilespmem:s10+$0x5CD0];
	v14 =	vmul.f32 v11, v0  }
0x64: {  	s11 =	simm.s32 $0x200;
	v13 =	vmul.f32 v13, v1;
	v11 =	vld [tilespmem:s10+$0x5CE0]  }
.LBB2_4:
0x65: {  	s8 =	sshra.s32 s11, $0x2;
	p0 =	sne.s32 s11, $0xFE00;
	[tilespmem:s10+$0x5C80] =	vst v14;
	v12 =	vmul.f32 v12, v2;
	v14 =	vld [tilespmem:s10+$0x5CF0]  }
0x66: {  	v15 =	vld [tilespmem:s8+$0x5C80];
	[tilespmem:s10+$0x5C90] =	vst v13;
	v10 =	vmul.f32 v10, v3  }
0x67: {  	v13 =	vld [tilespmem:s8+$0x5C90];
	[tilespmem:s10+$0x5CA0] =	vst v12;
	v8 =	vmul.f32 v8, v4  }
.Ltmp3:
0x68: {  	v12 =	vld [tilespmem:s8+$0x5CA0];
	[tilespmem:s10+$0x5CB0] =	vst v10;
	v9 =	vmul.f32 v9, v5;
	(pc) =	sbr.rel @p0 .LBB2_4-.Ltmp3, $4  }
0x69: {  	v10 =	vld [tilespmem:s8+$0x5CB0];
	[tilespmem:s10+$0x5CC0] =	vst v8;
	v11 =	vmul.f32 v11, v6  }
0x6a: {  	v8 =	vld [tilespmem:s8+$0x5CC0];
	[tilespmem:s10+$0x5CD0] =	vst v9;
	v16 =	vmul.f32 v14, v7  }
0x6b: {  	v14 =	vmul.f32 v15, v0;
	v9 =	vld [tilespmem:s8+$0x5CD0];
	[tilespmem:s10+$0x5CE0] =	vst v11  }
0x6c: {  	s11 =	sadd.s32 $0x200, s11;
	v13 =	vmul.f32 v13, v1;
	v11 =	vld [tilespmem:s8+$0x5CE0];
	[tilespmem:s10+$0x5CF0] =	vst v16;
	s10 =	smov.u32 s8  }
0x6d: {  	[tilespmem:s10+$0x5C80] =	vst v14;
	v12 =	vmul.f32 v12, v2;
	v14 =	vld [tilespmem:s10+$0x5CF0]  }
0x6e: {  	[tilespmem:s10+$0x5C90] =	vst v13;
	v10 =	vmul.f32 v10, v3  }
0x6f: {  	[tilespmem:s10+$0x5CA0] =	vst v12;
	v8 =	vmul.f32 v8, v4  }
0x70: {  	[tilespmem:s10+$0x5CB0] =	vst v10;
	v9 =	vmul.f32 v9, v5  }
0x71: {  	[tilespmem:s10+$0x5CC0] =	vst v8;
	v8 =	vmul.f32 v11, v6  }
0x72: {  	[tilespmem:s10+$0x5CD0] =	vst v9;
	v9 =	vmul.f32 v14, v7  }
0x73: {  	[tilespmem:s10+$0x5CE0] =	vst v8  }
0x74: {  	s8 =	simm.s32 $0x0;
	s16 =	rddreg [dreg:$0x7];
	[tilespmem:s10+$0x5CF0] =	vst v9  }
0x75: {  	[hbm4b:s16+s8] =	stream.linear.scatter [tilespmem:s21], [sflag:$0x7], $0x4000, $0x38;
	[tilespmem:$0x15C80] =	vst v63  }
0x76: {  	s17 =	simm.s32 $0x200  }
0x77: {  	[tilespmem:s30], [sflag:$0x5] =	stream.indirect.gather [hbm4b:s1+s19], $0x80, s17, s19, $0xb8;
	[tilespmem:$0x15C80] =	vst v63  }
0x78: {  	_ =	swait.ge [sflag:s31], $0x4000  }
0x79: {  	[sflag:s31] =	ssyncset.done $0x0  }
0x7a: {  	s10 =	simm.s32 $0x0;
	[sflag:s31] =	ssyncadd.s32 $0xFFFFC000  }
0x7b: {  	v11 =	vld [tilespmem:s10+$0x9C80]  }
0x7c: {  	v13 =	vld [tilespmem:s10+$0x9C90]  }
0x7d: {  	v12 =	vld [tilespmem:s10+$0x9CA0]  }
0x7e: {  	v10 =	vld [tilespmem:s10+$0x9CB0]  }
0x7f: {  	v8 =	vld [tilespmem:s10+$0x9CC0]  }
0x80: {  	v9 =	vld [tilespmem:s10+$0x9CD0];
	v14 =	vmul.f32 v11, v0  }
0x81: {  	s11 =	simm.s32 $0x200;
	v13 =	vmul.f32 v13, v1;
	v11 =	vld [tilespmem:s10+$0x9CE0]  }
.LBB2_6:
0x82: {  	s8 =	sshra.s32 s11, $0x2;
	p0 =	sne.s32 s11, $0xFE00;
	[tilespmem:s10+$0x9C80] =	vst v14;
	v12 =	vmul.f32 v12, v2;
	v14 =	vld [tilespmem:s10+$0x9CF0]  }
0x83: {  	v15 =	vld [tilespmem:s8+$0x9C80];
	[tilespmem:s10+$0x9C90] =	vst v13;
	v10 =	vmul.f32 v10, v3  }
0x84: {  	v13 =	vld [tilespmem:s8+$0x9C90];
	[tilespmem:s10+$0x9CA0] =	vst v12;
	v8 =	vmul.f32 v8, v4  }
.Ltmp4:
0x85: {  	v12 =	vld [tilespmem:s8+$0x9CA0];
	[tilespmem:s10+$0x9CB0] =	vst v10;
	v9 =	vmul.f32 v9, v5;
	(pc) =	sbr.rel @p0 .LBB2_6-.Ltmp4, $4  }
0x86: {  	v10 =	vld [tilespmem:s8+$0x9CB0];
	[tilespmem:s10+$0x9CC0] =	vst v8;
	v11 =	vmul.f32 v11, v6  }
0x87: {  	v8 =	vld [tilespmem:s8+$0x9CC0];
	[tilespmem:s10+$0x9CD0] =	vst v9;
	v16 =	vmul.f32 v14, v7  }
0x88: {  	v14 =	vmul.f32 v15, v0;
	v9 =	vld [tilespmem:s8+$0x9CD0];
	[tilespmem:s10+$0x9CE0] =	vst v11  }
0x89: {  	s11 =	sadd.s32 $0x200, s11;
	v13 =	vmul.f32 v13, v1;
	v11 =	vld [tilespmem:s8+$0x9CE0];
	[tilespmem:s10+$0x9CF0] =	vst v16;
	s10 =	smov.u32 s8  }
0x8a: {  	[tilespmem:s10+$0x9C80] =	vst v14;
	v12 =	vmul.f32 v12, v2;
	v14 =	vld [tilespmem:s10+$0x9CF0]  }
0x8b: {  	[tilespmem:s10+$0x9C90] =	vst v13;
	v10 =	vmul.f32 v10, v3  }
0x8c: {  	[tilespmem:s10+$0x9CA0] =	vst v12;
	v8 =	vmul.f32 v8, v4  }
0x8d: {  	[tilespmem:s10+$0x9CB0] =	vst v10;
	v9 =	vmul.f32 v9, v5  }
0x8e: {  	[tilespmem:s10+$0x9CC0] =	vst v8;
	v8 =	vmul.f32 v11, v6  }
0x8f: {  	[tilespmem:s10+$0x9CD0] =	vst v9;
	v9 =	vmul.f32 v14, v7  }
0x90: {  	[tilespmem:s10+$0x9CE0] =	vst v8  }
0x91: {  	s8 =	simm.s32 $0x0;
	s16 =	rddreg [dreg:$0x8];
	[tilespmem:s10+$0x9CF0] =	vst v9  }
0x92: {  	[hbm4b:s16+s8] =	stream.linear.scatter [tilespmem:s23], [sflag:$0x8], $0x4000, $0x38;
	[tilespmem:$0x15C80] =	vst v63  }
0x93: {  	_ =	swait.ge [sflag:s2], $0x4000  }
0x94: {  	[sflag:s2] =	ssyncset.done $0x0  }
0x95: {  	s17 =	simm.s32 $0x280;
	[sflag:s2] =	ssyncadd.s32 $0xFFFFC000  }
0x96: {  	[tilespmem:s20], [sflag:$0x1] =	stream.indirect.gather [hbm4b:s1+s19], $0x80, s17, s19, $0xb8;
	[tilespmem:$0x15C80] =	vst v63  }
0x97: {  	_ =	swait.ge [sflag:s3], $0x4000  }
0x98: {  	[sflag:s3] =	ssyncset.done $0x0  }
0x99: {  	s10 =	simm.s32 $0x0;
	[sflag:s3] =	ssyncadd.s32 $0xFFFFC000  }
0x9a: {  	v11 =	vld [tilespmem:s10+$0xDC80]  }
0x9b: {  	v13 =	vld [tilespmem:s10+$0xDC90]  }
0x9c: {  	v12 =	vld [tilespmem:s10+$0xDCA0]  }
0x9d: {  	v10 =	vld [tilespmem:s10+$0xDCB0]  }
0x9e: {  	v8 =	vld [tilespmem:s10+$0xDCC0]  }
0x9f: {  	v9 =	vld [tilespmem:s10+$0xDCD0];
	v14 =	vmul.f32 v11, v0  }
0xa0: {  	s11 =	simm.s32 $0x200;
	v13 =	vmul.f32 v13, v1;
	v11 =	vld [tilespmem:s10+$0xDCE0]  }
.LBB2_8:
0xa1: {  	s8 =	sshra.s32 s11, $0x2;
	p0 =	sne.s32 s11, $0xFE00;
	[tilespmem:s10+$0xDC80] =	vst v14;
	v12 =	vmul.f32 v12, v2;
	v14 =	vld [tilespmem:s10+$0xDCF0]  }
0xa2: {  	v15 =	vld [tilespmem:s8+$0xDC80];
	[tilespmem:s10+$0xDC90] =	vst v13;
	v10 =	vmul.f32 v10, v3  }
0xa3: {  	v13 =	vld [tilespmem:s8+$0xDC90];
	[tilespmem:s10+$0xDCA0] =	vst v12;
	v8 =	vmul.f32 v8, v4  }
.Ltmp5:
0xa4: {  	v12 =	vld [tilespmem:s8+$0xDCA0];
	[tilespmem:s10+$0xDCB0] =	vst v10;
	v9 =	vmul.f32 v9, v5;
	(pc) =	sbr.rel @p0 .LBB2_8-.Ltmp5, $4  }
0xa5: {  	v10 =	vld [tilespmem:s8+$0xDCB0];
	[tilespmem:s10+$0xDCC0] =	vst v8;
	v11 =	vmul.f32 v11, v6  }
0xa6: {  	v8 =	vld [tilespmem:s8+$0xDCC0];
	[tilespmem:s10+$0xDCD0] =	vst v9;
	v16 =	vmul.f32 v14, v7  }
0xa7: {  	v14 =	vmul.f32 v15, v0;
	v9 =	vld [tilespmem:s8+$0xDCD0];
	[tilespmem:s10+$0xDCE0] =	vst v11  }
0xa8: {  	s11 =	sadd.s32 $0x200, s11;
	v13 =	vmul.f32 v13, v1;
	v11 =	vld [tilespmem:s8+$0xDCE0];
	[tilespmem:s10+$0xDCF0] =	vst v16;
	s10 =	smov.u32 s8  }
0xa9: {  	[tilespmem:s10+$0xDC80] =	vst v14;
	v12 =	vmul.f32 v12, v2;
	v14 =	vld [tilespmem:s10+$0xDCF0]  }
0xaa: {  	[tilespmem:s10+$0xDC90] =	vst v13;
	v10 =	vmul.f32 v10, v3  }
0xab: {  	[tilespmem:s10+$0xDCA0] =	vst v12;
	v8 =	vmul.f32 v8, v4  }
0xac: {  	[tilespmem:s10+$0xDCB0] =	vst v10;
	v9 =	vmul.f32 v9, v5  }
0xad: {  	[tilespmem:s10+$0xDCC0] =	vst v8;
	v8 =	vmul.f32 v11, v6  }
0xae: {  	[tilespmem:s10+$0xDCD0] =	vst v9;
	v9 =	vmul.f32 v14, v7  }
0xaf: {  	[tilespmem:s10+$0xDCE0] =	vst v8  }
0xb0: {  	s8 =	simm.s32 $0x0;
	s16 =	rddreg [dreg:$0x9];
	[tilespmem:s10+$0xDCF0] =	vst v9  }
0xb1: {  	[hbm4b:s16+s8] =	stream.linear.scatter [tilespmem:s26], [sflag:$0x9], $0x4000, $0x38;
	[tilespmem:$0x15C80] =	vst v63  }
0xb2: {  	_ =	swait.ge [sflag:s18], $0x4000  }
0xb3: {  	[sflag:s18] =	ssyncset.done $0x0  }
0xb4: {  	s17 =	simm.s32 $0x300;
	[sflag:s18] =	ssyncadd.s32 $0xFFFFC000  }
0xb5: {  	[tilespmem:s21], [sflag:$0x2] =	stream.indirect.gather [hbm4b:s1+s19], $0x80, s17, s19, $0xb8;
	[tilespmem:$0x15C80] =	vst v63  }
0xb6: {  	_ =	swait.ge [sflag:s25], $0x4000  }
0xb7: {  	[sflag:s25] =	ssyncset.done $0x0  }
0xb8: {  	s10 =	simm.s32 $0x0;
	[sflag:s25] =	ssyncadd.s32 $0xFFFFC000  }
0xb9: {  	v11 =	vld [tilespmem:s10+$0x11C80]  }
0xba: {  	v13 =	vld [tilespmem:s10+$0x11C90]  }
0xbb: {  	v12 =	vld [tilespmem:s10+$0x11CA0]  }
0xbc: {  	v10 =	vld [tilespmem:s10+$0x11CB0]  }
0xbd: {  	v8 =	vld [tilespmem:s10+$0x11CC0]  }
0xbe: {  	v9 =	vld [tilespmem:s10+$0x11CD0];
	v14 =	vmul.f32 v11, v0  }
0xbf: {  	s11 =	simm.s32 $0x200;
	v13 =	vmul.f32 v13, v1;
	v11 =	vld [tilespmem:s10+$0x11CE0]  }
.LBB2_10:
0xc0: {  	s8 =	sshra.s32 s11, $0x2;
	p0 =	sne.s32 s11, $0xFE00;
	[tilespmem:s10+$0x11C80] =	vst v14;
	v12 =	vmul.f32 v12, v2;
	v14 =	vld [tilespmem:s10+$0x11CF0]  }
0xc1: {  	v15 =	vld [tilespmem:s8+$0x11C80];
	[tilespmem:s10+$0x11C90] =	vst v13;
	v10 =	vmul.f32 v10, v3  }
0xc2: {  	v13 =	vld [tilespmem:s8+$0x11C90];
	[tilespmem:s10+$0x11CA0] =	vst v12;
	v8 =	vmul.f32 v8, v4  }
.Ltmp6:
0xc3: {  	v12 =	vld [tilespmem:s8+$0x11CA0];
	[tilespmem:s10+$0x11CB0] =	vst v10;
	v9 =	vmul.f32 v9, v5;
	(pc) =	sbr.rel @p0 .LBB2_10-.Ltmp6, $4  }
0xc4: {  	v10 =	vld [tilespmem:s8+$0x11CB0];
	[tilespmem:s10+$0x11CC0] =	vst v8;
	v11 =	vmul.f32 v11, v6  }
0xc5: {  	v8 =	vld [tilespmem:s8+$0x11CC0];
	[tilespmem:s10+$0x11CD0] =	vst v9;
	v16 =	vmul.f32 v14, v7  }
0xc6: {  	v14 =	vmul.f32 v15, v0;
	v9 =	vld [tilespmem:s8+$0x11CD0];
	[tilespmem:s10+$0x11CE0] =	vst v11  }
0xc7: {  	s11 =	sadd.s32 $0x200, s11;
	v13 =	vmul.f32 v13, v1;
	v11 =	vld [tilespmem:s8+$0x11CE0];
	[tilespmem:s10+$0x11CF0] =	vst v16;
	s10 =	smov.u32 s8  }
0xc8: {  	[tilespmem:s10+$0x11C80] =	vst v14;
	v12 =	vmul.f32 v12, v2;
	v62 =	vld [tilespmem:s10+$0x11CF0]  }
0xc9: {  	[tilespmem:s10+$0x11C90] =	vst v13;
	v10 =	vmul.f32 v10, v3  }
0xca: {  	[tilespmem:s10+$0x11CA0] =	vst v12;
	v8 =	vmul.f32 v8, v4  }
0xcb: {  	[tilespmem:s10+$0x11CB0] =	vst v10;
	v9 =	vmul.f32 v9, v5  }
0xcc: {  	[tilespmem:s10+$0x11CC0] =	vst v8;
	v8 =	vmul.f32 v11, v6  }
0xcd: {  	[tilespmem:s10+$0x11CD0] =	vst v9;
	v63 =	vmul.f32 v62, v7  }
0xce: {  	[tilespmem:s10+$0x11CE0] =	vst v8  }
0xcf: {  	s8 =	rddreg [dreg:$0xa];
	[tilespmem:s10+$0x11CF0] =	vst v63  }
0xd0: {  	[hbm4b:s8+s5] =	stream.linear.scatter [tilespmem:s30], [sflag:$0xA], $0x4000, $0x38;
	[tilespmem:$0x15C80] =	vst v63  }
0xd1: {  	_ =	swait.ge [sflag:s29], $0x4000  }
0xd2: {  	[sflag:s29] =	ssyncset.done $0x0  }
0xd3: {  	s17 =	simm.s32 $0x380;
	s10 =	simm.s32 $0x1;
	[sflag:s29] =	ssyncadd.s32 $0xFFFFC000  }
0xd4: {  	[tilespmem:s23], [sflag:$0x3] =	stream.indirect.gather [hbm4b:s1+s19], $0x80, s17, s19, $0xb8;
	[tilespmem:$0x15C80] =	vst v63  }
.LBB2_12:
0xd5: {  	_ =	swait.ge [sflag:s24], $0x4000  }
0xd6: {  	[sflag:s24] =	ssyncset.done $0x0  }
0xd7: {  	s11 =	simm.s32 $0x0;
	[sflag:s24] =	ssyncadd.s32 $0xFFFFC000  }
0xd8: {  	v10 =	vld [tilespmem:s11+$0x1C80]  }
0xd9: {  	v13 =	vld [tilespmem:s11+$0x1C90]  }
0xda: {  	v12 =	vld [tilespmem:s11+$0x1CA0]  }
0xdb: {  	v11 =	vld [tilespmem:s11+$0x1CB0]  }
0xdc: {  	v8 =	vld [tilespmem:s11+$0x1CC0]  }
0xdd: {  	v9 =	vld [tilespmem:s11+$0x1CD0];
	v14 =	vmul.f32 v10, v0  }
0xde: {  	s12 =	simm.s32 $0x200;
	v13 =	vmul.f32 v13, v1;
	v10 =	vld [tilespmem:s11+$0x1CE0]  }
.LBB2_13:
0xdf: {  	s8 =	sshra.s32 s12, $0x2;
	p0 =	sne.s32 s12, $0xFE00;
	[tilespmem:s11+$0x1C80] =	vst v14;
	v12 =	vmul.f32 v12, v2;
	v14 =	vld [tilespmem:s11+$0x1CF0]  }
0xe0: {  	v15 =	vld [tilespmem:s8+$0x1C80];
	[tilespmem:s11+$0x1C90] =	vst v13;
	v11 =	vmul.f32 v11, v3  }
0xe1: {  	v13 =	vld [tilespmem:s8+$0x1C90];
	[tilespmem:s11+$0x1CA0] =	vst v12;
	v8 =	vmul.f32 v8, v4  }
.Ltmp7:
0xe2: {  	v12 =	vld [tilespmem:s8+$0x1CA0];
	[tilespmem:s11+$0x1CB0] =	vst v11;
	v9 =	vmul.f32 v9, v5;
	(pc) =	sbr.rel @p0 .LBB2_13-.Ltmp7, $4  }
0xe3: {  	v11 =	vld [tilespmem:s8+$0x1CB0];
	[tilespmem:s11+$0x1CC0] =	vst v8;
	v10 =	vmul.f32 v10, v6  }
0xe4: {  	v8 =	vld [tilespmem:s8+$0x1CC0];
	[tilespmem:s11+$0x1CD0] =	vst v9;
	v16 =	vmul.f32 v14, v7  }
0xe5: {  	v14 =	vmul.f32 v15, v0;
	v9 =	vld [tilespmem:s8+$0x1CD0];
	[tilespmem:s11+$0x1CE0] =	vst v10  }
0xe6: {  	s12 =	sadd.s32 $0x200, s12;
	v13 =	vmul.f32 v13, v1;
	v10 =	vld [tilespmem:s8+$0x1CE0];
	[tilespmem:s11+$0x1CF0] =	vst v16;
	s11 =	smov.u32 s8  }
0xe7: {  	[tilespmem:s11+$0x1C80] =	vst v14;
	v12 =	vmul.f32 v12, v2;
	v14 =	vld [tilespmem:s11+$0x1CF0]  }
0xe8: {  	[tilespmem:s11+$0x1C90] =	vst v13;
	v11 =	vmul.f32 v11, v3  }
0xe9: {  	[tilespmem:s11+$0x1CA0] =	vst v12;
	v8 =	vmul.f32 v8, v4  }
0xea: {  	s13 =	smul.u32 $0x280, s10;
	[tilespmem:s11+$0x1CB0] =	vst v11;
	v9 =	vmul.f32 v9, v5  }
0xeb: {  	[tilespmem:s11+$0x1CC0] =	vst v8;
	v8 =	vmul.f32 v10, v6  }
0xec: {  	s8 =	sadd.s32 s7, s13;
	[tilespmem:s11+$0x1CD0] =	vst v9;
	v9 =	vmul.f32 v14, v7  }
0xed: {  	s8 =	sshll.u32 s8, $0x4;
	[tilespmem:s11+$0x1CE0] =	vst v8  }
0xee: {  	s12 =	simm.s32 $0x0;
	s8 =	sadd.s32 s4, s8;
	[tilespmem:s11+$0x1CF0] =	vst v9;
	s11 =	smul.u32 $0x5, s10  }
0xef: {  	[hbm4b:s8+s12] =	stream.linear.scatter [tilespmem:s20], [sflag:$0x6], $0x4000, $0x38;
	[tilespmem:$0x15C80] =	vst v63  }
0xf0: {  	s12 =	sadd.s32 $0x3, s11;
	_ =	swait.ge [sflag:s22], $0x4000  }
0xf1: {  	[sflag:s22] =	ssyncset.done $0x0;
	s17 =	sshll.u32 s12, $0x7  }
0xf2: {  	[sflag:s22] =	ssyncadd.s32 $0xFFFFC000;
	s8 =	sand.u32 $0x3FFFFF80, s17  }
0xf3: {  	[tilespmem:s26], [sflag:$0x4] =	stream.indirect.gather [hbm4b:s1+s19], $0x80, s8, s19, $0xb8;
	[tilespmem:$0x15C80] =	vst v63  }
0xf4: {  	_ =	swait.ge [sflag:s28], $0x4000  }
0xf5: {  	[sflag:s28] =	ssyncset.done $0x0  }
0xf6: {  	s16 =	simm.s32 $0x0;
	[sflag:s28] =	ssyncadd.s32 $0xFFFFC000  }
0xf7: {  	v11 =	vld [tilespmem:s16+$0x5C80]  }
0xf8: {  	v13 =	vld [tilespmem:s16+$0x5C90]  }
0xf9: {  	v12 =	vld [tilespmem:s16+$0x5CA0]  }
0xfa: {  	v10 =	vld [tilespmem:s16+$0x5CB0]  }
0xfb: {  	v8 =	vld [tilespmem:s16+$0x5CC0]  }
0xfc: {  	v9 =	vld [tilespmem:s16+$0x5CD0];
	v14 =	vmul.f32 v11, v0  }
0xfd: {  	s8 =	simm.s32 $0x200;
	v13 =	vmul.f32 v13, v1;
	v11 =	vld [tilespmem:s16+$0x5CE0]  }
.LBB2_15:
0xfe: {  	s17 =	sshra.s32 s8, $0x2;
	p0 =	sne.s32 s8, $0xFE00;
	[tilespmem:s16+$0x5C80] =	vst v14;
	v12 =	vmul.f32 v12, v2;
	v14 =	vld [tilespmem:s16+$0x5CF0]  }
0xff: {  	v15 =	vld [tilespmem:s17+$0x5C80];
	[tilespmem:s16+$0x5C90] =	vst v13;
	v10 =	vmul.f32 v10, v3  }
0x100: {  	v13 =	vld [tilespmem:s17+$0x5C90];
	[tilespmem:s16+$0x5CA0] =	vst v12;
	v8 =	vmul.f32 v8, v4  }
.Ltmp8:
0x101: {  	v12 =	vld [tilespmem:s17+$0x5CA0];
	[tilespmem:s16+$0x5CB0] =	vst v10;
	v9 =	vmul.f32 v9, v5;
	(pc) =	sbr.rel @p0 .LBB2_15-.Ltmp8, $4  }
0x102: {  	v10 =	vld [tilespmem:s17+$0x5CB0];
	[tilespmem:s16+$0x5CC0] =	vst v8;
	v11 =	vmul.f32 v11, v6  }
0x103: {  	v8 =	vld [tilespmem:s17+$0x5CC0];
	[tilespmem:s16+$0x5CD0] =	vst v9;
	v16 =	vmul.f32 v14, v7  }
0x104: {  	v14 =	vmul.f32 v15, v0;
	v9 =	vld [tilespmem:s17+$0x5CD0];
	[tilespmem:s16+$0x5CE0] =	vst v11  }
0x105: {  	s8 =	sadd.s32 $0x200, s8;
	v13 =	vmul.f32 v13, v1;
	v11 =	vld [tilespmem:s17+$0x5CE0];
	[tilespmem:s16+$0x5CF0] =	vst v16;
	s16 =	smov.u32 s17  }
0x106: {  	[tilespmem:s16+$0x5C80] =	vst v14;
	v12 =	vmul.f32 v12, v2;
	v14 =	vld [tilespmem:s16+$0x5CF0]  }
0x107: {  	[tilespmem:s16+$0x5C90] =	vst v13;
	v10 =	vmul.f32 v10, v3  }
0x108: {  	[tilespmem:s16+$0x5CA0] =	vst v12;
	v8 =	vmul.f32 v8, v4  }
0x109: {  	[tilespmem:s16+$0x5CB0] =	vst v10;
	v9 =	vmul.f32 v9, v5  }
0x10a: {  	[tilespmem:s16+$0x5CC0] =	vst v8;
	v8 =	vmul.f32 v11, v6  }
0x10b: {  	s8 =	sadd.s32 s13, s14;
	[tilespmem:s16+$0x5CD0] =	vst v9;
	v9 =	vmul.f32 v14, v7  }
0x10c: {  	s8 =	sshll.u32 s8, $0x4;
	[tilespmem:s16+$0x5CE0] =	vst v8  }
0x10d: {  	s17 =	simm.s32 $0x0;
	s8 =	sadd.s32 s4, s8;
	[tilespmem:s16+$0x5CF0] =	vst v9  }
0x10e: {  	[hbm4b:s8+s17] =	stream.linear.scatter [tilespmem:s21], [sflag:$0x7], $0x4000, $0x38;
	[tilespmem:$0x15C80] =	vst v63  }
0x10f: {  	s11 =	sadd.s32 $0x4, s11;
	_ =	swait.ge [sflag:s0], $0x4000  }
0x110: {  	s17 =	sshll.u32 s11, $0x7;
	[sflag:s0] =	ssyncset.done $0x0  }
0x111: {  	s8 =	sand.u32 $0x3FFFFF80, s17;
	[sflag:s0] =	ssyncadd.s32 $0xFFFFC000  }
0x112: {  	[tilespmem:s30], [sflag:$0x5] =	stream.indirect.gather [hbm4b:s1+s19], $0x80, s8, s19, $0xb8;
	[tilespmem:$0x15C80] =	vst v63  }
0x113: {  	_ =	swait.ge [sflag:s31], $0x4000  }
0x114: {  	[sflag:s31] =	ssyncset.done $0x0  }
0x115: {  	s16 =	simm.s32 $0x0;
	[sflag:s31] =	ssyncadd.s32 $0xFFFFC000  }
0x116: {  	v11 =	vld [tilespmem:s16+$0x9C80]  }
0x117: {  	v13 =	vld [tilespmem:s16+$0x9C90]  }
0x118: {  	v12 =	vld [tilespmem:s16+$0x9CA0]  }
0x119: {  	v10 =	vld [tilespmem:s16+$0x9CB0]  }
0x11a: {  	v8 =	vld [tilespmem:s16+$0x9CC0]  }
0x11b: {  	v9 =	vld [tilespmem:s16+$0x9CD0];
	v14 =	vmul.f32 v11, v0  }
0x11c: {  	s8 =	simm.s32 $0x200;
	v13 =	vmul.f32 v13, v1;
	v11 =	vld [tilespmem:s16+$0x9CE0]  }
.LBB2_17:
0x11d: {  	s17 =	sshra.s32 s8, $0x2;
	p0 =	sne.s32 s8, $0xFE00;
	[tilespmem:s16+$0x9C80] =	vst v14;
	v12 =	vmul.f32 v12, v2;
	v14 =	vld [tilespmem:s16+$0x9CF0]  }
0x11e: {  	v15 =	vld [tilespmem:s17+$0x9C80];
	[tilespmem:s16+$0x9C90] =	vst v13;
	v10 =	vmul.f32 v10, v3  }
0x11f: {  	v13 =	vld [tilespmem:s17+$0x9C90];
	[tilespmem:s16+$0x9CA0] =	vst v12;
	v8 =	vmul.f32 v8, v4  }
.Ltmp9:
0x120: {  	v12 =	vld [tilespmem:s17+$0x9CA0];
	[tilespmem:s16+$0x9CB0] =	vst v10;
	v9 =	vmul.f32 v9, v5;
	(pc) =	sbr.rel @p0 .LBB2_17-.Ltmp9, $4  }
0x121: {  	v10 =	vld [tilespmem:s17+$0x9CB0];
	[tilespmem:s16+$0x9CC0] =	vst v8;
	v11 =	vmul.f32 v11, v6  }
0x122: {  	v8 =	vld [tilespmem:s17+$0x9CC0];
	[tilespmem:s16+$0x9CD0] =	vst v9;
	v16 =	vmul.f32 v14, v7  }
0x123: {  	v14 =	vmul.f32 v15, v0;
	v9 =	vld [tilespmem:s17+$0x9CD0];
	[tilespmem:s16+$0x9CE0] =	vst v11  }
0x124: {  	s8 =	sadd.s32 $0x200, s8;
	v13 =	vmul.f32 v13, v1;
	v11 =	vld [tilespmem:s17+$0x9CE0];
	[tilespmem:s16+$0x9CF0] =	vst v16;
	s16 =	smov.u32 s17  }
0x125: {  	[tilespmem:s16+$0x9C80] =	vst v14;
	v12 =	vmul.f32 v12, v2;
	v14 =	vld [tilespmem:s16+$0x9CF0]  }
0x126: {  	[tilespmem:s16+$0x9C90] =	vst v13;
	v10 =	vmul.f32 v10, v3  }
0x127: {  	[tilespmem:s16+$0x9CA0] =	vst v12;
	v8 =	vmul.f32 v8, v4  }
0x128: {  	[tilespmem:s16+$0x9CB0] =	vst v10;
	v9 =	vmul.f32 v9, v5  }
0x129: {  	[tilespmem:s16+$0x9CC0] =	vst v8;
	v8 =	vmul.f32 v11, v6  }
0x12a: {  	s8 =	sadd.s32 s13, s15;
	[tilespmem:s16+$0x9CD0] =	vst v9;
	v9 =	vmul.f32 v14, v7  }
0x12b: {  	s8 =	sshll.u32 s8, $0x4;
	[tilespmem:s16+$0x9CE0] =	vst v8  }
0x12c: {  	p0 =	seq.s32 s10, $0x9;
	s8 =	sadd.s32 s4, s8;
	[tilespmem:s16+$0x9CF0] =	vst v9  }
0x12d: {  	[hbm4b:s8+s5] =	stream.linear.scatter [tilespmem:s23], [sflag:$0x8], $0x4000, $0x38;
	[tilespmem:$0x15C80] =	vst v63  }
0x12e: {  	s13 =	smul.u32 @!p0 $0xA00, s10;
	s8 =	simm.s32 @!p0 $0x6  }
0x12f: {  	_ =	swait.ge @!p0 [sflag:s8], $0x4000  }
0x130: {  	s17 =	simm.s32 @!p0 $0x1C80;
	s13 =	sshra.s32 @!p0 s13, $0x2;
	[sflag:s8] =	ssyncset.done @!p0 $0x0  }
0x131: {  	s16 =	simm.s32 @!p0 $0x80;
	[sflag:s8] =	ssyncadd.s32 @!p0 $0xFFFFC000;
	s8 =	sadd.s32 @!p0 $0x280, s13  }
0x132: {  	[tilespmem:s17], [sflag:$0x1] =	stream.indirect.gather @!p0 [hbm4b:s1+s16], $0x80, s8, s16, $0xb8;
	[tilespmem:$0x15C80] =	vst v63  }
0x133: {  	_ =	swait.ge [sflag:s3], $0x4000  }
0x134: {  	[sflag:s3] =	ssyncset.done $0x0  }
0x135: {  	s16 =	simm.s32 $0x0;
	[sflag:s3] =	ssyncadd.s32 $0xFFFFC000  }
0x136: {  	v11 =	vld [tilespmem:s16+$0xDC80]  }
0x137: {  	v13 =	vld [tilespmem:s16+$0xDC90]  }
0x138: {  	v12 =	vld [tilespmem:s16+$0xDCA0]  }
0x139: {  	v10 =	vld [tilespmem:s16+$0xDCB0]  }
0x13a: {  	v8 =	vld [tilespmem:s16+$0xDCC0]  }
0x13b: {  	v9 =	vld [tilespmem:s16+$0xDCD0];
	v14 =	vmul.f32 v11, v0  }
0x13c: {  	s8 =	simm.s32 $0x200;
	v13 =	vmul.f32 v13, v1;
	v11 =	vld [tilespmem:s16+$0xDCE0]  }
.LBB2_19:
0x13d: {  	s17 =	sshra.s32 s8, $0x2;
	p1 =	sne.s32 s8, $0xFE00;
	[tilespmem:s16+$0xDC80] =	vst v14;
	v12 =	vmul.f32 v12, v2;
	v14 =	vld [tilespmem:s16+$0xDCF0]  }
0x13e: {  	v15 =	vld [tilespmem:s17+$0xDC80];
	[tilespmem:s16+$0xDC90] =	vst v13;
	v10 =	vmul.f32 v10, v3  }
0x13f: {  	v13 =	vld [tilespmem:s17+$0xDC90];
	[tilespmem:s16+$0xDCA0] =	vst v12;
	v8 =	vmul.f32 v8, v4  }
.Ltmp10:
0x140: {  	v12 =	vld [tilespmem:s17+$0xDCA0];
	[tilespmem:s16+$0xDCB0] =	vst v10;
	v9 =	vmul.f32 v9, v5;
	(pc) =	sbr.rel @p1 .LBB2_19-.Ltmp10, $4  }
0x141: {  	v10 =	vld [tilespmem:s17+$0xDCB0];
	[tilespmem:s16+$0xDCC0] =	vst v8;
	v11 =	vmul.f32 v11, v6  }
0x142: {  	v8 =	vld [tilespmem:s17+$0xDCC0];
	[tilespmem:s16+$0xDCD0] =	vst v9;
	v16 =	vmul.f32 v14, v7  }
0x143: {  	v14 =	vmul.f32 v15, v0;
	v9 =	vld [tilespmem:s17+$0xDCD0];
	[tilespmem:s16+$0xDCE0] =	vst v11  }
0x144: {  	s8 =	sadd.s32 $0x200, s8;
	v13 =	vmul.f32 v13, v1;
	v11 =	vld [tilespmem:s17+$0xDCE0];
	[tilespmem:s16+$0xDCF0] =	vst v16;
	s16 =	smov.u32 s17  }
0x145: {  	[tilespmem:s16+$0xDC80] =	vst v14;
	v12 =	vmul.f32 v12, v2;
	v14 =	vld [tilespmem:s16+$0xDCF0]  }
0x146: {  	[tilespmem:s16+$0xDC90] =	vst v13;
	v10 =	vmul.f32 v10, v3  }
0x147: {  	[tilespmem:s16+$0xDCA0] =	vst v12;
	v8 =	vmul.f32 v8, v4  }
0x148: {  	[tilespmem:s16+$0xDCB0] =	vst v10;
	v9 =	vmul.f32 v9, v5  }
0x149: {  	s8 =	sshll.u32 s12, $0xE;
	[tilespmem:s16+$0xDCC0] =	vst v8;
	v8 =	vmul.f32 v11, v6  }
0x14a: {  	s8 =	sadd.s32 s6, s8;
	[tilespmem:s16+$0xDCD0] =	vst v9;
	v9 =	vmul.f32 v14, v7  }
0x14b: {  	s8 =	sshrl.u32 s8, $0x3;
	[tilespmem:s16+$0xDCE0] =	vst v8  }
0x14c: {  	s8 =	sadd.s32 s4, s8;
	[tilespmem:s16+$0xDCF0] =	vst v9  }
0x14d: {  	[hbm4b:s8+s5] =	stream.linear.scatter [tilespmem:s26], [sflag:$0x9], $0x4000, $0x38;
	[tilespmem:$0x15C80] =	vst v63  }
0x14e: {  	s8 =	simm.s32 @!p0 $0x7  }
0x14f: {  	_ =	swait.ge @!p0 [sflag:s8], $0x4000  }
0x150: {  	s12 =	simm.s32 @!p0 $0x80;
	[sflag:s8] =	ssyncset.done @!p0 $0x0  }
0x151: {  	[sflag:s8] =	ssyncadd.s32 @!p0 $0xFFFFC000;
	s8 =	sadd.s32 @!p0 $0x300, s13;
	s13 =	simm.s32 @!p0 $0x5C80  }
0x152: {  	[tilespmem:s13], [sflag:$0x2] =	stream.indirect.gather @!p0 [hbm4b:s1+s12], $0x80, s8, s12, $0xb8;
	[tilespmem:$0x15C80] =	vst v63  }
0x153: {  	_ =	swait.ge [sflag:s25], $0x4000  }
0x154: {  	[sflag:s25] =	ssyncset.done $0x0  }
0x155: {  	s12 =	simm.s32 $0x0;
	[sflag:s25] =	ssyncadd.s32 $0xFFFFC000  }
0x156: {  	v11 =	vld [tilespmem:s12+$0x11C80]  }
0x157: {  	v13 =	vld [tilespmem:s12+$0x11C90]  }
0x158: {  	v12 =	vld [tilespmem:s12+$0x11CA0]  }
0x159: {  	v10 =	vld [tilespmem:s12+$0x11CB0]  }
0x15a: {  	v8 =	vld [tilespmem:s12+$0x11CC0]  }
0x15b: {  	v9 =	vld [tilespmem:s12+$0x11CD0];
	v14 =	vmul.f32 v11, v0  }
0x15c: {  	s8 =	simm.s32 $0x200;
	v13 =	vmul.f32 v13, v1;
	v11 =	vld [tilespmem:s12+$0x11CE0]  }
.LBB2_21:
0x15d: {  	s13 =	sshra.s32 s8, $0x2;
	p1 =	sne.s32 s8, $0xFE00;
	[tilespmem:s12+$0x11C80] =	vst v14;
	v12 =	vmul.f32 v12, v2;
	v14 =	vld [tilespmem:s12+$0x11CF0]  }
0x15e: {  	v15 =	vld [tilespmem:s13+$0x11C80];
	[tilespmem:s12+$0x11C90] =	vst v13;
	v10 =	vmul.f32 v10, v3  }
0x15f: {  	v13 =	vld [tilespmem:s13+$0x11C90];
	[tilespmem:s12+$0x11CA0] =	vst v12;
	v8 =	vmul.f32 v8, v4  }
.Ltmp11:
0x160: {  	v12 =	vld [tilespmem:s13+$0x11CA0];
	[tilespmem:s12+$0x11CB0] =	vst v10;
	v9 =	vmul.f32 v9, v5;
	(pc) =	sbr.rel @p1 .LBB2_21-.Ltmp11, $4  }
0x161: {  	v10 =	vld [tilespmem:s13+$0x11CB0];
	[tilespmem:s12+$0x11CC0] =	vst v8;
	v11 =	vmul.f32 v11, v6  }
0x162: {  	v8 =	vld [tilespmem:s13+$0x11CC0];
	[tilespmem:s12+$0x11CD0] =	vst v9;
	v16 =	vmul.f32 v14, v7  }
0x163: {  	v14 =	vmul.f32 v15, v0;
	v9 =	vld [tilespmem:s13+$0x11CD0];
	[tilespmem:s12+$0x11CE0] =	vst v11  }
0x164: {  	s8 =	sadd.s32 $0x200, s8;
	v13 =	vmul.f32 v13, v1;
	v11 =	vld [tilespmem:s13+$0x11CE0];
	[tilespmem:s12+$0x11CF0] =	vst v16;
	s12 =	smov.u32 s13  }
0x165: {  	[tilespmem:s12+$0x11C80] =	vst v14;
	v12 =	vmul.f32 v12, v2;
	v62 =	vld [tilespmem:s12+$0x11CF0]  }
0x166: {  	[tilespmem:s12+$0x11C90] =	vst v13;
	v10 =	vmul.f32 v10, v3  }
0x167: {  	[tilespmem:s12+$0x11CA0] =	vst v12;
	v8 =	vmul.f32 v8, v4  }
0x168: {  	[tilespmem:s12+$0x11CB0] =	vst v10;
	v9 =	vmul.f32 v9, v5  }
.Ltmp12:
0x169: {  	s8 =	sshll.u32 s11, $0xE;
	[tilespmem:s12+$0x11CC0] =	vst v8;
	v8 =	vmul.f32 v11, v6;
	(pc) =	sbr.rel @p0 .LBB2_24-.Ltmp12, $4  }
0x16a: {  	s8 =	sadd.s32 s6, s8;
	[tilespmem:s12+$0x11CD0] =	vst v9;
	v63 =	vmul.f32 v62, v7  }
0x16b: {  	s8 =	sshrl.u32 s8, $0x3;
	[tilespmem:s12+$0x11CE0] =	vst v8  }
0x16c: {  	s8 =	sadd.s32 s4, s8;
	[tilespmem:s12+$0x11CF0] =	vst v63  }
0x16d: {  	[hbm4b:s8+s5] =	stream.linear.scatter [tilespmem:s30], [sflag:$0xA], $0x4000, $0x38;
	[tilespmem:$0x15C80] =	vst v63  }
0x16e: {  	s8 =	smul.u32 $0xA00, s10  }
.Ltmp13:
0x16f: {  	_ = 	snop;
	(pc) =	sbr.rel .LBB2_12-.Ltmp13, $4  }
0x170: {  	_ =	swait.ge [sflag:s29], $0x4000  }
0x171: {  	[sflag:s29] =	ssyncset.done $0x0;
	s8 =	sshra.s32 s8, $0x2  }
0x172: {  	s10 =	sadd.s32 $0x1, s10;
	[sflag:s29] =	ssyncadd.s32 $0xFFFFC000;
	s8 =	sadd.s32 $0x380, s8  }
0x173: {  	[tilespmem:s23], [sflag:$0x3] =	stream.indirect.gather [hbm4b:s1+s19], $0x80, s8, s19, $0xb8;
	[tilespmem:$0x15C80] =	vst v63  }
.LBB2_25:
0x174: {  	_ =	sfence.sel $0x180000  }
0x175: {  	[bflag:$0x0] =	sbarrier.arrive $0xFFFF  }
0x176: {  	_ =	strace $0x90000047  }
0x177: {  	s0 =	stileid.u32;
	[bflag:$0x2] =	sbarrier.arrive $0xFFFF  }
0x178: {  	p0 =	sne.s32 s0, $0x0;
	s0 =	rddreg [dreg:$0x4]  }
0x179: {  	s0 =	sadd.s32 @!p0 $0x100000, s0  }
0x17a: {  	[sflag:s0] =	ssyncadd.tile.s32 @!p0 $0x1;
	_ =	shalt  }
.Lfunc_end2:
_tile_overlayer_lowered:
.L_overlay_start_2:
0x17b: {  	(tag) =	ssettag $0x2  }
0x17c: {  	s0 =	rddreg [dreg:$0x0];
	s2 =	stileid.u32  }
0x17d: {  	s1 =	rddreg [dreg:$0x1];
	p0 =	sne.s32 s2, $0x0  }
0x17e: {  	s3 =	rddreg [dreg:$0x2];
	[bflag:$0x3] =	sbarrier.arrive $0xFFFF;
	s2 =	simm.s32 @!p0 $0x1C0B  }
0x17f: {  	[timem:s3], [sflag:s2] =	dma.local @!p0 [hbm:s0], s1  }
0x180: {  	s0 =	simm.s32 @!p0 $0xB  }
0x181: {  	_ =	swait.ge @!p0 [sflag:s0], s1  }
0x182: {  	s1 =	ssub.s32 @!p0 $0x0, s1;
	[sflag:s0] =	ssyncset.done @!p0 $0x0  }
0x183: {  	[sflag:s0] =	ssyncadd.s32 @!p0 s1  }
0x184: {  	[bflag:$0x3] =	sbarrier.arrive $0xFFFF  }
0x185: {  	_ =	shalt  }

// kernel: sparse-core-data-format-call.cloned.1.call-start
scs
called_computation_lowered:
.L_overlay_start_0:
0x0: {  	s2 =	sld [smem:$0x3FD9]  }
0x1: {  	s3 =	sld [smem:$0x3FFE];
	_ =	sdelay $0x1  }
0x2: {  	s1 =	srdreg.scid  }
0x3: {  	s0 =	sand.u32 $0x1, s1  }
0x4: {  	s18 =	sshll.u32 s0, $0xA;
	s2 =	sadd.s32 s3, s2  }
0x5: {  	s2 =	sadd.s32 s2, s18  }
0x6: {  	[smem:$0x3FC5] =	sst s2  }
0x7: {  	_ = 	snop  }
0x8: {  	s2 =	sld [smem:$0x3FD0];
	(tm) =	ssettm $0x1  }
0x9: {  	s19 =	sld [smem:$0x3FFB];
	_ =	sdelay $0x3  }
0xa: {  	_ =	strace s19  }
0xb: {  	s3 =	sld [smem:$0x3FFC];
	_ =	sdelay $0x3  }
0xc: {  	_ =	strace s3  }
0xd: {  	s3 =	sld [smem:$0x3FFD];
	_ =	sdelay $0x3  }
0xe: {  	_ =	strace s3  }
0xf: {  	_ =	strace $0x8FFFFFFF  }
0x10: {  	s20 =	sld [smem:$0x3FDB];
	_ =	sdelay $0x1  }
0x11: {  	s4 =	simm.s32 $_scs_section_size  }
0x12: {  	s5 =	simm.s32 $_size__tile_overlayer_lowered;
	s6 =	simm.s32 $_tile_overlayer_lowered  }
0x13: {  	s23 =	simm.s32 $0x1BFF;
	s22 =	sshll.u32 s6, $0x1;
	s3 =	sadd.s32 s4, s20  }
0x14: {  	s7 =	simm.s32 $0x0;
	s21 =	sshll.u32 s5, $0x1;
	s5 =	sadd.s32 s22, s3  }
0x15: {  	[timem:s7], [sflag:s23] =	dma.local [hbm:s5], s21  }
0x16: {  	_ =	swait.ge [sflag:s23], s21  }
0x17: {  	s4 =	ssub.s32 $0x0, s21;
	[sflag:s23] =	ssyncset.done $0x0  }
0x18: {  	[sflag:s23] =	ssyncadd.s32 s4;
	_ =	sdelay $0x1  }
0x19: {  	s24 =	simm.s32 $0x1B8B  }
0x1a: {  	_ =	swait.ge [sflag:s24], $0x1  }
0x1b: {  	[sflag:s24] =	ssyncset.done $0x0  }
0x1c: {  	s26 =	simm.s32 $0x1B8E;
	s25 =	sld [smem:$0x3FFE];
	[sflag:s24] =	ssyncadd.s32 $0xFFFFFFFF  }
0x1d: {  	s27 =	simm.s32 $execute0_lowered;
	[smem:$0x3FD2] =	sst s26  }
0x1e: {  	s5 =	sshll.u32 s27, $0x1;
	_ =	strace $0x80000049;
	[dreg:$0x1] =	wrdreg $0xFFFFFFFF  }
0x1f: {  	s28 =	simm.s32 $_size_execute0_lowered;
	s3 =	sadd.s32 s3, s5;
	[dreg:$0x0] =	wrdreg $0x0  }
0x20: {  	s5 =	sshll.u32 s28, $0x1;
	[dreg:$0x2] =	wrdreg s3  }
0x21: {  	[dreg:$0x3] =	wrdreg s5  }
0x22: {  	[dreg:$0x4] =	wrdreg $0xC0  }
0x23: {  	_ =	task [dreg:s7], $0x5FFFF  }
0x24: {  	[dreg:$0x1] =	wrdreg $0xFFFFFFFF  }
0x25: {  	[dreg:$0x0] =	wrdreg $0x60  }
0x26: {  	[dreg:$0x2] =	wrdreg s25  }
0x27: {  	[dreg:$0x3] =	wrdreg s2  }
0x28: {  	[dreg:$0x4] =	wrdreg $0x9  }
0x29: {  	_ =	task.clear_ibuf [dreg:s7], $0x5FFFF;
	_ =	strace $0x90000049  }
0x2a: {  	s29 =	simm.s32 $0x9;
	_ =	strace $0x8000004B  }
0x2b: {  	_ =	swait.ge [sflag:s29], $0x1  }
0x2c: {  	[sflag:s29] =	ssyncadd.s32 $0xFFFFFFFF  }
0x2d: {  	_ =	strace $0x9000004B  }
0x2e: {  	_ =	sfence  }
0x2f: {  	s30 =	sld [smem:$0x0];
	_ =	sdelay $0x2  }
0x30: {  	s31 =	sshll.u32 s1, $0xD;
	s1 =	sshrl.u32 s1, $0x2  }
0x31: {  	s3 =	sand.u32 $0x4000, s31;
	s1 =	sadd.s32 s1, s30  }
0x32: {  	s0 =	sor.u32 s3, s0;
	s1 =	sshll.u32 s1, $0x11  }
0x33: {  	s0 =	sor.u32 s1, s0  }
0x34: {  	s0 =	sadd.s32 $0x8F2B, s0  }
0x35: {  	[sflag:s0] =	ssyncadd.remote.s32 $0x1  }
0x36: {  	_ =	sfence.sel $0xFFFF  }
0x37: {  	[dreg:$0x0] =	wrdreg $0xFFFFFFFF;
	(pc) =	sbr.abs _section_cstart, $3  }
0x38: {  	[dreg:$0x1] =	wrdreg $0xFFFFFFFF  }
0x39: {  	_ =	task.clear_ibuf [dreg:s7], $0x2FFFF;
	_ =	strace $0x9FFFFFFF  }
0x3a: {  	(tm) =	ssettm $0x7FFFFFFF  }
0x3b: {  	_ =	shalt  }
tec
execute0_lowered:
.L_overlay_start_1:
0x0: {  	(tag) =	ssettag $0x1  }
0x1: {  	s0 =	srdreg.scid  }
0x2: {  	s1 =	sshll.u32 s0, $0x4  }
0x3: {  	s0 =	stileid.u32;
	s1 =	sand.u32 $0x10, s1  }
0x4: {  	s1 =	sor.u32 s0, s1  }
0x5: {  	s6 =	rddreg [dreg:$0x0];
	s4 =	simm.s32 $0x1;
	s2 =	sshll.u32 s1, $0x6  }
0x6: {  	s7 =	simm.s32 $0x2;
	s13 =	simm.s32 $0x0;
	s1 =	ssub.s32 $0x1000, s2  }
0x7: {  	s8 =	simm.s32 $0x2000;
	s9 =	simm.s32 $0x80000;
	s3 =	sand.u32 $0x7C0, s1  }
0x8: {  	s14 =	simm.s32 $0x0;
	s5 =	sshrl.u32 s1, $0xB;
	p0 =	sne.s32 s3, $0x0  }
.Ltmp0:
0x9: {  	s1 =	rddreg [dreg:$0x2];
	s4 =	simm.s32 @!p0 $0x0;
	(pc) =	sbr.rel .LBB1_1-.Ltmp0, $4  }
0xa: {  	s10 =	simm.s32 $0x0;
	s3 =	rddreg [dreg:$0x1];
	s5 =	sadd.s32 s4, s5  }
0xb: {  	_ =	strace $0x8000004A;
	s4 =	simm.s32 $0x1;
	s5 =	smul.u32 $0x19, s5  }
0xc: {  	s12 =	simm.s32 $0x0;
	s6 =	sadd.s32 $0x800, s6;
	[sflag:s4] =	ssyncpa.u1 $0x0  }
0xd: {  	s11 =	smov.u32 s2;
	[sflag:s7] =	ssyncpa.u1 $0x0;
	s7 =	sadd.s32 $0x1, s5  }
.LBB1_7:
0xe: {  	s15 =	sadd.s32 $0x2, s10  }
0xf: {  	s13 =	sadd.s32 $0x800, s11;
	s17 =	smov.u32 s11;
	p1 =	sgt.s32 s15, $0x31  }
0x10: {  	s17 =	smov.u32 @p1 s13  }
0x11: {  	s15 =	simm.s32 @p1 $0x0;
	p1 =	sgt.s32 s17, $0xFFF  }
0x12: {  	s17 =	smov.u32 @p1 s2;
	p1 =	sne.s32 s12, s7  }
.Ltmp1:
0x13: {  	p0 =	slt.u32 s12, $0x2;
	(pc) =	sbr.rel @!p1 .LBB1_8-.Ltmp1, $4  }
0x14: {  	s16 =	simm.s32 @!p0 $0x2  }
0x15: {  	s14 =	smov.u32 s11;
	_ =	swait.ge @!p0 [sflag:s16], $0x4000  }
0x16: {  	s13 =	smov.u32 s10;
	[sflag:s16] =	ssyncset.done @!p0 $0x0;
	s10 =	smov.u32 s15  }
0x17: {  	s12 =	sadd.s32 $0x1, s12;
	[sflag:s16] =	ssyncadd.s32 @!p0 $0xFFFFC000;
	s11 =	smov.u32 s17  }
.LBB1_1:
0x18: {  	p0 =	sge.u32 s12, s5  }
0x19: {  	s15 =	sand.u32 @!p0 $0x1FFFFFF, s10  }
0x1a: {  	s16 =	smulhi.u32 @!p0 $0x4924925, s15;
	_ =	sdelay $0x1  }
0x1b: {  	s16 =	smul.u32 @!p0 $0x38, s16  }
0x1c: {  	s17 =	sxor.u32 @!p0 $0xFFFFFFFF, s12;
	s18 =	smul.u32 @!p0 $0x380, s11  }
0x1d: {  	s31 =	sadd.s32 $0xFFFFFFFF, s12;
	s17 =	sshll.u32 @!p0 s17, $0xE;
	s15 =	ssub.s32 @!p0 s15, s16  }
0x1e: {  	s16 =	sand.u32 @!p0 $0x4000, s17;
	s17 =	sadd.s32 @!p0 s6, s18;
	s15 =	sshll.u32 @!p0 s15, $0x4  }
0x1f: {  	s18 =	simm.s32 @!p0 $0x1C00;
	s15 =	sadd.s32 @!p0 s15, s17;
	s17 =	simm.s32 @!p0 $0x100  }
0x20: {  	[tilespmem:s16], [sflag:$0x1] =	stream.strided.gather @!p0 [hbm4b:s15+s17], $0x4000, s18, s17, $0x38;
	[tilespmem:$0x10000] =	vst v63  }
0x21: {  	p0 =	sge.u32 s31, s5  }
.Ltmp2:
0x22: {  	_ = 	snop;
	(pc) =	sbr.rel @p0 .LBB1_7-.Ltmp2, $1  }
0x23: {  	_ =	sdelay $0x3  }
0x24: {  	_ =	swait.ge [sflag:s4], $0x4000;
	s15 =	sshll.u32 s12, $0xE  }
0x25: {  	[sflag:s4] =	ssyncset.done $0x0;
	s16 =	sand.u32 $0x4000, s15  }
0x26: {  	s17 =	simm.s32 $0x0;
	[sflag:s4] =	ssyncadd.s32 $0xFFFFC000;
	s15 =	sor.u32 $0x8000, s16  }
.LBB1_3:
0x27: {  	s18 =	sshll.u32 s17, $0x8  }
0x28: {  	s18 =	sand.u32 $0x3FFFFF00, s18  }
0x29: {  	s19 =	sshll.u32 s17, $0x7;
	s18 =	sadd.s32 s18, s16  }
0x2a: {  	s19 =	sand.u32 $0x3FFFFF80, s19;
	v0 =	vmov s18  }
0x2b: {  	s19 =	sadd.s32 s19, s15  }
0x2c: {  	p0 =	por $0x1, $0x1;
	v1 =	vmov s19;
	s18 =	simm.s32 $0x0  }
.LBB1_4:
0x2d: {  	s19 =	sshll.u32 s18, $0x7  }
0x2e: {  	s19 =	sand.u32 $0x3FFFFF80, s19  }
0x2f: {  	v2 =	vld.idx.msk [tilespmem:v0+s19+$0x0 ss:$0x1], $0xffff  }
0x30: {  	v3 =	vld.idx.msk [tilespmem:v0+s19+$0x10 ss:$0x1], $0xffff  }
0x31: {  	v4 =	vld.idx.msk [tilespmem:v0+s19+$0x20 ss:$0x1], $0xffff  }
0x32: {  	s31 =	sshll.u32 s18, $0xD;
	v5 =	vld.idx.msk [tilespmem:v0+s19+$0x30 ss:$0x1], $0xffff  }
0x33: {  	s18 =	sand.u32 $0x3FFFE000, s31;
	v6 =	vld.idx.msk [tilespmem:v0+s19+$0x40 ss:$0x1], $0xffff  }
0x34: {  	v63 =	vld.idx.msk [tilespmem:v0+s19+$0x70 ss:$0x1], $0xffff;
	[tilespmem:v1+s18+$0x0 ss:$0x1] =	vst.idx.msk $0xffff, v2  }
0x35: {  	v2 =	vld.idx.msk [tilespmem:v0+s19+$0x50 ss:$0x1], $0xffff;
	[tilespmem:v1+s18+$0x10 ss:$0x1] =	vst.idx.msk $0xffff, v3  }
0x36: {  	p1 =	por p0, p0;
	v3 =	vld.idx.msk [tilespmem:v0+s19+$0x60 ss:$0x1], $0xffff;
	[tilespmem:v1+s18+$0x20 ss:$0x1] =	vst.idx.msk $0xffff, v4  }
.Ltmp3:
0x37: {  	[tilespmem:v1+s18+$0x30 ss:$0x1] =	vst.idx.msk $0xffff, v5;
	(pc) =	sbr.rel @p1 .LBB1_4-.Ltmp3, $4  }
0x38: {  	[tilespmem:v1+s18+$0x40 ss:$0x1] =	vst.idx.msk $0xffff, v6  }
0x39: {  	[tilespmem:v1+s18+$0x70 ss:$0x1] =	vst.idx.msk $0xffff, v63  }
0x3a: {  	[tilespmem:v1+s18+$0x50 ss:$0x1] =	vst.idx.msk $0xffff, v2  }
0x3b: {  	p0 =	por $0x0, $0x0;
	[tilespmem:v1+s18+$0x60 ss:$0x1] =	vst.idx.msk $0xffff, v3;
	s18 =	simm.s32 $0x1  }
0x3c: {  	s17 =	sadd.s32 $0x1, s17  }
0x3d: {  	p0 =	sne.s32 s17, $0x40  }
.Ltmp4:
0x3e: {  	_ = 	snop;
	(pc) =	sbr.rel @p0 .LBB1_3-.Ltmp4, $1  }
0x3f: {  	_ =	sdelay $0x3  }
.Ltmp5:
0x40: {  	s14 =	sshll.u32 s14, $0x4;
	(pc) =	sbr.rel .LBB1_7-.Ltmp5, $4  }
0x41: {  	s14 =	sand.u32 $0xFFF0, s14  }
0x42: {  	s13 =	sshll.u32 s13, $0x10;
	s14 =	sadd.s32 s3, s14  }
0x43: {  	s13 =	sadd.s32 s13, s14  }
0x44: {  	[hbm4b:s13+s8] =	stream.strided.scatter [tilespmem:s15], [sflag:$0x2], $0x4000, s9, s8, $0x38;
	[tilespmem:$0x10000] =	vst v63  }
.LBB1_8:
0x45: {  	_ =	sfence.sel $0x180000  }
0x46: {  	s2 =	simm.s32 $0x1;
	[bflag:$0x0] =	sbarrier.arrive $0xFFFF  }
0x47: {  	s31 =	simm.s32 $0x2;
	[sflag:s2] =	ssyncpa.u1 $0x1  }
0x48: {  	[sflag:s31] =	ssyncpa.u1 $0x1  }
0x49: {  	p0 =	sne.s32 s0, $0x0;
	_ =	strace $0x9000004A  }
0x4a: {  	s0 =	sadd.s32 @!p0 $0x100000, s1;
	[bflag:$0x2] =	sbarrier.arrive $0xFFFF  }
0x4b: {  	[sflag:s0] =	ssyncadd.tile.s32 @!p0 $0x1;
	_ =	shalt  }
.Lfunc_end1:
_tile_overlayer_lowered:
.L_overlay_start_2:
0x4c: {  	(tag) =	ssettag $0x2  }
0x4d: {  	s0 =	rddreg [dreg:$0x0];
	s2 =	stileid.u32  }
0x4e: {  	s1 =	rddreg [dreg:$0x1];
	p0 =	sne.s32 s2, $0x0  }
0x4f: {  	s3 =	rddreg [dreg:$0x2];
	[bflag:$0x3] =	sbarrier.arrive $0xFFFF;
	s2 =	simm.s32 @!p0 $0x1C01  }
0x50: {  	[timem:s3], [sflag:s2] =	dma.local @!p0 [hbm:s0], s1  }
0x51: {  	s0 =	simm.s32 @!p0 $0x1  }
0x52: {  	_ =	swait.ge @!p0 [sflag:s0], s1  }
0x53: {  	s1 =	ssub.s32 @!p0 $0x0, s1;
	[sflag:s0] =	ssyncset.done @!p0 $0x0  }
0x54: {  	[sflag:s0] =	ssyncadd.s32 @!p0 s1  }
0x55: {  	[bflag:$0x3] =	sbarrier.arrive $0xFFFF  }
0x56: {  	_ =	shalt  }

</sc_bundles>
